<compile_context>
chip_gen: v7x
topology: tpu7x:2x2x1
jax: 0.10.2.dev20260603
libtpu: 0.0.44.dev20260713+nightly
codegen_flags: <defaults>
</compile_context>

<pallas_src>
import functools

import jax
import jax.numpy as jnp
from jax import lax
from jax.experimental import pallas as pl
from jax.experimental.pallas import tpu as pltpu
from jax.experimental.pallas import tpu_sc as plsc

U = 32
N = 16384
NNZ = 268435
EPS = 1e-10

NNZ_PAD = 294912
E1 = NNZ_PAD // 16
E4 = NNZ_PAD // 32
N_PAD = N + 256
RPW = N_PAD // 16
SUB = 256
TAIL = NNZ % SUB
IDXW = 128


def _mesh():
    return plsc.VectorSubcoreMesh(core_axis_name="c", subcore_axis_name="s")


def _sum_scatter_phase(vals_h, cids_h, rids_h, z32_h):
    f32 = jnp.float32

    @functools.partial(
        pl.kernel,
        mesh=_mesh(),
        compiler_params=pltpu.CompilerParams(use_tc_tiling_on_sc=False),
        out_type=jax.ShapeDtypeStruct((2, N_PAD, U), f32),
        scratch_types=[
            pltpu.VMEM((2, SUB, U), f32),
            pltpu.VMEM((4, IDXW), jnp.int32),
            pltpu.VMEM_SHARED((N_PAD, U), f32),
            pltpu.SemaphoreType.DMA,
        ],
    )
    def scat(vals, cids, rids, z32, sum_o, vbuf, ib, sum_sh, ssem):
        c = lax.axis_index("c")
        s = lax.axis_index("s")
        r0 = s * RPW
        pltpu.sync_copy(z32, sum_sh.at[pl.ds(r0, RPW)])
        plsc.subcore_barrier()

        ebase = s * E1
        nch = E1 // 512

        def chunk(k, carry):
            gb = pl.multiple_of(ebase + k * 512, 512)
            crow = pl.multiple_of(gb // IDXW, 4)

            @pl.when(c == 0)
            def _():
                pltpu.sync_copy(cids.at[pl.ds(crow, 4)], ib)

            @pl.when(c == 1)
            def _():
                pltpu.sync_copy(rids.at[pl.ds(crow, 4)], ib)

            for h in range(2):
                sb = pl.multiple_of(gb + h * SUB, SUB)

                @pl.when(sb + SUB <= NNZ)
                def _():
                    pltpu.sync_copy(vals.at[pl.ds(sb, SUB)], vbuf.at[h])

                @pl.when(jnp.logical_and(sb < NNZ, sb + SUB > NNZ))
                def _():
                    pltpu.sync_copy(vals.at[pl.ds(sb, TAIL)],
                                    vbuf.at[h].at[pl.ds(0, TAIL)])

            for h in range(2):
                for j in range(2):
                    pltpu.sync_copy(
                        vbuf.at[h].at[pl.ds(j * IDXW, IDXW)],
                        sum_sh.at[ib.at[h * 2 + j]], add=True)
            return carry

        lax.fori_loop(0, nch, chunk, 0)
        plsc.subcore_barrier()
        pltpu.sync_copy(sum_sh.at[pl.ds(r0, RPW)], sum_o.at[c, pl.ds(r0, RPW)])

    return scat(vals_h, cids_h, rids_h, z32_h)


def _cnt_scatter_phase(cids_h, rids_h, ones_h, z16_h):
    f32 = jnp.float32

    @functools.partial(
        pl.kernel,
        mesh=_mesh(),
        compiler_params=pltpu.CompilerParams(use_tc_tiling_on_sc=False),
        out_type=jax.ShapeDtypeStruct((2, N_PAD, 16), f32),
        scratch_types=[
            pltpu.VMEM((E1 // IDXW, IDXW), jnp.int32),
            pltpu.VMEM((IDXW, 16), f32),
            pltpu.VMEM_SHARED((N_PAD, 16), f32),
            pltpu.SemaphoreType.DMA,
        ],
    )
    def scat(cids, rids, ones_i, z16, cnt_o, ib, ob, cnt_sh, sem):
        c = lax.axis_index("c")
        s = lax.axis_index("s")
        r0 = s * RPW
        pltpu.sync_copy(z16, cnt_sh.at[pl.ds(r0, RPW)])
        pltpu.sync_copy(ones_i, ob)
        irow = s * (E1 // IDXW)

        @pl.when(c == 0)
        def _():
            pltpu.sync_copy(cids.at[pl.ds(irow, E1 // IDXW)], ib)

        @pl.when(c == 1)
        def _():
            pltpu.sync_copy(rids.at[pl.ds(irow, E1 // IDXW)], ib)

        plsc.subcore_barrier()

        def chunk(k, carry):
            for j in range(8):
                pltpu.sync_copy(ob, cnt_sh.at[ib.at[k * 8 + j]], add=True)
            return carry

        lax.fori_loop(0, E1 // IDXW // 8, chunk, 0)
        plsc.subcore_barrier()
        pltpu.sync_copy(cnt_sh.at[pl.ds(r0, RPW)], cnt_o.at[c, pl.ds(r0, RPW)])

    return scat(cids_h, rids_h, ones_h, z16_h)


def _total_phase(sums):
    blocks = 8
    rb = N_PAD // blocks

    def body(cs_ref, o_ref):
        i = pl.program_id(0)

        @pl.when(i == 0)
        def _():
            o_ref[...] = jnp.zeros_like(o_ref)

        row = lax.broadcasted_iota(jnp.int32, (rb, 1), 0) + i * rb
        x = jnp.where(row < N, cs_ref[0], 0.0)
        o_ref[...] += jnp.sum(x, axis=0).reshape(1, U)

    return pl.pallas_call(
        body,
        grid=(blocks,),
        in_specs=[pl.BlockSpec((1, rb, U), lambda i: (0, i, 0))],
        out_specs=pl.BlockSpec((1, U), lambda i: (0, 0)),
        out_shape=jax.ShapeDtypeStruct((1, U), jnp.float32),
    )(sums)


def _table_phase(sums, cnts, total, th_row, th_col, th_all):
    blocks = 8
    rb = N_PAD // blocks
    f32 = jnp.float32

    def body(sum_ref, cnt_ref, tot_ref, tr_ref, tc_ref, ta_ref,
             trow_o, tcol_o):
        cs = sum_ref[0]
        rs = sum_ref[1]
        ccnt = cnt_ref[0, :, 0:1]
        rcnt = cnt_ref[1, :, 0:1]
        vals_all = jnp.dot(tot_ref[...] * (1.0 / NNZ), ta_ref[...],
                           preferred_element_type=f32)
        trow_o[...] = jnp.dot(cs / (ccnt + EPS), tr_ref[...],
                              preferred_element_type=f32)
        tcol_o[...] = jnp.dot(rs / (rcnt + EPS), tc_ref[...],
                              preferred_element_type=f32) + vals_all

    grid_spec = pl.GridSpec(
        grid=(blocks,),
        in_specs=[
            pl.BlockSpec((2, rb, U), lambda i: (0, i, 0)),
            pl.BlockSpec((2, rb, 16), lambda i: (0, i, 0)),
            pl.BlockSpec((1, U), lambda i: (0, 0)),
            pl.BlockSpec((U, U), lambda i: (0, 0)),
            pl.BlockSpec((U, U), lambda i: (0, 0)),
            pl.BlockSpec((U, U), lambda i: (0, 0)),
        ],
        out_specs=[
            pl.BlockSpec((rb, U), lambda i: (i, 0)),
            pl.BlockSpec((rb, U), lambda i: (i, 0)),
        ],
    )
    return pl.pallas_call(
        body,
        grid_spec=grid_spec,
        out_shape=[
            jax.ShapeDtypeStruct((N_PAD, U), f32),
            jax.ShapeDtypeStruct((N_PAD, U), f32),
        ],
    )(sums, cnts, total, th_row, th_col, th_all)


def _matmul_phase(vals_h, th_sel):
    rb = 8192
    blocks = pl.cdiv(NNZ, rb)

    def body(v_ref, t_ref, o_ref):
        o_ref[...] = jnp.dot(v_ref[...], t_ref[...],
                             preferred_element_type=jnp.float32)

    return pl.pallas_call(
        body,
        grid=(blocks,),
        in_specs=[
            pl.BlockSpec((rb, U), lambda i: (i, 0)),
            pl.BlockSpec((U, U), lambda i: (0, 0)),
        ],
        out_specs=pl.BlockSpec((rb, U), lambda i: (i, 0)),
        out_shape=jax.ShapeDtypeStruct((NNZ, U), jnp.float32),
    )(vals_h, th_sel)


def _gather_phase(s_h, cids_h, rids_h, trow_h, tcol_h):
    f32 = jnp.float32
    idrows = E4 // IDXW
    nsub = E4 // SUB
    ipr = SUB // IDXW

    @functools.partial(
        pl.kernel,
        mesh=_mesh(),
        compiler_params=pltpu.CompilerParams(use_tc_tiling_on_sc=False),
        out_type=jax.ShapeDtypeStruct((NNZ, U), f32),
        scratch_types=[
            pltpu.VMEM((SUB, U), f32),
            pltpu.VMEM((SUB, U), f32),
            pltpu.VMEM((SUB, U), f32),
            pltpu.VMEM((idrows, IDXW), jnp.int32),
            pltpu.VMEM((idrows, IDXW), jnp.int32),
            pltpu.SemaphoreType.DMA,
        ],
    )
    def gath(sv, cids, rids, trow, tcol, out_h, sbuf, g1, g2, cb, rb, sem):
        c = lax.axis_index("c")
        s = lax.axis_index("s")
        wid = s * 2 + c
        ebase = wid * E4
        irow = wid * idrows
        pltpu.sync_copy(cids.at[pl.ds(irow, idrows)], cb)
        pltpu.sync_copy(rids.at[pl.ds(irow, idrows)], rb)

        def chunk(k, carry):
            sb = pl.multiple_of(ebase + k * SUB, SUB)
            full = sb + SUB <= NNZ
            part = jnp.logical_and(sb < NNZ, jnp.logical_not(full))

            @pl.when(full)
            def _():
                pltpu.async_copy(sv.at[pl.ds(sb, SUB)], sbuf, sem)

            @pl.when(part)
            def _():
                pltpu.async_copy(sv.at[pl.ds(sb, TAIL)],
                                 sbuf.at[pl.ds(0, TAIL)], sem)

            gds = []
            for j in range(ipr):
                dst = pl.ds(j * IDXW, IDXW)
                gds.append(pltpu.async_copy(trow.at[cb.at[k * ipr + j]],
                                            g1.at[dst], sem))
                gds.append(pltpu.async_copy(tcol.at[rb.at[k * ipr + j]],
                                            g2.at[dst], sem))

            @pl.when(full)
            def _():
                pltpu.make_async_copy(sv.at[pl.ds(sb, SUB)], sbuf, sem).wait()

            @pl.when(part)
            def _():
                pltpu.make_async_copy(sv.at[pl.ds(sb, TAIL)],
                                      sbuf.at[pl.ds(0, TAIL)], sem).wait()

            for d in gds:
                d.wait()

            def rowbody(ri, rc):
                for rr in range(4):
                    r = ri * 4 + rr
                    for hh in (0, 16):
                        x = (sbuf[r, pl.ds(hh, 16)] + g1[r, pl.ds(hh, 16)]
                             + g2[r, pl.ds(hh, 16)])
                        sbuf[r, pl.ds(hh, 16)] = jnp.maximum(x, 0.0)
                return rc

            lax.fori_loop(0, SUB // 4, rowbody, 0)

            @pl.when(full)
            def _():
                pltpu.sync_copy(sbuf, out_h.at[pl.ds(sb, SUB)])

            @pl.when(part)
            def _():
                pltpu.sync_copy(sbuf.at[pl.ds(0, TAIL)],
                                out_h.at[pl.ds(NNZ - TAIL, TAIL)])

            return carry

        lax.fori_loop(0, nsub, chunk, 0)

    return gath(s_h, cids_h, rids_h, trow_h, tcol_h)


def kernel(values, indices, theta_sc_sel, theta_sc_row, theta_sc_col,
           theta_sc_all):
    vals2 = values.reshape(-1, U).astype(jnp.float32)
    idx = indices.astype(jnp.int32)
    pad = NNZ_PAD - NNZ
    cids = jnp.pad(idx[:, 1], (0, pad), constant_values=N)
    rids = jnp.pad(idx[:, 0], (0, pad), constant_values=N)
    cids2 = cids.reshape(NNZ_PAD // IDXW, IDXW)
    rids2 = rids.reshape(NNZ_PAD // IDXW, IDXW)
    ones_h = jnp.ones((IDXW, 16), jnp.float32)
    z32 = jnp.zeros((RPW, U), jnp.float32)
    z16 = jnp.zeros((RPW, 16), jnp.float32)

    sums = _sum_scatter_phase(vals2, cids2, rids2, z32)
    cnts = _cnt_scatter_phase(cids2, rids2, ones_h, z16)
    total = _total_phase(sums)
    trow, tcol = _table_phase(sums, cnts, total,
                              theta_sc_row, theta_sc_col, theta_sc_all)
    s = _matmul_phase(vals2, theta_sc_sel)
    return _gather_phase(s, cids2, rids2, trow, tcol)

# --- scband reference (transcript-rebuilt; emitter-appended) ---
"""Pipeline reference for scband-exchangeable-layer-51410758533664 (READ-ONLY COPY).

The authoritative reference and input builder live on the scoring server;
editing this copy changes nothing except your own understanding.
"""

import jax, jax.numpy as jnp
import numpy as np

UNITS_IN = 32
UNITS_OUT = 32
N_ROWS = 16384
N_COLS = 16384
NNZ = 268435
EPS = 1e-10


def setup_inputs(seed: int = 0) -> dict:
    key = jax.random.key(seed)
    k1, k2, k3, k4, k5, k6 = jax.random.split(key, 6)
    values = jax.random.normal(k1, (NNZ, UNITS_IN), dtype=jnp.float32)
    indices = jax.random.randint(k2, (NNZ, 2), 0, N_ROWS, dtype=jnp.int64)
    # parameters (tf.get_variable with random_normal_initializer(0, 0.01))
    theta_sc_sel = 0.01 * jax.random.normal(k3, (UNITS_IN, UNITS_OUT), dtype=jnp.float32)
    theta_sc_row = 0.01 * jax.random.normal(k4, (UNITS_IN, UNITS_OUT), dtype=jnp.float32)
    theta_sc_col = 0.01 * jax.random.normal(k5, (UNITS_IN, UNITS_OUT), dtype=jnp.float32)
    theta_sc_all = 0.01 * jax.random.normal(k6, (UNITS_IN, UNITS_OUT), dtype=jnp.float32)
    return {
        "values": values,
        "indices": indices,
        "theta_sc_sel": theta_sc_sel,
        "theta_sc_row": theta_sc_row,
        "theta_sc_col": theta_sc_col,
        "theta_sc_all": theta_sc_all,
    }


def _marginalize_mean(vals2, seg_ids, num_segments):
    # tf.unsorted_segment_sum(vals, inds, num_segments) / (count + eps)
    s = jax.ops.segment_sum(vals2, seg_ids, num_segments=num_segments)
    cnt = jax.ops.segment_sum(jnp.ones((seg_ids.shape[0],), jnp.float32), seg_ids,
                              num_segments=num_segments)
    cnt = cnt[:, None] + EPS
    return s / cnt


def reference(values, indices, theta_sc_sel, theta_sc_row, theta_sc_col, theta_sc_all):
    vals2 = values.reshape(-1, UNITS_IN)  # [nnz, units_in]
    col_ids = indices[:, 1].astype(jnp.int32)
    row_ids = indices[:, 0].astype(jnp.int32)

    # marginalize_table(axis=0): segment-mean over column index -> [n_cols, units_in]
    marg_row = _marginalize_mean(vals2, col_ids, N_COLS)
    # marginalize_table(axis=1): segment-mean over row index -> [n_rows, units_in]
    marg_col = _marginalize_mean(vals2, row_ids, N_ROWS)
    # marginalize_table(axis=None): global mean -> [1, units_in]
    marg_all = jnp.sum(vals2, axis=0, keepdims=True) / jnp.float32(NNZ)

    vals_row = marg_row @ theta_sc_row   # [n_cols, units_out]
    vals_col = marg_col @ theta_sc_col   # [n_rows, units_out]
    vals_all = marg_all @ theta_sc_all   # [1, units_out]

    # theta_sc_sel applied per observed entry
    out = vals2 @ theta_sc_sel           # [nnz, units_out]

    # broadcast_add_marginal axis=0: gather per-column marginal by indices[:,1]
    out = out + jnp.take(vals_row, col_ids, axis=0)
    # broadcast_add_marginal axis=1: gather per-row marginal by indices[:,0]
    out = out + jnp.take(vals_col, row_ids, axis=0)
    # broadcast_add_marginal axis=None: add global marginal
    out = out + vals_all

    # activation ('relu')
    out = jax.nn.relu(out)
    return out

if __name__ == "__main__":
    import jax
    _d = setup_inputs()
    print(jax.jit(kernel)(*tuple(_d.values())))

</pallas_src>

<mosaic_0001>
#map = affine_map<(d0, d1) -> (0, 0)>
#map1 = affine_map<(d0, d1) -> (0, 0, 0)>
module attributes {stable_mosaic.version = 14 : i64} {
  func.func @scat(%arg0: i32, %arg1: i32, %arg2: memref<2304x128xi32, #tpu.memory_space<hbm>>, %arg3: memref<2304x128xi32, #tpu.memory_space<hbm>>, %arg4: memref<128x16xf32, #tpu.memory_space<hbm>>, %arg5: memref<1040x16xf32, #tpu.memory_space<hbm>>, %arg6: memref<2x16640x16xf32, #tpu.memory_space<hbm>>, %arg7: memref<144x128xi32, #tpu.memory_space<vmem>>, %arg8: memref<128x16xf32, #tpu.memory_space<vmem>>, %arg9: memref<16640x16xf32, #tpu.memory_space<vmem_shared>>, %arg10: memref<!tpu.dma_semaphore, #tpu.memory_space<semaphore_mem>>) attributes {dimension_semantics = [#tpu.dimension_semantics<core_parallel>, #tpu.dimension_semantics<subcore_parallel>], iteration_bounds = array<i64: 2, 16>, scalar_prefetch = 0 : i64, scratch_operands = 4 : i64, tpu.core_type = #tpu.core_type<sc_vector_subcore>, window_params = [{transform_indices = #map}, {transform_indices = #map}, {transform_indices = #map}, {transform_indices = #map}, {transform_indices = #map1}]} {
    %mul3A = arith.constant 1040 : i32
    %mul3A_0 = arith.muli %arg1, %mul3A : i32
    "tpu.region"() ({
      %run_scoped3A = tpu.sem_alloc : memref<!tpu.dma_semaphore, #tpu.memory_space<semaphore_mem>>
      %dma_start3A = arith.constant 0 : i32
      %dma_start3A_16 = tpu.memref_slice %arg9[%mul3A_0, %dma_start3A] : memref<16640x16xf32, #tpu.memory_space<vmem_shared>> -> memref<1040x16xf32, #tpu.memory_space<vmem_shared>>
      tpu.enqueue_dma source(%arg5 : memref<1040x16xf32, #tpu.memory_space<hbm>>) target(%dma_start3A_16 : memref<1040x16xf32, #tpu.memory_space<vmem_shared>>) target_semaphore(%run_scoped3A : memref<!tpu.dma_semaphore, #tpu.memory_space<semaphore_mem>>)
      %dma_wait3A = arith.constant 0 : i32
      %dma_wait3A_17 = tpu.memref_slice %arg9[%mul3A_0, %dma_wait3A] : memref<16640x16xf32, #tpu.memory_space<vmem_shared>> -> memref<1040x16xf32, #tpu.memory_space<vmem_shared>>
      tpu.wait_dma2 semaphore(%run_scoped3A : memref<!tpu.dma_semaphore, #tpu.memory_space<semaphore_mem>>) src(%arg5 : memref<1040x16xf32, #tpu.memory_space<hbm>>) dst(%dma_wait3A_17 : memref<1040x16xf32, #tpu.memory_space<vmem_shared>>)
      tpu.yield
    }) : () -> ()
    "tpu.region"() ({
      %run_scoped3A = tpu.sem_alloc : memref<!tpu.dma_semaphore, #tpu.memory_space<semaphore_mem>>
      tpu.enqueue_dma source(%arg4 : memref<128x16xf32, #tpu.memory_space<hbm>>) target(%arg8 : memref<128x16xf32, #tpu.memory_space<vmem>>) target_semaphore(%run_scoped3A : memref<!tpu.dma_semaphore, #tpu.memory_space<semaphore_mem>>)
      tpu.wait_dma2 semaphore(%run_scoped3A : memref<!tpu.dma_semaphore, #tpu.memory_space<semaphore_mem>>) src(%arg4 : memref<128x16xf32, #tpu.memory_space<hbm>>) dst(%arg8 : memref<128x16xf32, #tpu.memory_space<vmem>>)
      tpu.yield
    }) : () -> ()
    %mul3A_1 = arith.constant 144 : i32
    %mul3A_2 = arith.muli %arg1, %mul3A_1 : i32
    %eq3A = arith.constant 0 : i32
    %eq3A_3 = arith.cmpi eq, %arg0, %eq3A : i32
    %convert_element_type3A = arith.extui %eq3A_3 : i1 to i32
    %cond3A = arith.constant 0 : i32
    %cond3A_4 = arith.cmpi ne, %convert_element_type3A, %cond3A : i32
    scf.if %cond3A_4 {
      "tpu.region"() ({
        %run_scoped3A = tpu.sem_alloc : memref<!tpu.dma_semaphore, #tpu.memory_space<semaphore_mem>>
        %dma_start3A = arith.constant 0 : i32
        %dma_start3A_16 = tpu.memref_slice %arg2[%mul3A_2, %dma_start3A] : memref<2304x128xi32, #tpu.memory_space<hbm>> -> memref<144x128xi32, #tpu.memory_space<hbm>>
        %dma_start3A_17 = arith.constant 0 : i32
        %dma_start3A_18 = tpu.memref_slice %arg2[%mul3A_2, %dma_start3A_17] : memref<2304x128xi32, #tpu.memory_space<hbm>> -> memref<144x128xi32, #tpu.memory_space<hbm>>
        tpu.enqueue_dma source(%dma_start3A_18 : memref<144x128xi32, #tpu.memory_space<hbm>>) target(%arg7 : memref<144x128xi32, #tpu.memory_space<vmem>>) target_semaphore(%run_scoped3A : memref<!tpu.dma_semaphore, #tpu.memory_space<semaphore_mem>>)
        %dma_wait3A = arith.constant 0 : i32
        %dma_wait3A_19 = tpu.memref_slice %arg2[%mul3A_2, %dma_wait3A] : memref<2304x128xi32, #tpu.memory_space<hbm>> -> memref<144x128xi32, #tpu.memory_space<hbm>>
        %dma_wait3A_20 = arith.constant 0 : i32
        %dma_wait3A_21 = tpu.memref_slice %arg2[%mul3A_2, %dma_wait3A_20] : memref<2304x128xi32, #tpu.memory_space<hbm>> -> memref<144x128xi32, #tpu.memory_space<hbm>>
        tpu.wait_dma2 semaphore(%run_scoped3A : memref<!tpu.dma_semaphore, #tpu.memory_space<semaphore_mem>>) src(%dma_wait3A_21 : memref<144x128xi32, #tpu.memory_space<hbm>>) dst(%arg7 : memref<144x128xi32, #tpu.memory_space<vmem>>)
        tpu.yield
      }) : () -> ()
    } else {
    }
    %eq3A_5 = arith.constant 1 : i32
    %eq3A_6 = arith.cmpi eq, %arg0, %eq3A_5 : i32
    %convert_element_type3A_7 = arith.extui %eq3A_6 : i1 to i32
    %cond3A_8 = arith.constant 0 : i32
    %cond3A_9 = arith.cmpi ne, %convert_element_type3A_7, %cond3A_8 : i32
    scf.if %cond3A_9 {
      "tpu.region"() ({
        %run_scoped3A = tpu.sem_alloc : memref<!tpu.dma_semaphore, #tpu.memory_space<semaphore_mem>>
        %dma_start3A = arith.constant 0 : i32
        %dma_start3A_16 = tpu.memref_slice %arg3[%mul3A_2, %dma_start3A] : memref<2304x128xi32, #tpu.memory_space<hbm>> -> memref<144x128xi32, #tpu.memory_space<hbm>>
        %dma_start3A_17 = arith.constant 0 : i32
        %dma_start3A_18 = tpu.memref_slice %arg3[%mul3A_2, %dma_start3A_17] : memref<2304x128xi32, #tpu.memory_space<hbm>> -> memref<144x128xi32, #tpu.memory_space<hbm>>
        tpu.enqueue_dma source(%dma_start3A_18 : memref<144x128xi32, #tpu.memory_space<hbm>>) target(%arg7 : memref<144x128xi32, #tpu.memory_space<vmem>>) target_semaphore(%run_scoped3A : memref<!tpu.dma_semaphore, #tpu.memory_space<semaphore_mem>>)
        %dma_wait3A = arith.constant 0 : i32
        %dma_wait3A_19 = tpu.memref_slice %arg3[%mul3A_2, %dma_wait3A] : memref<2304x128xi32, #tpu.memory_space<hbm>> -> memref<144x128xi32, #tpu.memory_space<hbm>>
        %dma_wait3A_20 = arith.constant 0 : i32
        %dma_wait3A_21 = tpu.memref_slice %arg3[%mul3A_2, %dma_wait3A_20] : memref<2304x128xi32, #tpu.memory_space<hbm>> -> memref<144x128xi32, #tpu.memory_space<hbm>>
        tpu.wait_dma2 semaphore(%run_scoped3A : memref<!tpu.dma_semaphore, #tpu.memory_space<semaphore_mem>>) src(%dma_wait3A_21 : memref<144x128xi32, #tpu.memory_space<hbm>>) dst(%arg7 : memref<144x128xi32, #tpu.memory_space<vmem>>)
        tpu.yield
      }) : () -> ()
    } else {
    }
    %barrier3A = arith.constant 0 : index
    tpu.barrier barrier_id(%barrier3A)
    %scan3A = arith.constant 0 : i32
    %scan3A_10 = arith.constant 0 : i32
    %scan3A_11 = arith.constant 18 : i32
    %scan3A_12 = arith.addi %scan3A_10, %scan3A_11 : i32
    %scan3A_13 = arith.constant 1 : i32
    scf.for %scan3A_16 = %scan3A_10 to %scan3A_12 step %scan3A_13  : i32 {
      %mul3A_17 = arith.constant 8 : i32
      %mul3A_18 = arith.muli %scan3A_16, %mul3A_17 : i32
      %add3A = arith.constant 0 : i32
      %add3A_19 = arith.addi %mul3A_18, %add3A : i32
      "tpu.region"() ({
        %run_scoped3A = tpu.sem_alloc : memref<!tpu.dma_semaphore, #tpu.memory_space<semaphore_mem>>
        %dma_start3A = arith.constant 0 : i32
        %dma_start3A_48 = tpu.memref_slice %arg7[%add3A_19, %dma_start3A] : memref<144x128xi32, #tpu.memory_space<vmem>> -> memref<1x128xi32, #tpu.memory_space<vmem>>
        %dma_start3A_49 = tpu.memref_squeeze %dma_start3A_48 : memref<1x128xi32, #tpu.memory_space<vmem>> -> memref<128xi32, #tpu.memory_space<vmem>>
        %dma_start3A_50 = arith.constant 0 : i32
        %dma_start3A_51 = arith.constant 0 : i32
        %dma_start3A_52 = tpu.memref_slice %arg9[%dma_start3A_50, %dma_start3A_51] : memref<16640x16xf32, #tpu.memory_space<vmem_shared>> -> memref<16640x16xf32, #tpu.memory_space<vmem_shared>>
        tpu.enqueue_indirect_dma source(%arg8 : memref<128x16xf32, #tpu.memory_space<vmem>>) target(%dma_start3A_52 : memref<16640x16xf32, #tpu.memory_space<vmem_shared>>) offsets(%dma_start3A_49 : memref<128xi32, #tpu.memory_space<vmem>>) semaphore(%run_scoped3A : memref<!tpu.dma_semaphore, #tpu.memory_space<semaphore_mem>>) {add = true}
        %dma_wait3A = arith.constant 0 : i32
        %dma_wait3A_53 = tpu.memref_slice %arg7[%add3A_19, %dma_wait3A] : memref<144x128xi32, #tpu.memory_space<vmem>> -> memref<1x128xi32, #tpu.memory_space<vmem>>
        %dma_wait3A_54 = tpu.memref_squeeze %dma_wait3A_53 : memref<1x128xi32, #tpu.memory_space<vmem>> -> memref<128xi32, #tpu.memory_space<vmem>>
        %dma_wait3A_55 = arith.constant 0 : i32
        %dma_wait3A_56 = arith.constant 0 : i32
        %dma_wait3A_57 = tpu.memref_slice %arg9[%dma_wait3A_55, %dma_wait3A_56] : memref<16640x16xf32, #tpu.memory_space<vmem_shared>> -> memref<16640x16xf32, #tpu.memory_space<vmem_shared>>
        tpu.wait_indirect_dma semaphore(%run_scoped3A : memref<!tpu.dma_semaphore, #tpu.memory_space<semaphore_mem>>) src(%arg8 : memref<128x16xf32, #tpu.memory_space<vmem>>) dst(%dma_wait3A_57 : memref<16640x16xf32, #tpu.memory_space<vmem_shared>>)
        tpu.yield
      }) : () -> ()
      %mul3A_20 = arith.constant 8 : i32
      %mul3A_21 = arith.muli %scan3A_16, %mul3A_20 : i32
      %add3A_22 = arith.constant 1 : i32
      %add3A_23 = arith.addi %mul3A_21, %add3A_22 : i32
      "tpu.region"() ({
        %run_scoped3A = tpu.sem_alloc : memref<!tpu.dma_semaphore, #tpu.memory_space<semaphore_mem>>
        %dma_start3A = arith.constant 0 : i32
        %dma_start3A_48 = tpu.memref_slice %arg7[%add3A_23, %dma_start3A] : memref<144x128xi32, #tpu.memory_space<vmem>> -> memref<1x128xi32, #tpu.memory_space<vmem>>
        %dma_start3A_49 = tpu.memref_squeeze %dma_start3A_48 : memref<1x128xi32, #tpu.memory_space<vmem>> -> memref<128xi32, #tpu.memory_space<vmem>>
        %dma_start3A_50 = arith.constant 0 : i32
        %dma_start3A_51 = arith.constant 0 : i32
        %dma_start3A_52 = tpu.memref_slice %arg9[%dma_start3A_50, %dma_start3A_51] : memref<16640x16xf32, #tpu.memory_space<vmem_shared>> -> memref<16640x16xf32, #tpu.memory_space<vmem_shared>>
        tpu.enqueue_indirect_dma source(%arg8 : memref<128x16xf32, #tpu.memory_space<vmem>>) target(%dma_start3A_52 : memref<16640x16xf32, #tpu.memory_space<vmem_shared>>) offsets(%dma_start3A_49 : memref<128xi32, #tpu.memory_space<vmem>>) semaphore(%run_scoped3A : memref<!tpu.dma_semaphore, #tpu.memory_space<semaphore_mem>>) {add = true}
        %dma_wait3A = arith.constant 0 : i32
        %dma_wait3A_53 = tpu.memref_slice %arg7[%add3A_23, %dma_wait3A] : memref<144x128xi32, #tpu.memory_space<vmem>> -> memref<1x128xi32, #tpu.memory_space<vmem>>
        %dma_wait3A_54 = tpu.memref_squeeze %dma_wait3A_53 : memref<1x128xi32, #tpu.memory_space<vmem>> -> memref<128xi32, #tpu.memory_space<vmem>>
        %dma_wait3A_55 = arith.constant 0 : i32
        %dma_wait3A_56 = arith.constant 0 : i32
        %dma_wait3A_57 = tpu.memref_slice %arg9[%dma_wait3A_55, %dma_wait3A_56] : memref<16640x16xf32, #tpu.memory_space<vmem_shared>> -> memref<16640x16xf32, #tpu.memory_space<vmem_shared>>
        tpu.wait_indirect_dma semaphore(%run_scoped3A : memref<!tpu.dma_semaphore, #tpu.memory_space<semaphore_mem>>) src(%arg8 : memref<128x16xf32, #tpu.memory_space<vmem>>) dst(%dma_wait3A_57 : memref<16640x16xf32, #tpu.memory_space<vmem_shared>>)
        tpu.yield
      }) : () -> ()
      %mul3A_24 = arith.constant 8 : i32
      %mul3A_25 = arith.muli %scan3A_16, %mul3A_24 : i32
      %add3A_26 = arith.constant 2 : i32
      %add3A_27 = arith.addi %mul3A_25, %add3A_26 : i32
      "tpu.region"() ({
        %run_scoped3A = tpu.sem_alloc : memref<!tpu.dma_semaphore, #tpu.memory_space<semaphore_mem>>
        %dma_start3A = arith.constant 0 : i32
        %dma_start3A_48 = tpu.memref_slice %arg7[%add3A_27, %dma_start3A] : memref<144x128xi32, #tpu.memory_space<vmem>> -> memref<1x128xi32, #tpu.memory_space<vmem>>
        %dma_start3A_49 = tpu.memref_squeeze %dma_start3A_48 : memref<1x128xi32, #tpu.memory_space<vmem>> -> memref<128xi32, #tpu.memory_space<vmem>>
        %dma_start3A_50 = arith.constant 0 : i32
        %dma_start3A_51 = arith.constant 0 : i32
        %dma_start3A_52 = tpu.memref_slice %arg9[%dma_start3A_50, %dma_start3A_51] : memref<16640x16xf32, #tpu.memory_space<vmem_shared>> -> memref<16640x16xf32, #tpu.memory_space<vmem_shared>>
        tpu.enqueue_indirect_dma source(%arg8 : memref<128x16xf32, #tpu.memory_space<vmem>>) target(%dma_start3A_52 : memref<16640x16xf32, #tpu.memory_space<vmem_shared>>) offsets(%dma_start3A_49 : memref<128xi32, #tpu.memory_space<vmem>>) semaphore(%run_scoped3A : memref<!tpu.dma_semaphore, #tpu.memory_space<semaphore_mem>>) {add = true}
        %dma_wait3A = arith.constant 0 : i32
        %dma_wait3A_53 = tpu.memref_slice %arg7[%add3A_27, %dma_wait3A] : memref<144x128xi32, #tpu.memory_space<vmem>> -> memref<1x128xi32, #tpu.memory_space<vmem>>
        %dma_wait3A_54 = tpu.memref_squeeze %dma_wait3A_53 : memref<1x128xi32, #tpu.memory_space<vmem>> -> memref<128xi32, #tpu.memory_space<vmem>>
        %dma_wait3A_55 = arith.constant 0 : i32
        %dma_wait3A_56 = arith.constant 0 : i32
        %dma_wait3A_57 = tpu.memref_slice %arg9[%dma_wait3A_55, %dma_wait3A_56] : memref<16640x16xf32, #tpu.memory_space<vmem_shared>> -> memref<16640x16xf32, #tpu.memory_space<vmem_shared>>
        tpu.wait_indirect_dma semaphore(%run_scoped3A : memref<!tpu.dma_semaphore, #tpu.memory_space<semaphore_mem>>) src(%arg8 : memref<128x16xf32, #tpu.memory_space<vmem>>) dst(%dma_wait3A_57 : memref<16640x16xf32, #tpu.memory_space<vmem_shared>>)
        tpu.yield
      }) : () -> ()
      %mul3A_28 = arith.constant 8 : i32
      %mul3A_29 = arith.muli %scan3A_16, %mul3A_28 : i32
      %add3A_30 = arith.constant 3 : i32
      %add3A_31 = arith.addi %mul3A_29, %add3A_30 : i32
      "tpu.region"() ({
        %run_scoped3A = tpu.sem_alloc : memref<!tpu.dma_semaphore, #tpu.memory_space<semaphore_mem>>
        %dma_start3A = arith.constant 0 : i32
        %dma_start3A_48 = tpu.memref_slice %arg7[%add3A_31, %dma_start3A] : memref<144x128xi32, #tpu.memory_space<vmem>> -> memref<1x128xi32, #tpu.memory_space<vmem>>
        %dma_start3A_49 = tpu.memref_squeeze %dma_start3A_48 : memref<1x128xi32, #tpu.memory_space<vmem>> -> memref<128xi32, #tpu.memory_space<vmem>>
        %dma_start3A_50 = arith.constant 0 : i32
        %dma_start3A_51 = arith.constant 0 : i32
        %dma_start3A_52 = tpu.memref_slice %arg9[%dma_start3A_50, %dma_start3A_51] : memref<16640x16xf32, #tpu.memory_space<vmem_shared>> -> memref<16640x16xf32, #tpu.memory_space<vmem_shared>>
        tpu.enqueue_indirect_dma source(%arg8 : memref<128x16xf32, #tpu.memory_space<vmem>>) target(%dma_start3A_52 : memref<16640x16xf32, #tpu.memory_space<vmem_shared>>) offsets(%dma_start3A_49 : memref<128xi32, #tpu.memory_space<vmem>>) semaphore(%run_scoped3A : memref<!tpu.dma_semaphore, #tpu.memory_space<semaphore_mem>>) {add = true}
        %dma_wait3A = arith.constant 0 : i32
        %dma_wait3A_53 = tpu.memref_slice %arg7[%add3A_31, %dma_wait3A] : memref<144x128xi32, #tpu.memory_space<vmem>> -> memref<1x128xi32, #tpu.memory_space<vmem>>
        %dma_wait3A_54 = tpu.memref_squeeze %dma_wait3A_53 : memref<1x128xi32, #tpu.memory_space<vmem>> -> memref<128xi32, #tpu.memory_space<vmem>>
        %dma_wait3A_55 = arith.constant 0 : i32
        %dma_wait3A_56 = arith.constant 0 : i32
        %dma_wait3A_57 = tpu.memref_slice %arg9[%dma_wait3A_55, %dma_wait3A_56] : memref<16640x16xf32, #tpu.memory_space<vmem_shared>> -> memref<16640x16xf32, #tpu.memory_space<vmem_shared>>
        tpu.wait_indirect_dma semaphore(%run_scoped3A : memref<!tpu.dma_semaphore, #tpu.memory_space<semaphore_mem>>) src(%arg8 : memref<128x16xf32, #tpu.memory_space<vmem>>) dst(%dma_wait3A_57 : memref<16640x16xf32, #tpu.memory_space<vmem_shared>>)
        tpu.yield
      }) : () -> ()
      %mul3A_32 = arith.constant 8 : i32
      %mul3A_33 = arith.muli %scan3A_16, %mul3A_32 : i32
      %add3A_34 = arith.constant 4 : i32
      %add3A_35 = arith.addi %mul3A_33, %add3A_34 : i32
      "tpu.region"() ({
        %run_scoped3A = tpu.sem_alloc : memref<!tpu.dma_semaphore, #tpu.memory_space<semaphore_mem>>
        %dma_start3A = arith.constant 0 : i32
        %dma_start3A_48 = tpu.memref_slice %arg7[%add3A_35, %dma_start3A] : memref<144x128xi32, #tpu.memory_space<vmem>> -> memref<1x128xi32, #tpu.memory_space<vmem>>
        %dma_start3A_49 = tpu.memref_squeeze %dma_start3A_48 : memref<1x128xi32, #tpu.memory_space<vmem>> -> memref<128xi32, #tpu.memory_space<vmem>>
        %dma_start3A_50 = arith.constant 0 : i32
        %dma_start3A_51 = arith.constant 0 : i32
        %dma_start3A_52 = tpu.memref_slice %arg9[%dma_start3A_50, %dma_start3A_51] : memref<16640x16xf32, #tpu.memory_space<vmem_shared>> -> memref<16640x16xf32, #tpu.memory_space<vmem_shared>>
        tpu.enqueue_indirect_dma source(%arg8 : memref<128x16xf32, #tpu.memory_space<vmem>>) target(%dma_start3A_52 : memref<16640x16xf32, #tpu.memory_space<vmem_shared>>) offsets(%dma_start3A_49 : memref<128xi32, #tpu.memory_space<vmem>>) semaphore(%run_scoped3A : memref<!tpu.dma_semaphore, #tpu.memory_space<semaphore_mem>>) {add = true}
        %dma_wait3A = arith.constant 0 : i32
        %dma_wait3A_53 = tpu.memref_slice %arg7[%add3A_35, %dma_wait3A] : memref<144x128xi32, #tpu.memory_space<vmem>> -> memref<1x128xi32, #tpu.memory_space<vmem>>
        %dma_wait3A_54 = tpu.memref_squeeze %dma_wait3A_53 : memref<1x128xi32, #tpu.memory_space<vmem>> -> memref<128xi32, #tpu.memory_space<vmem>>
        %dma_wait3A_55 = arith.constant 0 : i32
        %dma_wait3A_56 = arith.constant 0 : i32
        %dma_wait3A_57 = tpu.memref_slice %arg9[%dma_wait3A_55, %dma_wait3A_56] : memref<16640x16xf32, #tpu.memory_space<vmem_shared>> -> memref<16640x16xf32, #tpu.memory_space<vmem_shared>>
        tpu.wait_indirect_dma semaphore(%run_scoped3A : memref<!tpu.dma_semaphore, #tpu.memory_space<semaphore_mem>>) src(%arg8 : memref<128x16xf32, #tpu.memory_space<vmem>>) dst(%dma_wait3A_57 : memref<16640x16xf32, #tpu.memory_space<vmem_shared>>)
        tpu.yield
      }) : () -> ()
      %mul3A_36 = arith.constant 8 : i32
      %mul3A_37 = arith.muli %scan3A_16, %mul3A_36 : i32
      %add3A_38 = arith.constant 5 : i32
      %add3A_39 = arith.addi %mul3A_37, %add3A_38 : i32
      "tpu.region"() ({
        %run_scoped3A = tpu.sem_alloc : memref<!tpu.dma_semaphore, #tpu.memory_space<semaphore_mem>>
        %dma_start3A = arith.constant 0 : i32
        %dma_start3A_48 = tpu.memref_slice %arg7[%add3A_39, %dma_start3A] : memref<144x128xi32, #tpu.memory_space<vmem>> -> memref<1x128xi32, #tpu.memory_space<vmem>>
        %dma_start3A_49 = tpu.memref_squeeze %dma_start3A_48 : memref<1x128xi32, #tpu.memory_space<vmem>> -> memref<128xi32, #tpu.memory_space<vmem>>
        %dma_start3A_50 = arith.constant 0 : i32
        %dma_start3A_51 = arith.constant 0 : i32
        %dma_start3A_52 = tpu.memref_slice %arg9[%dma_start3A_50, %dma_start3A_51] : memref<16640x16xf32, #tpu.memory_space<vmem_shared>> -> memref<16640x16xf32, #tpu.memory_space<vmem_shared>>
        tpu.enqueue_indirect_dma source(%arg8 : memref<128x16xf32, #tpu.memory_space<vmem>>) target(%dma_start3A_52 : memref<16640x16xf32, #tpu.memory_space<vmem_shared>>) offsets(%dma_start3A_49 : memref<128xi32, #tpu.memory_space<vmem>>) semaphore(%run_scoped3A : memref<!tpu.dma_semaphore, #tpu.memory_space<semaphore_mem>>) {add = true}
        %dma_wait3A = arith.constant 0 : i32
        %dma_wait3A_53 = tpu.memref_slice %arg7[%add3A_39, %dma_wait3A] : memref<144x128xi32, #tpu.memory_space<vmem>> -> memref<1x128xi32, #tpu.memory_space<vmem>>
        %dma_wait3A_54 = tpu.memref_squeeze %dma_wait3A_53 : memref<1x128xi32, #tpu.memory_space<vmem>> -> memref<128xi32, #tpu.memory_space<vmem>>
        %dma_wait3A_55 = arith.constant 0 : i32
        %dma_wait3A_56 = arith.constant 0 : i32
        %dma_wait3A_57 = tpu.memref_slice %arg9[%dma_wait3A_55, %dma_wait3A_56] : memref<16640x16xf32, #tpu.memory_space<vmem_shared>> -> memref<16640x16xf32, #tpu.memory_space<vmem_shared>>
        tpu.wait_indirect_dma semaphore(%run_scoped3A : memref<!tpu.dma_semaphore, #tpu.memory_space<semaphore_mem>>) src(%arg8 : memref<128x16xf32, #tpu.memory_space<vmem>>) dst(%dma_wait3A_57 : memref<16640x16xf32, #tpu.memory_space<vmem_shared>>)
        tpu.yield
      }) : () -> ()
      %mul3A_40 = arith.constant 8 : i32
      %mul3A_41 = arith.muli %scan3A_16, %mul3A_40 : i32
      %add3A_42 = arith.constant 6 : i32
      %add3A_43 = arith.addi %mul3A_41, %add3A_42 : i32
      "tpu.region"() ({
        %run_scoped3A = tpu.sem_alloc : memref<!tpu.dma_semaphore, #tpu.memory_space<semaphore_mem>>
        %dma_start3A = arith.constant 0 : i32
        %dma_start3A_48 = tpu.memref_slice %arg7[%add3A_43, %dma_start3A] : memref<144x128xi32, #tpu.memory_space<vmem>> -> memref<1x128xi32, #tpu.memory_space<vmem>>
        %dma_start3A_49 = tpu.memref_squeeze %dma_start3A_48 : memref<1x128xi32, #tpu.memory_space<vmem>> -> memref<128xi32, #tpu.memory_space<vmem>>
        %dma_start3A_50 = arith.constant 0 : i32
        %dma_start3A_51 = arith.constant 0 : i32
        %dma_start3A_52 = tpu.memref_slice %arg9[%dma_start3A_50, %dma_start3A_51] : memref<16640x16xf32, #tpu.memory_space<vmem_shared>> -> memref<16640x16xf32, #tpu.memory_space<vmem_shared>>
        tpu.enqueue_indirect_dma source(%arg8 : memref<128x16xf32, #tpu.memory_space<vmem>>) target(%dma_start3A_52 : memref<16640x16xf32, #tpu.memory_space<vmem_shared>>) offsets(%dma_start3A_49 : memref<128xi32, #tpu.memory_space<vmem>>) semaphore(%run_scoped3A : memref<!tpu.dma_semaphore, #tpu.memory_space<semaphore_mem>>) {add = true}
        %dma_wait3A = arith.constant 0 : i32
        %dma_wait3A_53 = tpu.memref_slice %arg7[%add3A_43, %dma_wait3A] : memref<144x128xi32, #tpu.memory_space<vmem>> -> memref<1x128xi32, #tpu.memory_space<vmem>>
        %dma_wait3A_54 = tpu.memref_squeeze %dma_wait3A_53 : memref<1x128xi32, #tpu.memory_space<vmem>> -> memref<128xi32, #tpu.memory_space<vmem>>
        %dma_wait3A_55 = arith.constant 0 : i32
        %dma_wait3A_56 = arith.constant 0 : i32
        %dma_wait3A_57 = tpu.memref_slice %arg9[%dma_wait3A_55, %dma_wait3A_56] : memref<16640x16xf32, #tpu.memory_space<vmem_shared>> -> memref<16640x16xf32, #tpu.memory_space<vmem_shared>>
        tpu.wait_indirect_dma semaphore(%run_scoped3A : memref<!tpu.dma_semaphore, #tpu.memory_space<semaphore_mem>>) src(%arg8 : memref<128x16xf32, #tpu.memory_space<vmem>>) dst(%dma_wait3A_57 : memref<16640x16xf32, #tpu.memory_space<vmem_shared>>)
        tpu.yield
      }) : () -> ()
      %mul3A_44 = arith.constant 8 : i32
      %mul3A_45 = arith.muli %scan3A_16, %mul3A_44 : i32
      %add3A_46 = arith.constant 7 : i32
      %add3A_47 = arith.addi %mul3A_45, %add3A_46 : i32
      "tpu.region"() ({
        %run_scoped3A = tpu.sem_alloc : memref<!tpu.dma_semaphore, #tpu.memory_space<semaphore_mem>>
        %dma_start3A = arith.constant 0 : i32
        %dma_start3A_48 = tpu.memref_slice %arg7[%add3A_47, %dma_start3A] : memref<144x128xi32, #tpu.memory_space<vmem>> -> memref<1x128xi32, #tpu.memory_space<vmem>>
        %dma_start3A_49 = tpu.memref_squeeze %dma_start3A_48 : memref<1x128xi32, #tpu.memory_space<vmem>> -> memref<128xi32, #tpu.memory_space<vmem>>
        %dma_start3A_50 = arith.constant 0 : i32
        %dma_start3A_51 = arith.constant 0 : i32
        %dma_start3A_52 = tpu.memref_slice %arg9[%dma_start3A_50, %dma_start3A_51] : memref<16640x16xf32, #tpu.memory_space<vmem_shared>> -> memref<16640x16xf32, #tpu.memory_space<vmem_shared>>
        tpu.enqueue_indirect_dma source(%arg8 : memref<128x16xf32, #tpu.memory_space<vmem>>) target(%dma_start3A_52 : memref<16640x16xf32, #tpu.memory_space<vmem_shared>>) offsets(%dma_start3A_49 : memref<128xi32, #tpu.memory_space<vmem>>) semaphore(%run_scoped3A : memref<!tpu.dma_semaphore, #tpu.memory_space<semaphore_mem>>) {add = true}
        %dma_wait3A = arith.constant 0 : i32
        %dma_wait3A_53 = tpu.memref_slice %arg7[%add3A_47, %dma_wait3A] : memref<144x128xi32, #tpu.memory_space<vmem>> -> memref<1x128xi32, #tpu.memory_space<vmem>>
        %dma_wait3A_54 = tpu.memref_squeeze %dma_wait3A_53 : memref<1x128xi32, #tpu.memory_space<vmem>> -> memref<128xi32, #tpu.memory_space<vmem>>
        %dma_wait3A_55 = arith.constant 0 : i32
        %dma_wait3A_56 = arith.constant 0 : i32
        %dma_wait3A_57 = tpu.memref_slice %arg9[%dma_wait3A_55, %dma_wait3A_56] : memref<16640x16xf32, #tpu.memory_space<vmem_shared>> -> memref<16640x16xf32, #tpu.memory_space<vmem_shared>>
        tpu.wait_indirect_dma semaphore(%run_scoped3A : memref<!tpu.dma_semaphore, #tpu.memory_space<semaphore_mem>>) src(%arg8 : memref<128x16xf32, #tpu.memory_space<vmem>>) dst(%dma_wait3A_57 : memref<16640x16xf32, #tpu.memory_space<vmem_shared>>)
        tpu.yield
      }) : () -> ()
    }
    %scan3A_14 = arith.constant 18 : i32
    %barrier3A_15 = arith.constant 0 : index
    tpu.barrier barrier_id(%barrier3A_15)
    "tpu.region"() ({
      %run_scoped3A = tpu.sem_alloc : memref<!tpu.dma_semaphore, #tpu.memory_space<semaphore_mem>>
      %dma_start3A = arith.constant 0 : i32
      %dma_start3A_16 = tpu.memref_slice %arg6[%arg0, %mul3A_0, %dma_start3A] : memref<2x16640x16xf32, #tpu.memory_space<hbm>> -> memref<1x1040x16xf32, #tpu.memory_space<hbm>>
      %dma_start3A_17 = tpu.memref_squeeze %dma_start3A_16 : memref<1x1040x16xf32, #tpu.memory_space<hbm>> -> memref<1040x16xf32, #tpu.memory_space<hbm>>
      %dma_start3A_18 = arith.constant 0 : i32
      %dma_start3A_19 = tpu.memref_slice %arg9[%mul3A_0, %dma_start3A_18] : memref<16640x16xf32, #tpu.memory_space<vmem_shared>> -> memref<1040x16xf32, #tpu.memory_space<vmem_shared>>
      tpu.enqueue_dma source(%dma_start3A_19 : memref<1040x16xf32, #tpu.memory_space<vmem_shared>>) target(%dma_start3A_17 : memref<1040x16xf32, #tpu.memory_space<hbm>>) target_semaphore(%run_scoped3A : memref<!tpu.dma_semaphore, #tpu.memory_space<semaphore_mem>>)
      %dma_wait3A = arith.constant 0 : i32
      %dma_wait3A_20 = tpu.memref_slice %arg6[%arg0, %mul3A_0, %dma_wait3A] : memref<2x16640x16xf32, #tpu.memory_space<hbm>> -> memref<1x1040x16xf32, #tpu.memory_space<hbm>>
      %dma_wait3A_21 = tpu.memref_squeeze %dma_wait3A_20 : memref<1x1040x16xf32, #tpu.memory_space<hbm>> -> memref<1040x16xf32, #tpu.memory_space<hbm>>
      %dma_wait3A_22 = arith.constant 0 : i32
      %dma_wait3A_23 = tpu.memref_slice %arg9[%mul3A_0, %dma_wait3A_22] : memref<16640x16xf32, #tpu.memory_space<vmem_shared>> -> memref<1040x16xf32, #tpu.memory_space<vmem_shared>>
      tpu.wait_dma2 semaphore(%run_scoped3A : memref<!tpu.dma_semaphore, #tpu.memory_space<semaphore_mem>>) src(%dma_wait3A_23 : memref<1040x16xf32, #tpu.memory_space<vmem_shared>>) dst(%dma_wait3A_21 : memref<1040x16xf32, #tpu.memory_space<hbm>>)
      tpu.yield
    }) : () -> ()
    return
  }
}

#map = affine_map<(d0, d1) -> (0, 0)>
#map1 = affine_map<(d0, d1) -> (0, 0, 0)>
module attributes {stable_mosaic.version = 14 : i64} {
  func.func @scat(%arg0: i32, %arg1: i32, %arg2: memref<268435x32xf32, #tpu.memory_space<hbm>>, %arg3: memref<2304x128xi32, #tpu.memory_space<hbm>>, %arg4: memref<2304x128xi32, #tpu.memory_space<hbm>>, %arg5: memref<1040x32xf32, #tpu.memory_space<hbm>>, %arg6: memref<2x16640x32xf32, #tpu.memory_space<hbm>>, %arg7: memref<2x256x32xf32, #tpu.memory_space<vmem>>, %arg8: memref<4x128xi32, #tpu.memory_space<vmem>>, %arg9: memref<16640x32xf32, #tpu.memory_space<vmem_shared>>, %arg10: memref<!tpu.dma_semaphore, #tpu.memory_space<semaphore_mem>>) attributes {dimension_semantics = [#tpu.dimension_semantics<core_parallel>, #tpu.dimension_semantics<subcore_parallel>], iteration_bounds = array<i64: 2, 16>, scalar_prefetch = 0 : i64, scratch_operands = 4 : i64, tpu.core_type = #tpu.core_type<sc_vector_subcore>, window_params = [{transform_indices = #map}, {transform_indices = #map}, {transform_indices = #map}, {transform_indices = #map}, {transform_indices = #map1}]} {
    %mul3A = arith.constant 1040 : i32
    %mul3A_0 = arith.muli %arg1, %mul3A : i32
    "tpu.region"() ({
      %run_scoped3A = tpu.sem_alloc : memref<!tpu.dma_semaphore, #tpu.memory_space<semaphore_mem>>
      %dma_start3A = arith.constant 0 : i32
      %dma_start3A_9 = tpu.memref_slice %arg9[%mul3A_0, %dma_start3A] : memref<16640x32xf32, #tpu.memory_space<vmem_shared>> -> memref<1040x32xf32, #tpu.memory_space<vmem_shared>>
      tpu.enqueue_dma source(%arg5 : memref<1040x32xf32, #tpu.memory_space<hbm>>) target(%dma_start3A_9 : memref<1040x32xf32, #tpu.memory_space<vmem_shared>>) target_semaphore(%run_scoped3A : memref<!tpu.dma_semaphore, #tpu.memory_space<semaphore_mem>>)
      %dma_wait3A = arith.constant 0 : i32
      %dma_wait3A_10 = tpu.memref_slice %arg9[%mul3A_0, %dma_wait3A] : memref<16640x32xf32, #tpu.memory_space<vmem_shared>> -> memref<1040x32xf32, #tpu.memory_space<vmem_shared>>
      tpu.wait_dma2 semaphore(%run_scoped3A : memref<!tpu.dma_semaphore, #tpu.memory_space<semaphore_mem>>) src(%arg5 : memref<1040x32xf32, #tpu.memory_space<hbm>>) dst(%dma_wait3A_10 : memref<1040x32xf32, #tpu.memory_space<vmem_shared>>)
      tpu.yield
    }) : () -> ()
    %barrier3A = arith.constant 0 : index
    tpu.barrier barrier_id(%barrier3A)
    %mul3A_1 = arith.constant 18432 : i32
    %mul3A_2 = arith.muli %arg1, %mul3A_1 : i32
    %scan3A = arith.constant 0 : i32
    %scan3A_3 = arith.constant 0 : i32
    %scan3A_4 = arith.constant 36 : i32
    %scan3A_5 = arith.addi %scan3A_3, %scan3A_4 : i32
    %scan3A_6 = arith.constant 1 : i32
    scf.for %scan3A_9 = %scan3A_3 to %scan3A_5 step %scan3A_6  : i32 {
      %mul3A_10 = arith.constant 512 : i32
      %mul3A_11 = arith.muli %scan3A_9, %mul3A_10 : i32
      %add3A = arith.addi %mul3A_2, %mul3A_11 : i32
      %multiple_of3A = tpu.assume_multiple %add3A, 512 : i32
      %jit3A = arith.constant 128 : i32
      %div3A = arith.divsi %multiple_of3A, %jit3A : i32
      %sign3A = arith.constant 0 : i32
      %sign3A_12 = arith.cmpi sgt, %multiple_of3A, %sign3A : i32
      %sign3A_13 = arith.extui %sign3A_12 : i1 to i32
      %sign3A_14 = arith.constant 0 : i32
      %sign3A_15 = arith.cmpi slt, %multiple_of3A, %sign3A_14 : i32
      %sign3A_16 = arith.extui %sign3A_15 : i1 to i32
      %sign3A_17 = arith.subi %sign3A_13, %sign3A_16 : i32
      %sign3A_18 = arith.constant 0 : i32
      %sign3A_19 = arith.cmpi sgt, %jit3A, %sign3A_18 : i32
      %sign3A_20 = arith.extui %sign3A_19 : i1 to i32
      %sign3A_21 = arith.constant 0 : i32
      %sign3A_22 = arith.cmpi slt, %jit3A, %sign3A_21 : i32
      %sign3A_23 = arith.extui %sign3A_22 : i1 to i32
      %sign3A_24 = arith.subi %sign3A_20, %sign3A_23 : i32
      %ne3A = arith.cmpi ne, %sign3A_17, %sign3A_24 : i32
      %rem3A = arith.remsi %multiple_of3A, %jit3A : i32
      %ne3A_25 = arith.constant 0 : i32
      %ne3A_26 = arith.cmpi ne, %rem3A, %ne3A_25 : i32
      %and3A = arith.andi %ne3A, %ne3A_26 : i1
      %sub3A = arith.constant 1 : i32
      %sub3A_27 = arith.subi %div3A, %sub3A : i32
      %select_n3A = arith.select %and3A, %sub3A_27, %div3A : i32
      %multiple_of3A_28 = tpu.assume_multiple %select_n3A, 4 : i32
      %eq3A = arith.constant 0 : i32
      %eq3A_29 = arith.cmpi eq, %arg0, %eq3A : i32
      %convert_element_type3A = arith.extui %eq3A_29 : i1 to i32
      %cond3A = arith.constant 0 : i32
      %cond3A_30 = arith.cmpi ne, %convert_element_type3A, %cond3A : i32
      scf.if %cond3A_30 {
        "tpu.region"() ({
          %run_scoped3A_80 = tpu.sem_alloc : memref<!tpu.dma_semaphore, #tpu.memory_space<semaphore_mem>>
          %dma_start3A = arith.constant 0 : i32
          %dma_start3A_81 = tpu.memref_slice %arg3[%multiple_of3A_28, %dma_start3A] : memref<2304x128xi32, #tpu.memory_space<hbm>> -> memref<4x128xi32, #tpu.memory_space<hbm>>
          %dma_start3A_82 = arith.constant 0 : i32
          %dma_start3A_83 = tpu.memref_slice %arg3[%multiple_of3A_28, %dma_start3A_82] : memref<2304x128xi32, #tpu.memory_space<hbm>> -> memref<4x128xi32, #tpu.memory_space<hbm>>
          tpu.enqueue_dma source(%dma_start3A_83 : memref<4x128xi32, #tpu.memory_space<hbm>>) target(%arg8 : memref<4x128xi32, #tpu.memory_space<vmem>>) target_semaphore(%run_scoped3A_80 : memref<!tpu.dma_semaphore, #tpu.memory_space<semaphore_mem>>)
          %dma_wait3A = arith.constant 0 : i32
          %dma_wait3A_84 = tpu.memref_slice %arg3[%multiple_of3A_28, %dma_wait3A] : memref<2304x128xi32, #tpu.memory_space<hbm>> -> memref<4x128xi32, #tpu.memory_space<hbm>>
          %dma_wait3A_85 = arith.constant 0 : i32
          %dma_wait3A_86 = tpu.memref_slice %arg3[%multiple_of3A_28, %dma_wait3A_85] : memref<2304x128xi32, #tpu.memory_space<hbm>> -> memref<4x128xi32, #tpu.memory_space<hbm>>
          tpu.wait_dma2 semaphore(%run_scoped3A_80 : memref<!tpu.dma_semaphore, #tpu.memory_space<semaphore_mem>>) src(%dma_wait3A_86 : memref<4x128xi32, #tpu.memory_space<hbm>>) dst(%arg8 : memref<4x128xi32, #tpu.memory_space<vmem>>)
          tpu.yield
        }) : () -> ()
      } else {
      }
      %eq3A_31 = arith.constant 1 : i32
      %eq3A_32 = arith.cmpi eq, %arg0, %eq3A_31 : i32
      %convert_element_type3A_33 = arith.extui %eq3A_32 : i1 to i32
      %cond3A_34 = arith.constant 0 : i32
      %cond3A_35 = arith.cmpi ne, %convert_element_type3A_33, %cond3A_34 : i32
      scf.if %cond3A_35 {
        "tpu.region"() ({
          %run_scoped3A_80 = tpu.sem_alloc : memref<!tpu.dma_semaphore, #tpu.memory_space<semaphore_mem>>
          %dma_start3A = arith.constant 0 : i32
          %dma_start3A_81 = tpu.memref_slice %arg4[%multiple_of3A_28, %dma_start3A] : memref<2304x128xi32, #tpu.memory_space<hbm>> -> memref<4x128xi32, #tpu.memory_space<hbm>>
          %dma_start3A_82 = arith.constant 0 : i32
          %dma_start3A_83 = tpu.memref_slice %arg4[%multiple_of3A_28, %dma_start3A_82] : memref<2304x128xi32, #tpu.memory_space<hbm>> -> memref<4x128xi32, #tpu.memory_space<hbm>>
          tpu.enqueue_dma source(%dma_start3A_83 : memref<4x128xi32, #tpu.memory_space<hbm>>) target(%arg8 : memref<4x128xi32, #tpu.memory_space<vmem>>) target_semaphore(%run_scoped3A_80 : memref<!tpu.dma_semaphore, #tpu.memory_space<semaphore_mem>>)
          %dma_wait3A = arith.constant 0 : i32
          %dma_wait3A_84 = tpu.memref_slice %arg4[%multiple_of3A_28, %dma_wait3A] : memref<2304x128xi32, #tpu.memory_space<hbm>> -> memref<4x128xi32, #tpu.memory_space<hbm>>
          %dma_wait3A_85 = arith.constant 0 : i32
          %dma_wait3A_86 = tpu.memref_slice %arg4[%multiple_of3A_28, %dma_wait3A_85] : memref<2304x128xi32, #tpu.memory_space<hbm>> -> memref<4x128xi32, #tpu.memory_space<hbm>>
          tpu.wait_dma2 semaphore(%run_scoped3A_80 : memref<!tpu.dma_semaphore, #tpu.memory_space<semaphore_mem>>) src(%dma_wait3A_86 : memref<4x128xi32, #tpu.memory_space<hbm>>) dst(%arg8 : memref<4x128xi32, #tpu.memory_space<vmem>>)
          tpu.yield
        }) : () -> ()
      } else {
      }
      %add3A_36 = arith.constant 0 : i32
      %add3A_37 = arith.addi %multiple_of3A, %add3A_36 : i32
      %multiple_of3A_38 = tpu.assume_multiple %add3A_37, 256 : i32
      %add3A_39 = arith.constant 256 : i32
      %add3A_40 = arith.addi %multiple_of3A_38, %add3A_39 : i32
      %le3A = arith.constant 268435 : i32
      %le3A_41 = arith.cmpi sle, %add3A_40, %le3A : i32
      %convert_element_type3A_42 = arith.extui %le3A_41 : i1 to i32
      %cond3A_43 = arith.constant 0 : i32
      %cond3A_44 = arith.cmpi ne, %convert_element_type3A_42, %cond3A_43 : i32
      scf.if %cond3A_44 {
        %run_scoped3A_80 = arith.constant 0 : i32
        "tpu.region"() ({
          %run_scoped3A_81 = tpu.sem_alloc : memref<!tpu.dma_semaphore, #tpu.memory_space<semaphore_mem>>
          %dma_start3A = arith.constant 0 : i32
          %dma_start3A_82 = arith.constant 0 : i32
          %dma_start3A_83 = tpu.memref_slice %arg7[%run_scoped3A_80, %dma_start3A, %dma_start3A_82] : memref<2x256x32xf32, #tpu.memory_space<vmem>> -> memref<1x256x32xf32, #tpu.memory_space<vmem>>
          %dma_start3A_84 = tpu.memref_squeeze %dma_start3A_83 : memref<1x256x32xf32, #tpu.memory_space<vmem>> -> memref<256x32xf32, #tpu.memory_space<vmem>>
          %dma_start3A_85 = arith.constant 0 : i32
          %dma_start3A_86 = tpu.memref_slice %arg2[%multiple_of3A_38, %dma_start3A_85] : memref<268435x32xf32, #tpu.memory_space<hbm>> -> memref<256x32xf32, #tpu.memory_space<hbm>>
          %dma_start3A_87 = arith.constant 0 : i32
          %dma_start3A_88 = arith.constant 0 : i32
          %dma_start3A_89 = tpu.memref_slice %arg7[%run_scoped3A_80, %dma_start3A_87, %dma_start3A_88] : memref<2x256x32xf32, #tpu.memory_space<vmem>> -> memref<1x256x32xf32, #tpu.memory_space<vmem>>
          %dma_start3A_90 = tpu.memref_squeeze %dma_start3A_89 : memref<1x256x32xf32, #tpu.memory_space<vmem>> -> memref<256x32xf32, #tpu.memory_space<vmem>>
          %dma_start3A_91 = arith.constant 0 : i32
          %dma_start3A_92 = tpu.memref_slice %arg2[%multiple_of3A_38, %dma_start3A_91] : memref<268435x32xf32, #tpu.memory_space<hbm>> -> memref<256x32xf32, #tpu.memory_space<hbm>>
          tpu.enqueue_dma source(%dma_start3A_92 : memref<256x32xf32, #tpu.memory_space<hbm>>) target(%dma_start3A_90 : memref<256x32xf32, #tpu.memory_space<vmem>>) target_semaphore(%run_scoped3A_81 : memref<!tpu.dma_semaphore, #tpu.memory_space<semaphore_mem>>)
          %dma_wait3A = arith.constant 0 : i32
          %dma_wait3A_93 = arith.constant 0 : i32
          %dma_wait3A_94 = tpu.memref_slice %arg7[%run_scoped3A_80, %dma_wait3A, %dma_wait3A_93] : memref<2x256x32xf32, #tpu.memory_space<vmem>> -> memref<1x256x32xf32, #tpu.memory_space<vmem>>
          %dma_wait3A_95 = tpu.memref_squeeze %dma_wait3A_94 : memref<1x256x32xf32, #tpu.memory_space<vmem>> -> memref<256x32xf32, #tpu.memory_space<vmem>>
          %dma_wait3A_96 = arith.constant 0 : i32
          %dma_wait3A_97 = tpu.memref_slice %arg2[%multiple_of3A_38, %dma_wait3A_96] : memref<268435x32xf32, #tpu.memory_space<hbm>> -> memref<256x32xf32, #tpu.memory_space<hbm>>
          %dma_wait3A_98 = arith.constant 0 : i32
          %dma_wait3A_99 = arith.constant 0 : i32
          %dma_wait3A_100 = tpu.memref_slice %arg7[%run_scoped3A_80, %dma_wait3A_98, %dma_wait3A_99] : memref<2x256x32xf32, #tpu.memory_space<vmem>> -> memref<1x256x32xf32, #tpu.memory_space<vmem>>
          %dma_wait3A_101 = tpu.memref_squeeze %dma_wait3A_100 : memref<1x256x32xf32, #tpu.memory_space<vmem>> -> memref<256x32xf32, #tpu.memory_space<vmem>>
          %dma_wait3A_102 = arith.constant 0 : i32
          %dma_wait3A_103 = tpu.memref_slice %arg2[%multiple_of3A_38, %dma_wait3A_102] : memref<268435x32xf32, #tpu.memory_space<hbm>> -> memref<256x32xf32, #tpu.memory_space<hbm>>
          tpu.wait_dma2 semaphore(%run_scoped3A_81 : memref<!tpu.dma_semaphore, #tpu.memory_space<semaphore_mem>>) src(%dma_wait3A_103 : memref<256x32xf32, #tpu.memory_space<hbm>>) dst(%dma_wait3A_101 : memref<256x32xf32, #tpu.memory_space<vmem>>)
          tpu.yield
        }) : () -> ()
      } else {
      }
      %lt3A = arith.constant 268435 : i32
      %lt3A_45 = arith.cmpi slt, %multiple_of3A_38, %lt3A : i32
      %add3A_46 = arith.constant 256 : i32
      %add3A_47 = arith.addi %multiple_of3A_38, %add3A_46 : i32
      %gt3A = arith.constant 268435 : i32
      %gt3A_48 = arith.cmpi sgt, %add3A_47, %gt3A : i32
      %and3A_49 = arith.andi %lt3A_45, %gt3A_48 : i1
      %convert_element_type3A_50 = arith.extui %and3A_49 : i1 to i32
      %cond3A_51 = arith.constant 0 : i32
      %cond3A_52 = arith.cmpi ne, %convert_element_type3A_50, %cond3A_51 : i32
      scf.if %cond3A_52 {
        %run_scoped3A_80 = arith.constant 0 : i32
        "tpu.region"() ({
          %run_scoped3A_81 = tpu.sem_alloc : memref<!tpu.dma_semaphore, #tpu.memory_space<semaphore_mem>>
          %dma_start3A = arith.constant 0 : i32
          %dma_start3A_82 = arith.constant 0 : i32
          %dma_start3A_83 = tpu.memref_slice %arg7[%run_scoped3A_80, %dma_start3A, %dma_start3A_82] : memref<2x256x32xf32, #tpu.memory_space<vmem>> -> memref<1x256x32xf32, #tpu.memory_space<vmem>>
          %dma_start3A_84 = tpu.memref_squeeze %dma_start3A_83 : memref<1x256x32xf32, #tpu.memory_space<vmem>> -> memref<256x32xf32, #tpu.memory_space<vmem>>
          %dma_start3A_85 = arith.constant 0 : i32
          %dma_start3A_86 = arith.constant 0 : i32
          %dma_start3A_87 = tpu.memref_slice %dma_start3A_84[%dma_start3A_85, %dma_start3A_86] : memref<256x32xf32, #tpu.memory_space<vmem>> -> memref<147x32xf32, #tpu.memory_space<vmem>>
          %dma_start3A_88 = arith.constant 0 : i32
          %dma_start3A_89 = tpu.memref_slice %arg2[%multiple_of3A_38, %dma_start3A_88] : memref<268435x32xf32, #tpu.memory_space<hbm>> -> memref<147x32xf32, #tpu.memory_space<hbm>>
          %dma_start3A_90 = arith.constant 0 : i32
          %dma_start3A_91 = arith.constant 0 : i32
          %dma_start3A_92 = tpu.memref_slice %arg7[%run_scoped3A_80, %dma_start3A_90, %dma_start3A_91] : memref<2x256x32xf32, #tpu.memory_space<vmem>> -> memref<1x256x32xf32, #tpu.memory_space<vmem>>
          %dma_start3A_93 = tpu.memref_squeeze %dma_start3A_92 : memref<1x256x32xf32, #tpu.memory_space<vmem>> -> memref<256x32xf32, #tpu.memory_space<vmem>>
          %dma_start3A_94 = arith.constant 0 : i32
          %dma_start3A_95 = arith.constant 0 : i32
          %dma_start3A_96 = tpu.memref_slice %dma_start3A_93[%dma_start3A_94, %dma_start3A_95] : memref<256x32xf32, #tpu.memory_space<vmem>> -> memref<147x32xf32, #tpu.memory_space<vmem>>
          %dma_start3A_97 = arith.constant 0 : i32
          %dma_start3A_98 = tpu.memref_slice %arg2[%multiple_of3A_38, %dma_start3A_97] : memref<268435x32xf32, #tpu.memory_space<hbm>> -> memref<147x32xf32, #tpu.memory_space<hbm>>
          tpu.enqueue_dma source(%dma_start3A_98 : memref<147x32xf32, #tpu.memory_space<hbm>>) target(%dma_start3A_96 : memref<147x32xf32, #tpu.memory_space<vmem>>) target_semaphore(%run_scoped3A_81 : memref<!tpu.dma_semaphore, #tpu.memory_space<semaphore_mem>>)
          %dma_wait3A = arith.constant 0 : i32
          %dma_wait3A_99 = arith.constant 0 : i32
          %dma_wait3A_100 = tpu.memref_slice %arg7[%run_scoped3A_80, %dma_wait3A, %dma_wait3A_99] : memref<2x256x32xf32, #tpu.memory_space<vmem>> -> memref<1x256x32xf32, #tpu.memory_space<vmem>>
          %dma_wait3A_101 = tpu.memref_squeeze %dma_wait3A_100 : memref<1x256x32xf32, #tpu.memory_space<vmem>> -> memref<256x32xf32, #tpu.memory_space<vmem>>
          %dma_wait3A_102 = arith.constant 0 : i32
          %dma_wait3A_103 = arith.constant 0 : i32
          %dma_wait3A_104 = tpu.memref_slice %dma_wait3A_101[%dma_wait3A_102, %dma_wait3A_103] : memref<256x32xf32, #tpu.memory_space<vmem>> -> memref<147x32xf32, #tpu.memory_space<vmem>>
          %dma_wait3A_105 = arith.constant 0 : i32
          %dma_wait3A_106 = tpu.memref_slice %arg2[%multiple_of3A_38, %dma_wait3A_105] : memref<268435x32xf32, #tpu.memory_space<hbm>> -> memref<147x32xf32, #tpu.memory_space<hbm>>
          %dma_wait3A_107 = arith.constant 0 : i32
          %dma_wait3A_108 = arith.constant 0 : i32
          %dma_wait3A_109 = tpu.memref_slice %arg7[%run_scoped3A_80, %dma_wait3A_107, %dma_wait3A_108] : memref<2x256x32xf32, #tpu.memory_space<vmem>> -> memref<1x256x32xf32, #tpu.memory_space<vmem>>
          %dma_wait3A_110 = tpu.memref_squeeze %dma_wait3A_109 : memref<1x256x32xf32, #tpu.memory_space<vmem>> -> memref<256x32xf32, #tpu.memory_space<vmem>>
          %dma_wait3A_111 = arith.constant 0 : i32
          %dma_wait3A_112 = arith.constant 0 : i32
          %dma_wait3A_113 = tpu.memref_slice %dma_wait3A_110[%dma_wait3A_111, %dma_wait3A_112] : memref<256x32xf32, #tpu.memory_space<vmem>> -> memref<147x32xf32, #tpu.memory_space<vmem>>
          %dma_wait3A_114 = arith.constant 0 : i32
          %dma_wait3A_115 = tpu.memref_slice %arg2[%multiple_of3A_38, %dma_wait3A_114] : memref<268435x32xf32, #tpu.memory_space<hbm>> -> memref<147x32xf32, #tpu.memory_space<hbm>>
          tpu.wait_dma2 semaphore(%run_scoped3A_81 : memref<!tpu.dma_semaphore, #tpu.memory_space<semaphore_mem>>) src(%dma_wait3A_115 : memref<147x32xf32, #tpu.memory_space<hbm>>) dst(%dma_wait3A_113 : memref<147x32xf32, #tpu.memory_space<vmem>>)
          tpu.yield
        }) : () -> ()
      } else {
      }
      %add3A_53 = arith.constant 256 : i32
      %add3A_54 = arith.addi %multiple_of3A, %add3A_53 : i32
      %multiple_of3A_55 = tpu.assume_multiple %add3A_54, 256 : i32
      %add3A_56 = arith.constant 256 : i32
      %add3A_57 = arith.addi %multiple_of3A_55, %add3A_56 : i32
      %le3A_58 = arith.constant 268435 : i32
      %le3A_59 = arith.cmpi sle, %add3A_57, %le3A_58 : i32
      %convert_element_type3A_60 = arith.extui %le3A_59 : i1 to i32
      %cond3A_61 = arith.constant 0 : i32
      %cond3A_62 = arith.cmpi ne, %convert_element_type3A_60, %cond3A_61 : i32
      scf.if %cond3A_62 {
        %run_scoped3A_80 = arith.constant 1 : i32
        "tpu.region"() ({
          %run_scoped3A_81 = tpu.sem_alloc : memref<!tpu.dma_semaphore, #tpu.memory_space<semaphore_mem>>
          %dma_start3A = arith.constant 0 : i32
          %dma_start3A_82 = arith.constant 0 : i32
          %dma_start3A_83 = tpu.memref_slice %arg7[%run_scoped3A_80, %dma_start3A, %dma_start3A_82] : memref<2x256x32xf32, #tpu.memory_space<vmem>> -> memref<1x256x32xf32, #tpu.memory_space<vmem>>
          %dma_start3A_84 = tpu.memref_squeeze %dma_start3A_83 : memref<1x256x32xf32, #tpu.memory_space<vmem>> -> memref<256x32xf32, #tpu.memory_space<vmem>>
          %dma_start3A_85 = arith.constant 0 : i32
          %dma_start3A_86 = tpu.memref_slice %arg2[%multiple_of3A_55, %dma_start3A_85] : memref<268435x32xf32, #tpu.memory_space<hbm>> -> memref<256x32xf32, #tpu.memory_space<hbm>>
          %dma_start3A_87 = arith.constant 0 : i32
          %dma_start3A_88 = arith.constant 0 : i32
          %dma_start3A_89 = tpu.memref_slice %arg7[%run_scoped3A_80, %dma_start3A_87, %dma_start3A_88] : memref<2x256x32xf32, #tpu.memory_space<vmem>> -> memref<1x256x32xf32, #tpu.memory_space<vmem>>
          %dma_start3A_90 = tpu.memref_squeeze %dma_start3A_89 : memref<1x256x32xf32, #tpu.memory_space<vmem>> -> memref<256x32xf32, #tpu.memory_space<vmem>>
          %dma_start3A_91 = arith.constant 0 : i32
          %dma_start3A_92 = tpu.memref_slice %arg2[%multiple_of3A_55, %dma_start3A_91] : memref<268435x32xf32, #tpu.memory_space<hbm>> -> memref<256x32xf32, #tpu.memory_space<hbm>>
          tpu.enqueue_dma source(%dma_start3A_92 : memref<256x32xf32, #tpu.memory_space<hbm>>) target(%dma_start3A_90 : memref<256x32xf32, #tpu.memory_space<vmem>>) target_semaphore(%run_scoped3A_81 : memref<!tpu.dma_semaphore, #tpu.memory_space<semaphore_mem>>)
          %dma_wait3A = arith.constant 0 : i32
          %dma_wait3A_93 = arith.constant 0 : i32
          %dma_wait3A_94 = tpu.memref_slice %arg7[%run_scoped3A_80, %dma_wait3A, %dma_wait3A_93] : memref<2x256x32xf32, #tpu.memory_space<vmem>> -> memref<1x256x32xf32, #tpu.memory_space<vmem>>
          %dma_wait3A_95 = tpu.memref_squeeze %dma_wait3A_94 : memref<1x256x32xf32, #tpu.memory_space<vmem>> -> memref<256x32xf32, #tpu.memory_space<vmem>>
          %dma_wait3A_96 = arith.constant 0 : i32
          %dma_wait3A_97 = tpu.memref_slice %arg2[%multiple_of3A_55, %dma_wait3A_96] : memref<268435x32xf32, #tpu.memory_space<hbm>> -> memref<256x32xf32, #tpu.memory_space<hbm>>
          %dma_wait3A_98 = arith.constant 0 : i32
          %dma_wait3A_99 = arith.constant 0 : i32
          %dma_wait3A_100 = tpu.memref_slice %arg7[%run_scoped3A_80, %dma_wait3A_98, %dma_wait3A_99] : memref<2x256x32xf32, #tpu.memory_space<vmem>> -> memref<1x256x32xf32, #tpu.memory_space<vmem>>
          %dma_wait3A_101 = tpu.memref_squeeze %dma_wait3A_100 : memref<1x256x32xf32, #tpu.memory_space<vmem>> -> memref<256x32xf32, #tpu.memory_space<vmem>>
          %dma_wait3A_102 = arith.constant 0 : i32
          %dma_wait3A_103 = tpu.memref_slice %arg2[%multiple_of3A_55, %dma_wait3A_102] : memref<268435x32xf32, #tpu.memory_space<hbm>> -> memref<256x32xf32, #tpu.memory_space<hbm>>
          tpu.wait_dma2 semaphore(%run_scoped3A_81 : memref<!tpu.dma_semaphore, #tpu.memory_space<semaphore_mem>>) src(%dma_wait3A_103 : memref<256x32xf32, #tpu.memory_space<hbm>>) dst(%dma_wait3A_101 : memref<256x32xf32, #tpu.memory_space<vmem>>)
          tpu.yield
        }) : () -> ()
      } else {
      }
      %lt3A_63 = arith.constant 268435 : i32
      %lt3A_64 = arith.cmpi slt, %multiple_of3A_55, %lt3A_63 : i32
      %add3A_65 = arith.constant 256 : i32
      %add3A_66 = arith.addi %multiple_of3A_55, %add3A_65 : i32
      %gt3A_67 = arith.constant 268435 : i32
      %gt3A_68 = arith.cmpi sgt, %add3A_66, %gt3A_67 : i32
      %and3A_69 = arith.andi %lt3A_64, %gt3A_68 : i1
      %convert_element_type3A_70 = arith.extui %and3A_69 : i1 to i32
      %cond3A_71 = arith.constant 0 : i32
      %cond3A_72 = arith.cmpi ne, %convert_element_type3A_70, %cond3A_71 : i32
      scf.if %cond3A_72 {
        %run_scoped3A_80 = arith.constant 1 : i32
        "tpu.region"() ({
          %run_scoped3A_81 = tpu.sem_alloc : memref<!tpu.dma_semaphore, #tpu.memory_space<semaphore_mem>>
          %dma_start3A = arith.constant 0 : i32
          %dma_start3A_82 = arith.constant 0 : i32
          %dma_start3A_83 = tpu.memref_slice %arg7[%run_scoped3A_80, %dma_start3A, %dma_start3A_82] : memref<2x256x32xf32, #tpu.memory_space<vmem>> -> memref<1x256x32xf32, #tpu.memory_space<vmem>>
          %dma_start3A_84 = tpu.memref_squeeze %dma_start3A_83 : memref<1x256x32xf32, #tpu.memory_space<vmem>> -> memref<256x32xf32, #tpu.memory_space<vmem>>
          %dma_start3A_85 = arith.constant 0 : i32
          %dma_start3A_86 = arith.constant 0 : i32
          %dma_start3A_87 = tpu.memref_slice %dma_start3A_84[%dma_start3A_85, %dma_start3A_86] : memref<256x32xf32, #tpu.memory_space<vmem>> -> memref<147x32xf32, #tpu.memory_space<vmem>>
          %dma_start3A_88 = arith.constant 0 : i32
          %dma_start3A_89 = tpu.memref_slice %arg2[%multiple_of3A_55, %dma_start3A_88] : memref<268435x32xf32, #tpu.memory_space<hbm>> -> memref<147x32xf32, #tpu.memory_space<hbm>>
          %dma_start3A_90 = arith.constant 0 : i32
          %dma_start3A_91 = arith.constant 0 : i32
          %dma_start3A_92 = tpu.memref_slice %arg7[%run_scoped3A_80, %dma_start3A_90, %dma_start3A_91] : memref<2x256x32xf32, #tpu.memory_space<vmem>> -> memref<1x256x32xf32, #tpu.memory_space<vmem>>
          %dma_start3A_93 = tpu.memref_squeeze %dma_start3A_92 : memref<1x256x32xf32, #tpu.memory_space<vmem>> -> memref<256x32xf32, #tpu.memory_space<vmem>>
          %dma_start3A_94 = arith.constant 0 : i32
          %dma_start3A_95 = arith.constant 0 : i32
          %dma_start3A_96 = tpu.memref_slice %dma_start3A_93[%dma_start3A_94, %dma_start3A_95] : memref<256x32xf32, #tpu.memory_space<vmem>> -> memref<147x32xf32, #tpu.memory_space<vmem>>
          %dma_start3A_97 = arith.constant 0 : i32
          %dma_start3A_98 = tpu.memref_slice %arg2[%multiple_of3A_55, %dma_start3A_97] : memref<268435x32xf32, #tpu.memory_space<hbm>> -> memref<147x32xf32, #tpu.memory_space<hbm>>
          tpu.enqueue_dma source(%dma_start3A_98 : memref<147x32xf32, #tpu.memory_space<hbm>>) target(%dma_start3A_96 : memref<147x32xf32, #tpu.memory_space<vmem>>) target_semaphore(%run_scoped3A_81 : memref<!tpu.dma_semaphore, #tpu.memory_space<semaphore_mem>>)
          %dma_wait3A = arith.constant 0 : i32
          %dma_wait3A_99 = arith.constant 0 : i32
          %dma_wait3A_100 = tpu.memref_slice %arg7[%run_scoped3A_80, %dma_wait3A, %dma_wait3A_99] : memref<2x256x32xf32, #tpu.memory_space<vmem>> -> memref<1x256x32xf32, #tpu.memory_space<vmem>>
          %dma_wait3A_101 = tpu.memref_squeeze %dma_wait3A_100 : memref<1x256x32xf32, #tpu.memory_space<vmem>> -> memref<256x32xf32, #tpu.memory_space<vmem>>
          %dma_wait3A_102 = arith.constant 0 : i32
          %dma_wait3A_103 = arith.constant 0 : i32
          %dma_wait3A_104 = tpu.memref_slice %dma_wait3A_101[%dma_wait3A_102, %dma_wait3A_103] : memref<256x32xf32, #tpu.memory_space<vmem>> -> memref<147x32xf32, #tpu.memory_space<vmem>>
          %dma_wait3A_105 = arith.constant 0 : i32
          %dma_wait3A_106 = tpu.memref_slice %arg2[%multiple_of3A_55, %dma_wait3A_105] : memref<268435x32xf32, #tpu.memory_space<hbm>> -> memref<147x32xf32, #tpu.memory_space<hbm>>
          %dma_wait3A_107 = arith.constant 0 : i32
          %dma_wait3A_108 = arith.constant 0 : i32
          %dma_wait3A_109 = tpu.memref_slice %arg7[%run_scoped3A_80, %dma_wait3A_107, %dma_wait3A_108] : memref<2x256x32xf32, #tpu.memory_space<vmem>> -> memref<1x256x32xf32, #tpu.memory_space<vmem>>
          %dma_wait3A_110 = tpu.memref_squeeze %dma_wait3A_109 : memref<1x256x32xf32, #tpu.memory_space<vmem>> -> memref<256x32xf32, #tpu.memory_space<vmem>>
          %dma_wait3A_111 = arith.constant 0 : i32
          %dma_wait3A_112 = arith.constant 0 : i32
          %dma_wait3A_113 = tpu.memref_slice %dma_wait3A_110[%dma_wait3A_111, %dma_wait3A_112] : memref<256x32xf32, #tpu.memory_space<vmem>> -> memref<147x32xf32, #tpu.memory_space<vmem>>
          %dma_wait3A_114 = arith.constant 0 : i32
          %dma_wait3A_115 = tpu.memref_slice %arg2[%multiple_of3A_55, %dma_wait3A_114] : memref<268435x32xf32, #tpu.memory_space<hbm>> -> memref<147x32xf32, #tpu.memory_space<hbm>>
          tpu.wait_dma2 semaphore(%run_scoped3A_81 : memref<!tpu.dma_semaphore, #tpu.memory_space<semaphore_mem>>) src(%dma_wait3A_115 : memref<147x32xf32, #tpu.memory_space<hbm>>) dst(%dma_wait3A_113 : memref<147x32xf32, #tpu.memory_space<vmem>>)
          tpu.yield
        }) : () -> ()
      } else {
      }
      %run_scoped3A = arith.constant 0 : i32
      %run_scoped3A_73 = arith.constant 0 : i32
      "tpu.region"() ({
        %run_scoped3A_80 = tpu.sem_alloc : memref<!tpu.dma_semaphore, #tpu.memory_space<semaphore_mem>>
        %dma_start3A = arith.constant 0 : i32
        %dma_start3A_81 = arith.constant 0 : i32
        %dma_start3A_82 = tpu.memref_slice %arg7[%run_scoped3A, %dma_start3A, %dma_start3A_81] : memref<2x256x32xf32, #tpu.memory_space<vmem>> -> memref<1x256x32xf32, #tpu.memory_space<vmem>>
        %dma_start3A_83 = tpu.memref_squeeze %dma_start3A_82 : memref<1x256x32xf32, #tpu.memory_space<vmem>> -> memref<256x32xf32, #tpu.memory_space<vmem>>
        %dma_start3A_84 = arith.constant 0 : i32
        %dma_start3A_85 = arith.constant 0 : i32
        %dma_start3A_86 = tpu.memref_slice %dma_start3A_83[%dma_start3A_84, %dma_start3A_85] : memref<256x32xf32, #tpu.memory_space<vmem>> -> memref<128x32xf32, #tpu.memory_space<vmem>>
        %dma_start3A_87 = arith.constant 0 : i32
        %dma_start3A_88 = tpu.memref_slice %arg8[%run_scoped3A_73, %dma_start3A_87] : memref<4x128xi32, #tpu.memory_space<vmem>> -> memref<1x128xi32, #tpu.memory_space<vmem>>
        %dma_start3A_89 = tpu.memref_squeeze %dma_start3A_88 : memref<1x128xi32, #tpu.memory_space<vmem>> -> memref<128xi32, #tpu.memory_space<vmem>>
        %dma_start3A_90 = arith.constant 0 : i32
        %dma_start3A_91 = arith.constant 0 : i32
        %dma_start3A_92 = tpu.memref_slice %arg9[%dma_start3A_90, %dma_start3A_91] : memref<16640x32xf32, #tpu.memory_space<vmem_shared>> -> memref<16640x32xf32, #tpu.memory_space<vmem_shared>>
        tpu.enqueue_indirect_dma source(%dma_start3A_86 : memref<128x32xf32, #tpu.memory_space<vmem>>) target(%dma_start3A_92 : memref<16640x32xf32, #tpu.memory_space<vmem_shared>>) offsets(%dma_start3A_89 : memref<128xi32, #tpu.memory_space<vmem>>) semaphore(%run_scoped3A_80 : memref<!tpu.dma_semaphore, #tpu.memory_space<semaphore_mem>>) {add = true}
        %dma_wait3A = arith.constant 0 : i32
        %dma_wait3A_93 = arith.constant 0 : i32
        %dma_wait3A_94 = tpu.memref_slice %arg7[%run_scoped3A, %dma_wait3A, %dma_wait3A_93] : memref<2x256x32xf32, #tpu.memory_space<vmem>> -> memref<1x256x32xf32, #tpu.memory_space<vmem>>
        %dma_wait3A_95 = tpu.memref_squeeze %dma_wait3A_94 : memref<1x256x32xf32, #tpu.memory_space<vmem>> -> memref<256x32xf32, #tpu.memory_space<vmem>>
        %dma_wait3A_96 = arith.constant 0 : i32
        %dma_wait3A_97 = arith.constant 0 : i32
        %dma_wait3A_98 = tpu.memref_slice %dma_wait3A_95[%dma_wait3A_96, %dma_wait3A_97] : memref<256x32xf32, #tpu.memory_space<vmem>> -> memref<128x32xf32, #tpu.memory_space<vmem>>
        %dma_wait3A_99 = arith.constant 0 : i32
        %dma_wait3A_100 = tpu.memref_slice %arg8[%run_scoped3A_73, %dma_wait3A_99] : memref<4x128xi32, #tpu.memory_space<vmem>> -> memref<1x128xi32, #tpu.memory_space<vmem>>
        %dma_wait3A_101 = tpu.memref_squeeze %dma_wait3A_100 : memref<1x128xi32, #tpu.memory_space<vmem>> -> memref<128xi32, #tpu.memory_space<vmem>>
        %dma_wait3A_102 = arith.constant 0 : i32
        %dma_wait3A_103 = arith.constant 0 : i32
        %dma_wait3A_104 = tpu.memref_slice %arg9[%dma_wait3A_102, %dma_wait3A_103] : memref<16640x32xf32, #tpu.memory_space<vmem_shared>> -> memref<16640x32xf32, #tpu.memory_space<vmem_shared>>
        tpu.wait_indirect_dma semaphore(%run_scoped3A_80 : memref<!tpu.dma_semaphore, #tpu.memory_space<semaphore_mem>>) src(%dma_wait3A_98 : memref<128x32xf32, #tpu.memory_space<vmem>>) dst(%dma_wait3A_104 : memref<16640x32xf32, #tpu.memory_space<vmem_shared>>)
        tpu.yield
      }) : () -> ()
      %run_scoped3A_74 = arith.constant 0 : i32
      %run_scoped3A_75 = arith.constant 1 : i32
      "tpu.region"() ({
        %run_scoped3A_80 = tpu.sem_alloc : memref<!tpu.dma_semaphore, #tpu.memory_space<semaphore_mem>>
        %dma_start3A = arith.constant 0 : i32
        %dma_start3A_81 = arith.constant 0 : i32
        %dma_start3A_82 = tpu.memref_slice %arg7[%run_scoped3A_74, %dma_start3A, %dma_start3A_81] : memref<2x256x32xf32, #tpu.memory_space<vmem>> -> memref<1x256x32xf32, #tpu.memory_space<vmem>>
        %dma_start3A_83 = tpu.memref_squeeze %dma_start3A_82 : memref<1x256x32xf32, #tpu.memory_space<vmem>> -> memref<256x32xf32, #tpu.memory_space<vmem>>
        %dma_start3A_84 = arith.constant 128 : i32
        %dma_start3A_85 = arith.constant 0 : i32
        %dma_start3A_86 = tpu.memref_slice %dma_start3A_83[%dma_start3A_84, %dma_start3A_85] : memref<256x32xf32, #tpu.memory_space<vmem>> -> memref<128x32xf32, #tpu.memory_space<vmem>>
        %dma_start3A_87 = arith.constant 0 : i32
        %dma_start3A_88 = tpu.memref_slice %arg8[%run_scoped3A_75, %dma_start3A_87] : memref<4x128xi32, #tpu.memory_space<vmem>> -> memref<1x128xi32, #tpu.memory_space<vmem>>
        %dma_start3A_89 = tpu.memref_squeeze %dma_start3A_88 : memref<1x128xi32, #tpu.memory_space<vmem>> -> memref<128xi32, #tpu.memory_space<vmem>>
        %dma_start3A_90 = arith.constant 0 : i32
        %dma_start3A_91 = arith.constant 0 : i32
        %dma_start3A_92 = tpu.memref_slice %arg9[%dma_start3A_90, %dma_start3A_91] : memref<16640x32xf32, #tpu.memory_space<vmem_shared>> -> memref<16640x32xf32, #tpu.memory_space<vmem_shared>>
        tpu.enqueue_indirect_dma source(%dma_start3A_86 : memref<128x32xf32, #tpu.memory_space<vmem>>) target(%dma_start3A_92 : memref<16640x32xf32, #tpu.memory_space<vmem_shared>>) offsets(%dma_start3A_89 : memref<128xi32, #tpu.memory_space<vmem>>) semaphore(%run_scoped3A_80 : memref<!tpu.dma_semaphore, #tpu.memory_space<semaphore_mem>>) {add = true}
        %dma_wait3A = arith.constant 0 : i32
        %dma_wait3A_93 = arith.constant 0 : i32
        %dma_wait3A_94 = tpu.memref_slice %arg7[%run_scoped3A_74, %dma_wait3A, %dma_wait3A_93] : memref<2x256x32xf32, #tpu.memory_space<vmem>> -> memref<1x256x32xf32, #tpu.memory_space<vmem>>
        %dma_wait3A_95 = tpu.memref_squeeze %dma_wait3A_94 : memref<1x256x32xf32, #tpu.memory_space<vmem>> -> memref<256x32xf32, #tpu.memory_space<vmem>>
        %dma_wait3A_96 = arith.constant 128 : i32
        %dma_wait3A_97 = arith.constant 0 : i32
        %dma_wait3A_98 = tpu.memref_slice %dma_wait3A_95[%dma_wait3A_96, %dma_wait3A_97] : memref<256x32xf32, #tpu.memory_space<vmem>> -> memref<128x32xf32, #tpu.memory_space<vmem>>
        %dma_wait3A_99 = arith.constant 0 : i32
        %dma_wait3A_100 = tpu.memref_slice %arg8[%run_scoped3A_75, %dma_wait3A_99] : memref<4x128xi32, #tpu.memory_space<vmem>> -> memref<1x128xi32, #tpu.memory_space<vmem>>
        %dma_wait3A_101 = tpu.memref_squeeze %dma_wait3A_100 : memref<1x128xi32, #tpu.memory_space<vmem>> -> memref<128xi32, #tpu.memory_space<vmem>>
        %dma_wait3A_102 = arith.constant 0 : i32
        %dma_wait3A_103 = arith.constant 0 : i32
        %dma_wait3A_104 = tpu.memref_slice %arg9[%dma_wait3A_102, %dma_wait3A_103] : memref<16640x32xf32, #tpu.memory_space<vmem_shared>> -> memref<16640x32xf32, #tpu.memory_space<vmem_shared>>
        tpu.wait_indirect_dma semaphore(%run_scoped3A_80 : memref<!tpu.dma_semaphore, #tpu.memory_space<semaphore_mem>>) src(%dma_wait3A_98 : memref<128x32xf32, #tpu.memory_space<vmem>>) dst(%dma_wait3A_104 : memref<16640x32xf32, #tpu.memory_space<vmem_shared>>)
        tpu.yield
      }) : () -> ()
      %run_scoped3A_76 = arith.constant 1 : i32
      %run_scoped3A_77 = arith.constant 2 : i32
      "tpu.region"() ({
        %run_scoped3A_80 = tpu.sem_alloc : memref<!tpu.dma_semaphore, #tpu.memory_space<semaphore_mem>>
        %dma_start3A = arith.constant 0 : i32
        %dma_start3A_81 = arith.constant 0 : i32
        %dma_start3A_82 = tpu.memref_slice %arg7[%run_scoped3A_76, %dma_start3A, %dma_start3A_81] : memref<2x256x32xf32, #tpu.memory_space<vmem>> -> memref<1x256x32xf32, #tpu.memory_space<vmem>>
        %dma_start3A_83 = tpu.memref_squeeze %dma_start3A_82 : memref<1x256x32xf32, #tpu.memory_space<vmem>> -> memref<256x32xf32, #tpu.memory_space<vmem>>
        %dma_start3A_84 = arith.constant 0 : i32
        %dma_start3A_85 = arith.constant 0 : i32
        %dma_start3A_86 = tpu.memref_slice %dma_start3A_83[%dma_start3A_84, %dma_start3A_85] : memref<256x32xf32, #tpu.memory_space<vmem>> -> memref<128x32xf32, #tpu.memory_space<vmem>>
        %dma_start3A_87 = arith.constant 0 : i32
        %dma_start3A_88 = tpu.memref_slice %arg8[%run_scoped3A_77, %dma_start3A_87] : memref<4x128xi32, #tpu.memory_space<vmem>> -> memref<1x128xi32, #tpu.memory_space<vmem>>
        %dma_start3A_89 = tpu.memref_squeeze %dma_start3A_88 : memref<1x128xi32, #tpu.memory_space<vmem>> -> memref<128xi32, #tpu.memory_space<vmem>>
        %dma_start3A_90 = arith.constant 0 : i32
        %dma_start3A_91 = arith.constant 0 : i32
        %dma_start3A_92 = tpu.memref_slice %arg9[%dma_start3A_90, %dma_start3A_91] : memref<16640x32xf32, #tpu.memory_space<vmem_shared>> -> memref<16640x32xf32, #tpu.memory_space<vmem_shared>>
        tpu.enqueue_indirect_dma source(%dma_start3A_86 : memref<128x32xf32, #tpu.memory_space<vmem>>) target(%dma_start3A_92 : memref<16640x32xf32, #tpu.memory_space<vmem_shared>>) offsets(%dma_start3A_89 : memref<128xi32, #tpu.memory_space<vmem>>) semaphore(%run_scoped3A_80 : memref<!tpu.dma_semaphore, #tpu.memory_space<semaphore_mem>>) {add = true}
        %dma_wait3A = arith.constant 0 : i32
        %dma_wait3A_93 = arith.constant 0 : i32
        %dma_wait3A_94 = tpu.memref_slice %arg7[%run_scoped3A_76, %dma_wait3A, %dma_wait3A_93] : memref<2x256x32xf32, #tpu.memory_space<vmem>> -> memref<1x256x32xf32, #tpu.memory_space<vmem>>
        %dma_wait3A_95 = tpu.memref_squeeze %dma_wait3A_94 : memref<1x256x32xf32, #tpu.memory_space<vmem>> -> memref<256x32xf32, #tpu.memory_space<vmem>>
        %dma_wait3A_96 = arith.constant 0 : i32
        %dma_wait3A_97 = arith.constant 0 : i32
        %dma_wait3A_98 = tpu.memref_slice %dma_wait3A_95[%dma_wait3A_96, %dma_wait3A_97] : memref<256x32xf32, #tpu.memory_space<vmem>> -> memref<128x32xf32, #tpu.memory_space<vmem>>
        %dma_wait3A_99 = arith.constant 0 : i32
        %dma_wait3A_100 = tpu.memref_slice %arg8[%run_scoped3A_77, %dma_wait3A_99] : memref<4x128xi32, #tpu.memory_space<vmem>> -> memref<1x128xi32, #tpu.memory_space<vmem>>
        %dma_wait3A_101 = tpu.memref_squeeze %dma_wait3A_100 : memref<1x128xi32, #tpu.memory_space<vmem>> -> memref<128xi32, #tpu.memory_space<vmem>>
        %dma_wait3A_102 = arith.constant 0 : i32
        %dma_wait3A_103 = arith.constant 0 : i32
        %dma_wait3A_104 = tpu.memref_slice %arg9[%dma_wait3A_102, %dma_wait3A_103] : memref<16640x32xf32, #tpu.memory_space<vmem_shared>> -> memref<16640x32xf32, #tpu.memory_space<vmem_shared>>
        tpu.wait_indirect_dma semaphore(%run_scoped3A_80 : memref<!tpu.dma_semaphore, #tpu.memory_space<semaphore_mem>>) src(%dma_wait3A_98 : memref<128x32xf32, #tpu.memory_space<vmem>>) dst(%dma_wait3A_104 : memref<16640x32xf32, #tpu.memory_space<vmem_shared>>)
        tpu.yield
      }) : () -> ()
      %run_scoped3A_78 = arith.constant 1 : i32
      %run_scoped3A_79 = arith.constant 3 : i32
      "tpu.region"() ({
        %run_scoped3A_80 = tpu.sem_alloc : memref<!tpu.dma_semaphore, #tpu.memory_space<semaphore_mem>>
        %dma_start3A = arith.constant 0 : i32
        %dma_start3A_81 = arith.constant 0 : i32
        %dma_start3A_82 = tpu.memref_slice %arg7[%run_scoped3A_78, %dma_start3A, %dma_start3A_81] : memref<2x256x32xf32, #tpu.memory_space<vmem>> -> memref<1x256x32xf32, #tpu.memory_space<vmem>>
        %dma_start3A_83 = tpu.memref_squeeze %dma_start3A_82 : memref<1x256x32xf32, #tpu.memory_space<vmem>> -> memref<256x32xf32, #tpu.memory_space<vmem>>
        %dma_start3A_84 = arith.constant 128 : i32
        %dma_start3A_85 = arith.constant 0 : i32
        %dma_start3A_86 = tpu.memref_slice %dma_start3A_83[%dma_start3A_84, %dma_start3A_85] : memref<256x32xf32, #tpu.memory_space<vmem>> -> memref<128x32xf32, #tpu.memory_space<vmem>>
        %dma_start3A_87 = arith.constant 0 : i32
        %dma_start3A_88 = tpu.memref_slice %arg8[%run_scoped3A_79, %dma_start3A_87] : memref<4x128xi32, #tpu.memory_space<vmem>> -> memref<1x128xi32, #tpu.memory_space<vmem>>
        %dma_start3A_89 = tpu.memref_squeeze %dma_start3A_88 : memref<1x128xi32, #tpu.memory_space<vmem>> -> memref<128xi32, #tpu.memory_space<vmem>>
        %dma_start3A_90 = arith.constant 0 : i32
        %dma_start3A_91 = arith.constant 0 : i32
        %dma_start3A_92 = tpu.memref_slice %arg9[%dma_start3A_90, %dma_start3A_91] : memref<16640x32xf32, #tpu.memory_space<vmem_shared>> -> memref<16640x32xf32, #tpu.memory_space<vmem_shared>>
        tpu.enqueue_indirect_dma source(%dma_start3A_86 : memref<128x32xf32, #tpu.memory_space<vmem>>) target(%dma_start3A_92 : memref<16640x32xf32, #tpu.memory_space<vmem_shared>>) offsets(%dma_start3A_89 : memref<128xi32, #tpu.memory_space<vmem>>) semaphore(%run_scoped3A_80 : memref<!tpu.dma_semaphore, #tpu.memory_space<semaphore_mem>>) {add = true}
        %dma_wait3A = arith.constant 0 : i32
        %dma_wait3A_93 = arith.constant 0 : i32
        %dma_wait3A_94 = tpu.memref_slice %arg7[%run_scoped3A_78, %dma_wait3A, %dma_wait3A_93] : memref<2x256x32xf32, #tpu.memory_space<vmem>> -> memref<1x256x32xf32, #tpu.memory_space<vmem>>
        %dma_wait3A_95 = tpu.memref_squeeze %dma_wait3A_94 : memref<1x256x32xf32, #tpu.memory_space<vmem>> -> memref<256x32xf32, #tpu.memory_space<vmem>>
        %dma_wait3A_96 = arith.constant 128 : i32
        %dma_wait3A_97 = arith.constant 0 : i32
        %dma_wait3A_98 = tpu.memref_slice %dma_wait3A_95[%dma_wait3A_96, %dma_wait3A_97] : memref<256x32xf32, #tpu.memory_space<vmem>> -> memref<128x32xf32, #tpu.memory_space<vmem>>
        %dma_wait3A_99 = arith.constant 0 : i32
        %dma_wait3A_100 = tpu.memref_slice %arg8[%run_scoped3A_79, %dma_wait3A_99] : memref<4x128xi32, #tpu.memory_space<vmem>> -> memref<1x128xi32, #tpu.memory_space<vmem>>
        %dma_wait3A_101 = tpu.memref_squeeze %dma_wait3A_100 : memref<1x128xi32, #tpu.memory_space<vmem>> -> memref<128xi32, #tpu.memory_space<vmem>>
        %dma_wait3A_102 = arith.constant 0 : i32
        %dma_wait3A_103 = arith.constant 0 : i32
        %dma_wait3A_104 = tpu.memref_slice %arg9[%dma_wait3A_102, %dma_wait3A_103] : memref<16640x32xf32, #tpu.memory_space<vmem_shared>> -> memref<16640x32xf32, #tpu.memory_space<vmem_shared>>
        tpu.wait_indirect_dma semaphore(%run_scoped3A_80 : memref<!tpu.dma_semaphore, #tpu.memory_space<semaphore_mem>>) src(%dma_wait3A_98 : memref<128x32xf32, #tpu.memory_space<vmem>>) dst(%dma_wait3A_104 : memref<16640x32xf32, #tpu.memory_space<vmem_shared>>)
        tpu.yield
      }) : () -> ()
    }
    %scan3A_7 = arith.constant 36 : i32
    %barrier3A_8 = arith.constant 0 : index
    tpu.barrier barrier_id(%barrier3A_8)
    "tpu.region"() ({
      %run_scoped3A = tpu.sem_alloc : memref<!tpu.dma_semaphore, #tpu.memory_space<semaphore_mem>>
      %dma_start3A = arith.constant 0 : i32
      %dma_start3A_9 = tpu.memref_slice %arg6[%arg0, %mul3A_0, %dma_start3A] : memref<2x16640x32xf32, #tpu.memory_space<hbm>> -> memref<1x1040x32xf32, #tpu.memory_space<hbm>>
      %dma_start3A_10 = tpu.memref_squeeze %dma_start3A_9 : memref<1x1040x32xf32, #tpu.memory_space<hbm>> -> memref<1040x32xf32, #tpu.memory_space<hbm>>
      %dma_start3A_11 = arith.constant 0 : i32
      %dma_start3A_12 = tpu.memref_slice %arg9[%mul3A_0, %dma_start3A_11] : memref<16640x32xf32, #tpu.memory_space<vmem_shared>> -> memref<1040x32xf32, #tpu.memory_space<vmem_shared>>
      tpu.enqueue_dma source(%dma_start3A_12 : memref<1040x32xf32, #tpu.memory_space<vmem_shared>>) target(%dma_start3A_10 : memref<1040x32xf32, #tpu.memory_space<hbm>>) target_semaphore(%run_scoped3A : memref<!tpu.dma_semaphore, #tpu.memory_space<semaphore_mem>>)
      %dma_wait3A = arith.constant 0 : i32
      %dma_wait3A_13 = tpu.memref_slice %arg6[%arg0, %mul3A_0, %dma_wait3A] : memref<2x16640x32xf32, #tpu.memory_space<hbm>> -> memref<1x1040x32xf32, #tpu.memory_space<hbm>>
      %dma_wait3A_14 = tpu.memref_squeeze %dma_wait3A_13 : memref<1x1040x32xf32, #tpu.memory_space<hbm>> -> memref<1040x32xf32, #tpu.memory_space<hbm>>
      %dma_wait3A_15 = arith.constant 0 : i32
      %dma_wait3A_16 = tpu.memref_slice %arg9[%mul3A_0, %dma_wait3A_15] : memref<16640x32xf32, #tpu.memory_space<vmem_shared>> -> memref<1040x32xf32, #tpu.memory_space<vmem_shared>>
      tpu.wait_dma2 semaphore(%run_scoped3A : memref<!tpu.dma_semaphore, #tpu.memory_space<semaphore_mem>>) src(%dma_wait3A_16 : memref<1040x32xf32, #tpu.memory_space<vmem_shared>>) dst(%dma_wait3A_14 : memref<1040x32xf32, #tpu.memory_space<hbm>>)
      tpu.yield
    }) : () -> ()
    return
  }
}

#map = affine_map<(d0, d1) -> (0, 0)>
module attributes {stable_mosaic.version = 14 : i64} {
  func.func @gath(%arg0: i32, %arg1: i32, %arg2: memref<268435x32xf32, #tpu.memory_space<hbm>>, %arg3: memref<2304x128xi32, #tpu.memory_space<hbm>>, %arg4: memref<2304x128xi32, #tpu.memory_space<hbm>>, %arg5: memref<16640x32xf32, #tpu.memory_space<hbm>>, %arg6: memref<16640x32xf32, #tpu.memory_space<hbm>>, %arg7: memref<268435x32xf32, #tpu.memory_space<hbm>>, %arg8: memref<256x32xf32, #tpu.memory_space<vmem>>, %arg9: memref<256x32xf32, #tpu.memory_space<vmem>>, %arg10: memref<256x32xf32, #tpu.memory_space<vmem>>, %arg11: memref<72x128xi32, #tpu.memory_space<vmem>>, %arg12: memref<72x128xi32, #tpu.memory_space<vmem>>, %arg13: memref<!tpu.dma_semaphore, #tpu.memory_space<semaphore_mem>>) attributes {dimension_semantics = [#tpu.dimension_semantics<core_parallel>, #tpu.dimension_semantics<subcore_parallel>], iteration_bounds = array<i64: 2, 16>, scalar_prefetch = 0 : i64, scratch_operands = 6 : i64, tpu.core_type = #tpu.core_type<sc_vector_subcore>, window_params = [{transform_indices = #map}, {transform_indices = #map}, {transform_indices = #map}, {transform_indices = #map}, {transform_indices = #map}, {transform_indices = #map}]} {
    %mul3A = arith.constant 2 : i32
    %mul3A_0 = arith.muli %arg1, %mul3A : i32
    %add3A = arith.addi %mul3A_0, %arg0 : i32
    %mul3A_1 = arith.constant 9216 : i32
    %mul3A_2 = arith.muli %add3A, %mul3A_1 : i32
    %mul3A_3 = arith.constant 72 : i32
    %mul3A_4 = arith.muli %add3A, %mul3A_3 : i32
    "tpu.region"() ({
      %run_scoped3A = tpu.sem_alloc : memref<!tpu.dma_semaphore, #tpu.memory_space<semaphore_mem>>
      %dma_start3A = arith.constant 0 : i32
      %dma_start3A_10 = tpu.memref_slice %arg3[%mul3A_4, %dma_start3A] : memref<2304x128xi32, #tpu.memory_space<hbm>> -> memref<72x128xi32, #tpu.memory_space<hbm>>
      %dma_start3A_11 = arith.constant 0 : i32
      %dma_start3A_12 = tpu.memref_slice %arg3[%mul3A_4, %dma_start3A_11] : memref<2304x128xi32, #tpu.memory_space<hbm>> -> memref<72x128xi32, #tpu.memory_space<hbm>>
      tpu.enqueue_dma source(%dma_start3A_12 : memref<72x128xi32, #tpu.memory_space<hbm>>) target(%arg11 : memref<72x128xi32, #tpu.memory_space<vmem>>) target_semaphore(%run_scoped3A : memref<!tpu.dma_semaphore, #tpu.memory_space<semaphore_mem>>)
      %dma_wait3A = arith.constant 0 : i32
      %dma_wait3A_13 = tpu.memref_slice %arg3[%mul3A_4, %dma_wait3A] : memref<2304x128xi32, #tpu.memory_space<hbm>> -> memref<72x128xi32, #tpu.memory_space<hbm>>
      %dma_wait3A_14 = arith.constant 0 : i32
      %dma_wait3A_15 = tpu.memref_slice %arg3[%mul3A_4, %dma_wait3A_14] : memref<2304x128xi32, #tpu.memory_space<hbm>> -> memref<72x128xi32, #tpu.memory_space<hbm>>
      tpu.wait_dma2 semaphore(%run_scoped3A : memref<!tpu.dma_semaphore, #tpu.memory_space<semaphore_mem>>) src(%dma_wait3A_15 : memref<72x128xi32, #tpu.memory_space<hbm>>) dst(%arg11 : memref<72x128xi32, #tpu.memory_space<vmem>>)
      tpu.yield
    }) : () -> ()
    "tpu.region"() ({
      %run_scoped3A = tpu.sem_alloc : memref<!tpu.dma_semaphore, #tpu.memory_space<semaphore_mem>>
      %dma_start3A = arith.constant 0 : i32
      %dma_start3A_10 = tpu.memref_slice %arg4[%mul3A_4, %dma_start3A] : memref<2304x128xi32, #tpu.memory_space<hbm>> -> memref<72x128xi32, #tpu.memory_space<hbm>>
      %dma_start3A_11 = arith.constant 0 : i32
      %dma_start3A_12 = tpu.memref_slice %arg4[%mul3A_4, %dma_start3A_11] : memref<2304x128xi32, #tpu.memory_space<hbm>> -> memref<72x128xi32, #tpu.memory_space<hbm>>
      tpu.enqueue_dma source(%dma_start3A_12 : memref<72x128xi32, #tpu.memory_space<hbm>>) target(%arg12 : memref<72x128xi32, #tpu.memory_space<vmem>>) target_semaphore(%run_scoped3A : memref<!tpu.dma_semaphore, #tpu.memory_space<semaphore_mem>>)
      %dma_wait3A = arith.constant 0 : i32
      %dma_wait3A_13 = tpu.memref_slice %arg4[%mul3A_4, %dma_wait3A] : memref<2304x128xi32, #tpu.memory_space<hbm>> -> memref<72x128xi32, #tpu.memory_space<hbm>>
      %dma_wait3A_14 = arith.constant 0 : i32
      %dma_wait3A_15 = tpu.memref_slice %arg4[%mul3A_4, %dma_wait3A_14] : memref<2304x128xi32, #tpu.memory_space<hbm>> -> memref<72x128xi32, #tpu.memory_space<hbm>>
      tpu.wait_dma2 semaphore(%run_scoped3A : memref<!tpu.dma_semaphore, #tpu.memory_space<semaphore_mem>>) src(%dma_wait3A_15 : memref<72x128xi32, #tpu.memory_space<hbm>>) dst(%arg12 : memref<72x128xi32, #tpu.memory_space<vmem>>)
      tpu.yield
    }) : () -> ()
    %scan3A = arith.constant 0 : i32
    %scan3A_5 = arith.constant 0 : i32
    %scan3A_6 = arith.constant 36 : i32
    %scan3A_7 = arith.addi %scan3A_5, %scan3A_6 : i32
    %scan3A_8 = arith.constant 1 : i32
    scf.for %scan3A_10 = %scan3A_5 to %scan3A_7 step %scan3A_8  : i32 {
      %mul3A_11 = arith.constant 256 : i32
      %mul3A_12 = arith.muli %scan3A_10, %mul3A_11 : i32
      %add3A_13 = arith.addi %mul3A_2, %mul3A_12 : i32
      %multiple_of3A = tpu.assume_multiple %add3A_13, 256 : i32
      %add3A_14 = arith.constant 256 : i32
      %add3A_15 = arith.addi %multiple_of3A, %add3A_14 : i32
      %le3A = arith.constant 268435 : i32
      %le3A_16 = arith.cmpi sle, %add3A_15, %le3A : i32
      %lt3A = arith.constant 268435 : i32
      %lt3A_17 = arith.cmpi slt, %multiple_of3A, %lt3A : i32
      %not3A = arith.constant true
      %not3A_18 = arith.xori %le3A_16, %not3A : i1
      %and3A = arith.andi %lt3A_17, %not3A_18 : i1
      %convert_element_type3A = arith.extui %le3A_16 : i1 to i32
      %cond3A = arith.constant 0 : i32
      %cond3A_19 = arith.cmpi ne, %convert_element_type3A, %cond3A : i32
      scf.if %cond3A_19 {
        %dma_start3A_127 = arith.constant 0 : i32
        %dma_start3A_128 = tpu.memref_slice %arg2[%multiple_of3A, %dma_start3A_127] : memref<268435x32xf32, #tpu.memory_space<hbm>> -> memref<256x32xf32, #tpu.memory_space<hbm>>
        %dma_start3A_129 = arith.constant 0 : i32
        %dma_start3A_130 = tpu.memref_slice %arg2[%multiple_of3A, %dma_start3A_129] : memref<268435x32xf32, #tpu.memory_space<hbm>> -> memref<256x32xf32, #tpu.memory_space<hbm>>
        tpu.enqueue_dma source(%dma_start3A_130 : memref<256x32xf32, #tpu.memory_space<hbm>>) target(%arg8 : memref<256x32xf32, #tpu.memory_space<vmem>>) target_semaphore(%arg13 : memref<!tpu.dma_semaphore, #tpu.memory_space<semaphore_mem>>)
      } else {
      }
      %convert_element_type3A_20 = arith.extui %and3A : i1 to i32
      %cond3A_21 = arith.constant 0 : i32
      %cond3A_22 = arith.cmpi ne, %convert_element_type3A_20, %cond3A_21 : i32
      scf.if %cond3A_22 {
        %dma_start3A_127 = arith.constant 0 : i32
        %dma_start3A_128 = arith.constant 0 : i32
        %dma_start3A_129 = tpu.memref_slice %arg8[%dma_start3A_127, %dma_start3A_128] : memref<256x32xf32, #tpu.memory_space<vmem>> -> memref<147x32xf32, #tpu.memory_space<vmem>>
        %dma_start3A_130 = arith.constant 0 : i32
        %dma_start3A_131 = tpu.memref_slice %arg2[%multiple_of3A, %dma_start3A_130] : memref<268435x32xf32, #tpu.memory_space<hbm>> -> memref<147x32xf32, #tpu.memory_space<hbm>>
        %dma_start3A_132 = arith.constant 0 : i32
        %dma_start3A_133 = arith.constant 0 : i32
        %dma_start3A_134 = tpu.memref_slice %arg8[%dma_start3A_132, %dma_start3A_133] : memref<256x32xf32, #tpu.memory_space<vmem>> -> memref<147x32xf32, #tpu.memory_space<vmem>>
        %dma_start3A_135 = arith.constant 0 : i32
        %dma_start3A_136 = tpu.memref_slice %arg2[%multiple_of3A, %dma_start3A_135] : memref<268435x32xf32, #tpu.memory_space<hbm>> -> memref<147x32xf32, #tpu.memory_space<hbm>>
        tpu.enqueue_dma source(%dma_start3A_136 : memref<147x32xf32, #tpu.memory_space<hbm>>) target(%dma_start3A_134 : memref<147x32xf32, #tpu.memory_space<vmem>>) target_semaphore(%arg13 : memref<!tpu.dma_semaphore, #tpu.memory_space<semaphore_mem>>)
      } else {
      }
      %mul3A_23 = arith.constant 2 : i32
      %mul3A_24 = arith.muli %scan3A_10, %mul3A_23 : i32
      %add3A_25 = arith.constant 0 : i32
      %add3A_26 = arith.addi %mul3A_24, %add3A_25 : i32
      %dma_start3A = arith.constant 0 : i32
      %dma_start3A_27 = arith.constant 0 : i32
      %dma_start3A_28 = tpu.memref_slice %arg9[%dma_start3A, %dma_start3A_27] : memref<256x32xf32, #tpu.memory_space<vmem>> -> memref<128x32xf32, #tpu.memory_space<vmem>>
      %dma_start3A_29 = arith.constant 0 : i32
      %dma_start3A_30 = tpu.memref_slice %arg11[%add3A_26, %dma_start3A_29] : memref<72x128xi32, #tpu.memory_space<vmem>> -> memref<1x128xi32, #tpu.memory_space<vmem>>
      %dma_start3A_31 = tpu.memref_squeeze %dma_start3A_30 : memref<1x128xi32, #tpu.memory_space<vmem>> -> memref<128xi32, #tpu.memory_space<vmem>>
      %dma_start3A_32 = arith.constant 0 : i32
      %dma_start3A_33 = arith.constant 0 : i32
      %dma_start3A_34 = tpu.memref_slice %arg5[%dma_start3A_32, %dma_start3A_33] : memref<16640x32xf32, #tpu.memory_space<hbm>> -> memref<16640x32xf32, #tpu.memory_space<hbm>>
      tpu.enqueue_indirect_dma source(%dma_start3A_34 : memref<16640x32xf32, #tpu.memory_space<hbm>>) target(%dma_start3A_28 : memref<128x32xf32, #tpu.memory_space<vmem>>) offsets(%dma_start3A_31 : memref<128xi32, #tpu.memory_space<vmem>>) semaphore(%arg13 : memref<!tpu.dma_semaphore, #tpu.memory_space<semaphore_mem>>)
      %mul3A_35 = arith.constant 2 : i32
      %mul3A_36 = arith.muli %scan3A_10, %mul3A_35 : i32
      %add3A_37 = arith.constant 0 : i32
      %add3A_38 = arith.addi %mul3A_36, %add3A_37 : i32
      %dma_start3A_39 = arith.constant 0 : i32
      %dma_start3A_40 = arith.constant 0 : i32
      %dma_start3A_41 = tpu.memref_slice %arg10[%dma_start3A_39, %dma_start3A_40] : memref<256x32xf32, #tpu.memory_space<vmem>> -> memref<128x32xf32, #tpu.memory_space<vmem>>
      %dma_start3A_42 = arith.constant 0 : i32
      %dma_start3A_43 = tpu.memref_slice %arg12[%add3A_38, %dma_start3A_42] : memref<72x128xi32, #tpu.memory_space<vmem>> -> memref<1x128xi32, #tpu.memory_space<vmem>>
      %dma_start3A_44 = tpu.memref_squeeze %dma_start3A_43 : memref<1x128xi32, #tpu.memory_space<vmem>> -> memref<128xi32, #tpu.memory_space<vmem>>
      %dma_start3A_45 = arith.constant 0 : i32
      %dma_start3A_46 = arith.constant 0 : i32
      %dma_start3A_47 = tpu.memref_slice %arg6[%dma_start3A_45, %dma_start3A_46] : memref<16640x32xf32, #tpu.memory_space<hbm>> -> memref<16640x32xf32, #tpu.memory_space<hbm>>
      tpu.enqueue_indirect_dma source(%dma_start3A_47 : memref<16640x32xf32, #tpu.memory_space<hbm>>) target(%dma_start3A_41 : memref<128x32xf32, #tpu.memory_space<vmem>>) offsets(%dma_start3A_44 : memref<128xi32, #tpu.memory_space<vmem>>) semaphore(%arg13 : memref<!tpu.dma_semaphore, #tpu.memory_space<semaphore_mem>>)
      %mul3A_48 = arith.constant 2 : i32
      %mul3A_49 = arith.muli %scan3A_10, %mul3A_48 : i32
      %add3A_50 = arith.constant 1 : i32
      %add3A_51 = arith.addi %mul3A_49, %add3A_50 : i32
      %dma_start3A_52 = arith.constant 128 : i32
      %dma_start3A_53 = arith.constant 0 : i32
      %dma_start3A_54 = tpu.memref_slice %arg9[%dma_start3A_52, %dma_start3A_53] : memref<256x32xf32, #tpu.memory_space<vmem>> -> memref<128x32xf32, #tpu.memory_space<vmem>>
      %dma_start3A_55 = arith.constant 0 : i32
      %dma_start3A_56 = tpu.memref_slice %arg11[%add3A_51, %dma_start3A_55] : memref<72x128xi32, #tpu.memory_space<vmem>> -> memref<1x128xi32, #tpu.memory_space<vmem>>
      %dma_start3A_57 = tpu.memref_squeeze %dma_start3A_56 : memref<1x128xi32, #tpu.memory_space<vmem>> -> memref<128xi32, #tpu.memory_space<vmem>>
      %dma_start3A_58 = arith.constant 0 : i32
      %dma_start3A_59 = arith.constant 0 : i32
      %dma_start3A_60 = tpu.memref_slice %arg5[%dma_start3A_58, %dma_start3A_59] : memref<16640x32xf32, #tpu.memory_space<hbm>> -> memref<16640x32xf32, #tpu.memory_space<hbm>>
      tpu.enqueue_indirect_dma source(%dma_start3A_60 : memref<16640x32xf32, #tpu.memory_space<hbm>>) target(%dma_start3A_54 : memref<128x32xf32, #tpu.memory_space<vmem>>) offsets(%dma_start3A_57 : memref<128xi32, #tpu.memory_space<vmem>>) semaphore(%arg13 : memref<!tpu.dma_semaphore, #tpu.memory_space<semaphore_mem>>)
      %mul3A_61 = arith.constant 2 : i32
      %mul3A_62 = arith.muli %scan3A_10, %mul3A_61 : i32
      %add3A_63 = arith.constant 1 : i32
      %add3A_64 = arith.addi %mul3A_62, %add3A_63 : i32
      %dma_start3A_65 = arith.constant 128 : i32
      %dma_start3A_66 = arith.constant 0 : i32
      %dma_start3A_67 = tpu.memref_slice %arg10[%dma_start3A_65, %dma_start3A_66] : memref<256x32xf32, #tpu.memory_space<vmem>> -> memref<128x32xf32, #tpu.memory_space<vmem>>
      %dma_start3A_68 = arith.constant 0 : i32
      %dma_start3A_69 = tpu.memref_slice %arg12[%add3A_64, %dma_start3A_68] : memref<72x128xi32, #tpu.memory_space<vmem>> -> memref<1x128xi32, #tpu.memory_space<vmem>>
      %dma_start3A_70 = tpu.memref_squeeze %dma_start3A_69 : memref<1x128xi32, #tpu.memory_space<vmem>> -> memref<128xi32, #tpu.memory_space<vmem>>
      %dma_start3A_71 = arith.constant 0 : i32
      %dma_start3A_72 = arith.constant 0 : i32
      %dma_start3A_73 = tpu.memref_slice %arg6[%dma_start3A_71, %dma_start3A_72] : memref<16640x32xf32, #tpu.memory_space<hbm>> -> memref<16640x32xf32, #tpu.memory_space<hbm>>
      tpu.enqueue_indirect_dma source(%dma_start3A_73 : memref<16640x32xf32, #tpu.memory_space<hbm>>) target(%dma_start3A_67 : memref<128x32xf32, #tpu.memory_space<vmem>>) offsets(%dma_start3A_70 : memref<128xi32, #tpu.memory_space<vmem>>) semaphore(%arg13 : memref<!tpu.dma_semaphore, #tpu.memory_space<semaphore_mem>>)
      %convert_element_type3A_74 = arith.extui %le3A_16 : i1 to i32
      %cond3A_75 = arith.constant 0 : i32
      %cond3A_76 = arith.cmpi ne, %convert_element_type3A_74, %cond3A_75 : i32
      scf.if %cond3A_76 {
        %dma_wait3A_127 = arith.constant 0 : i32
        %dma_wait3A_128 = tpu.memref_slice %arg2[%multiple_of3A, %dma_wait3A_127] : memref<268435x32xf32, #tpu.memory_space<hbm>> -> memref<256x32xf32, #tpu.memory_space<hbm>>
        %dma_wait3A_129 = arith.constant 0 : i32
        %dma_wait3A_130 = tpu.memref_slice %arg2[%multiple_of3A, %dma_wait3A_129] : memref<268435x32xf32, #tpu.memory_space<hbm>> -> memref<256x32xf32, #tpu.memory_space<hbm>>
        tpu.wait_dma2 semaphore(%arg13 : memref<!tpu.dma_semaphore, #tpu.memory_space<semaphore_mem>>) src(%dma_wait3A_130 : memref<256x32xf32, #tpu.memory_space<hbm>>) dst(%arg8 : memref<256x32xf32, #tpu.memory_space<vmem>>)
      } else {
      }
      %convert_element_type3A_77 = arith.extui %and3A : i1 to i32
      %cond3A_78 = arith.constant 0 : i32
      %cond3A_79 = arith.cmpi ne, %convert_element_type3A_77, %cond3A_78 : i32
      scf.if %cond3A_79 {
        %dma_wait3A_127 = arith.constant 0 : i32
        %dma_wait3A_128 = arith.constant 0 : i32
        %dma_wait3A_129 = tpu.memref_slice %arg8[%dma_wait3A_127, %dma_wait3A_128] : memref<256x32xf32, #tpu.memory_space<vmem>> -> memref<147x32xf32, #tpu.memory_space<vmem>>
        %dma_wait3A_130 = arith.constant 0 : i32
        %dma_wait3A_131 = tpu.memref_slice %arg2[%multiple_of3A, %dma_wait3A_130] : memref<268435x32xf32, #tpu.memory_space<hbm>> -> memref<147x32xf32, #tpu.memory_space<hbm>>
        %dma_wait3A_132 = arith.constant 0 : i32
        %dma_wait3A_133 = arith.constant 0 : i32
        %dma_wait3A_134 = tpu.memref_slice %arg8[%dma_wait3A_132, %dma_wait3A_133] : memref<256x32xf32, #tpu.memory_space<vmem>> -> memref<147x32xf32, #tpu.memory_space<vmem>>
        %dma_wait3A_135 = arith.constant 0 : i32
        %dma_wait3A_136 = tpu.memref_slice %arg2[%multiple_of3A, %dma_wait3A_135] : memref<268435x32xf32, #tpu.memory_space<hbm>> -> memref<147x32xf32, #tpu.memory_space<hbm>>
        tpu.wait_dma2 semaphore(%arg13 : memref<!tpu.dma_semaphore, #tpu.memory_space<semaphore_mem>>) src(%dma_wait3A_136 : memref<147x32xf32, #tpu.memory_space<hbm>>) dst(%dma_wait3A_134 : memref<147x32xf32, #tpu.memory_space<vmem>>)
      } else {
      }
      %dma_wait3A = arith.constant 0 : i32
      %dma_wait3A_80 = arith.constant 0 : i32
      %dma_wait3A_81 = tpu.memref_slice %arg9[%dma_wait3A, %dma_wait3A_80] : memref<256x32xf32, #tpu.memory_space<vmem>> -> memref<128x32xf32, #tpu.memory_space<vmem>>
      %dma_wait3A_82 = arith.constant 0 : i32
      %dma_wait3A_83 = tpu.memref_slice %arg11[%add3A_26, %dma_wait3A_82] : memref<72x128xi32, #tpu.memory_space<vmem>> -> memref<1x128xi32, #tpu.memory_space<vmem>>
      %dma_wait3A_84 = tpu.memref_squeeze %dma_wait3A_83 : memref<1x128xi32, #tpu.memory_space<vmem>> -> memref<128xi32, #tpu.memory_space<vmem>>
      %dma_wait3A_85 = arith.constant 0 : i32
      %dma_wait3A_86 = arith.constant 0 : i32
      %dma_wait3A_87 = tpu.memref_slice %arg5[%dma_wait3A_85, %dma_wait3A_86] : memref<16640x32xf32, #tpu.memory_space<hbm>> -> memref<16640x32xf32, #tpu.memory_space<hbm>>
      tpu.wait_indirect_dma semaphore(%arg13 : memref<!tpu.dma_semaphore, #tpu.memory_space<semaphore_mem>>) src(%dma_wait3A_87 : memref<16640x32xf32, #tpu.memory_space<hbm>>) dst(%dma_wait3A_81 : memref<128x32xf32, #tpu.memory_space<vmem>>)
      %dma_wait3A_88 = arith.constant 0 : i32
      %dma_wait3A_89 = arith.constant 0 : i32
      %dma_wait3A_90 = tpu.memref_slice %arg10[%dma_wait3A_88, %dma_wait3A_89] : memref<256x32xf32, #tpu.memory_space<vmem>> -> memref<128x32xf32, #tpu.memory_space<vmem>>
      %dma_wait3A_91 = arith.constant 0 : i32
      %dma_wait3A_92 = tpu.memref_slice %arg12[%add3A_38, %dma_wait3A_91] : memref<72x128xi32, #tpu.memory_space<vmem>> -> memref<1x128xi32, #tpu.memory_space<vmem>>
      %dma_wait3A_93 = tpu.memref_squeeze %dma_wait3A_92 : memref<1x128xi32, #tpu.memory_space<vmem>> -> memref<128xi32, #tpu.memory_space<vmem>>
      %dma_wait3A_94 = arith.constant 0 : i32
      %dma_wait3A_95 = arith.constant 0 : i32
      %dma_wait3A_96 = tpu.memref_slice %arg6[%dma_wait3A_94, %dma_wait3A_95] : memref<16640x32xf32, #tpu.memory_space<hbm>> -> memref<16640x32xf32, #tpu.memory_space<hbm>>
      tpu.wait_indirect_dma semaphore(%arg13 : memref<!tpu.dma_semaphore, #tpu.memory_space<semaphore_mem>>) src(%dma_wait3A_96 : memref<16640x32xf32, #tpu.memory_space<hbm>>) dst(%dma_wait3A_90 : memref<128x32xf32, #tpu.memory_space<vmem>>)
      %dma_wait3A_97 = arith.constant 128 : i32
      %dma_wait3A_98 = arith.constant 0 : i32
      %dma_wait3A_99 = tpu.memref_slice %arg9[%dma_wait3A_97, %dma_wait3A_98] : memref<256x32xf32, #tpu.memory_space<vmem>> -> memref<128x32xf32, #tpu.memory_space<vmem>>
      %dma_wait3A_100 = arith.constant 0 : i32
      %dma_wait3A_101 = tpu.memref_slice %arg11[%add3A_51, %dma_wait3A_100] : memref<72x128xi32, #tpu.memory_space<vmem>> -> memref<1x128xi32, #tpu.memory_space<vmem>>
      %dma_wait3A_102 = tpu.memref_squeeze %dma_wait3A_101 : memref<1x128xi32, #tpu.memory_space<vmem>> -> memref<128xi32, #tpu.memory_space<vmem>>
      %dma_wait3A_103 = arith.constant 0 : i32
      %dma_wait3A_104 = arith.constant 0 : i32
      %dma_wait3A_105 = tpu.memref_slice %arg5[%dma_wait3A_103, %dma_wait3A_104] : memref<16640x32xf32, #tpu.memory_space<hbm>> -> memref<16640x32xf32, #tpu.memory_space<hbm>>
      tpu.wait_indirect_dma semaphore(%arg13 : memref<!tpu.dma_semaphore, #tpu.memory_space<semaphore_mem>>) src(%dma_wait3A_105 : memref<16640x32xf32, #tpu.memory_space<hbm>>) dst(%dma_wait3A_99 : memref<128x32xf32, #tpu.memory_space<vmem>>)
      %dma_wait3A_106 = arith.constant 128 : i32
      %dma_wait3A_107 = arith.constant 0 : i32
      %dma_wait3A_108 = tpu.memref_slice %arg10[%dma_wait3A_106, %dma_wait3A_107] : memref<256x32xf32, #tpu.memory_space<vmem>> -> memref<128x32xf32, #tpu.memory_space<vmem>>
      %dma_wait3A_109 = arith.constant 0 : i32
      %dma_wait3A_110 = tpu.memref_slice %arg12[%add3A_64, %dma_wait3A_109] : memref<72x128xi32, #tpu.memory_space<vmem>> -> memref<1x128xi32, #tpu.memory_space<vmem>>
      %dma_wait3A_111 = tpu.memref_squeeze %dma_wait3A_110 : memref<1x128xi32, #tpu.memory_space<vmem>> -> memref<128xi32, #tpu.memory_space<vmem>>
      %dma_wait3A_112 = arith.constant 0 : i32
      %dma_wait3A_113 = arith.constant 0 : i32
      %dma_wait3A_114 = tpu.memref_slice %arg6[%dma_wait3A_112, %dma_wait3A_113] : memref<16640x32xf32, #tpu.memory_space<hbm>> -> memref<16640x32xf32, #tpu.memory_space<hbm>>
      tpu.wait_indirect_dma semaphore(%arg13 : memref<!tpu.dma_semaphore, #tpu.memory_space<semaphore_mem>>) src(%dma_wait3A_114 : memref<16640x32xf32, #tpu.memory_space<hbm>>) dst(%dma_wait3A_108 : memref<128x32xf32, #tpu.memory_space<vmem>>)
      %scan3A_115 = arith.constant 0 : i32
      %scan3A_116 = arith.constant 0 : i32
      %scan3A_117 = arith.constant 64 : i32
      %scan3A_118 = arith.addi %scan3A_116, %scan3A_117 : i32
      %scan3A_119 = arith.constant 1 : i32
      scf.for %scan3A_127 = %scan3A_116 to %scan3A_118 step %scan3A_119  : i32 {
        %mul3A_128 = arith.constant 4 : i32
        %mul3A_129 = arith.muli %scan3A_127, %mul3A_128 : i32
        %add3A_130 = arith.constant 0 : i32
        %add3A_131 = arith.addi %mul3A_129, %add3A_130 : i32
        %get3A = arith.index_cast %add3A_131 : i32 to index
        %get3A_132 = arith.constant 0 : index
        %get3A_133 = tpu.vector_load %arg8[%get3A, %get3A_132] {strides = array<i32>} : memref<256x32xf32, #tpu.memory_space<vmem>>, vector<1x16xf32>,
        %get3A_134 = vector.shape_cast %get3A_133 : vector<1x16xf32> to vector<16xf32>
        %get3A_135 = arith.index_cast %add3A_131 : i32 to index
        %get3A_136 = arith.constant 0 : index
        %get3A_137 = tpu.vector_load %arg9[%get3A_135, %get3A_136] {strides = array<i32>} : memref<256x32xf32, #tpu.memory_space<vmem>>, vector<1x16xf32>,
        %get3A_138 = vector.shape_cast %get3A_137 : vector<1x16xf32> to vector<16xf32>
        %add3A_139 = arith.addf %get3A_134, %get3A_138 : vector<16xf32>
        %get3A_140 = arith.index_cast %add3A_131 : i32 to index
        %get3A_141 = arith.constant 0 : index
        %get3A_142 = tpu.vector_load %arg10[%get3A_140, %get3A_141] {strides = array<i32>} : memref<256x32xf32, #tpu.memory_space<vmem>>, vector<1x16xf32>,
        %get3A_143 = vector.shape_cast %get3A_142 : vector<1x16xf32> to vector<16xf32>
        %add3A_144 = arith.addf %add3A_139, %get3A_143 : vector<16xf32>
        %max3A = arith.constant 0.000000e+00 : f32
        %max3A_145 = vector.broadcast %max3A : f32 to vector<16xf32>
        %max3A_146 = arith.maximumf %add3A_144, %max3A_145 : vector<16xf32>
        %swap3A = arith.index_cast %add3A_131 : i32 to index
        %swap3A_147 = arith.constant 0 : index
        %swap3A_148 = tpu.vector_load %arg8[%swap3A, %swap3A_147] {strides = array<i32>} : memref<256x32xf32, #tpu.memory_space<vmem>>, vector<1x16xf32>,
        %swap3A_149 = vector.shape_cast %swap3A_148 : vector<1x16xf32> to vector<16xf32>
        %swap3A_150 = vector.shape_cast %max3A_146 : vector<16xf32> to vector<1x16xf32>
        tpu.vector_store %arg8[%swap3A, %swap3A_147], %swap3A_150 {strides = array<i32>} : memref<256x32xf32, #tpu.memory_space<vmem>>, vector<1x16xf32>,
        %get3A_151 = arith.index_cast %add3A_131 : i32 to index
        %get3A_152 = arith.constant 16 : index
        %get3A_153 = tpu.vector_load %arg8[%get3A_151, %get3A_152] {strides = array<i32>} : memref<256x32xf32, #tpu.memory_space<vmem>>, vector<1x16xf32>,
        %get3A_154 = vector.shape_cast %get3A_153 : vector<1x16xf32> to vector<16xf32>
        %get3A_155 = arith.index_cast %add3A_131 : i32 to index
        %get3A_156 = arith.constant 16 : index
        %get3A_157 = tpu.vector_load %arg9[%get3A_155, %get3A_156] {strides = array<i32>} : memref<256x32xf32, #tpu.memory_space<vmem>>, vector<1x16xf32>,
        %get3A_158 = vector.shape_cast %get3A_157 : vector<1x16xf32> to vector<16xf32>
        %add3A_159 = arith.addf %get3A_154, %get3A_158 : vector<16xf32>
        %get3A_160 = arith.index_cast %add3A_131 : i32 to index
        %get3A_161 = arith.constant 16 : index
        %get3A_162 = tpu.vector_load %arg10[%get3A_160, %get3A_161] {strides = array<i32>} : memref<256x32xf32, #tpu.memory_space<vmem>>, vector<1x16xf32>,
        %get3A_163 = vector.shape_cast %get3A_162 : vector<1x16xf32> to vector<16xf32>
        %add3A_164 = arith.addf %add3A_159, %get3A_163 : vector<16xf32>
        %max3A_165 = arith.constant 0.000000e+00 : f32
        %max3A_166 = vector.broadcast %max3A_165 : f32 to vector<16xf32>
        %max3A_167 = arith.maximumf %add3A_164, %max3A_166 : vector<16xf32>
        %swap3A_168 = arith.index_cast %add3A_131 : i32 to index
        %swap3A_169 = arith.constant 16 : index
        %swap3A_170 = tpu.vector_load %arg8[%swap3A_168, %swap3A_169] {strides = array<i32>} : memref<256x32xf32, #tpu.memory_space<vmem>>, vector<1x16xf32>,
        %swap3A_171 = vector.shape_cast %swap3A_170 : vector<1x16xf32> to vector<16xf32>
        %swap3A_172 = vector.shape_cast %max3A_167 : vector<16xf32> to vector<1x16xf32>
        tpu.vector_store %arg8[%swap3A_168, %swap3A_169], %swap3A_172 {strides = array<i32>} : memref<256x32xf32, #tpu.memory_space<vmem>>, vector<1x16xf32>,
        %mul3A_173 = arith.constant 4 : i32
        %mul3A_174 = arith.muli %scan3A_127, %mul3A_173 : i32
        %add3A_175 = arith.constant 1 : i32
        %add3A_176 = arith.addi %mul3A_174, %add3A_175 : i32
        %get3A_177 = arith.index_cast %add3A_176 : i32 to index
        %get3A_178 = arith.constant 0 : index
        %get3A_179 = tpu.vector_load %arg8[%get3A_177, %get3A_178] {strides = array<i32>} : memref<256x32xf32, #tpu.memory_space<vmem>>, vector<1x16xf32>,
        %get3A_180 = vector.shape_cast %get3A_179 : vector<1x16xf32> to vector<16xf32>
        %get3A_181 = arith.index_cast %add3A_176 : i32 to index
        %get3A_182 = arith.constant 0 : index
        %get3A_183 = tpu.vector_load %arg9[%get3A_181, %get3A_182] {strides = array<i32>} : memref<256x32xf32, #tpu.memory_space<vmem>>, vector<1x16xf32>,
        %get3A_184 = vector.shape_cast %get3A_183 : vector<1x16xf32> to vector<16xf32>
        %add3A_185 = arith.addf %get3A_180, %get3A_184 : vector<16xf32>
        %get3A_186 = arith.index_cast %add3A_176 : i32 to index
        %get3A_187 = arith.constant 0 : index
        %get3A_188 = tpu.vector_load %arg10[%get3A_186, %get3A_187] {strides = array<i32>} : memref<256x32xf32, #tpu.memory_space<vmem>>, vector<1x16xf32>,
        %get3A_189 = vector.shape_cast %get3A_188 : vector<1x16xf32> to vector<16xf32>
        %add3A_190 = arith.addf %add3A_185, %get3A_189 : vector<16xf32>
        %max3A_191 = arith.constant 0.000000e+00 : f32
        %max3A_192 = vector.broadcast %max3A_191 : f32 to vector<16xf32>
        %max3A_193 = arith.maximumf %add3A_190, %max3A_192 : vector<16xf32>
        %swap3A_194 = arith.index_cast %add3A_176 : i32 to index
        %swap3A_195 = arith.constant 0 : index
        %swap3A_196 = tpu.vector_load %arg8[%swap3A_194, %swap3A_195] {strides = array<i32>} : memref<256x32xf32, #tpu.memory_space<vmem>>, vector<1x16xf32>,
        %swap3A_197 = vector.shape_cast %swap3A_196 : vector<1x16xf32> to vector<16xf32>
        %swap3A_198 = vector.shape_cast %max3A_193 : vector<16xf32> to vector<1x16xf32>
        tpu.vector_store %arg8[%swap3A_194, %swap3A_195], %swap3A_198 {strides = array<i32>} : memref<256x32xf32, #tpu.memory_space<vmem>>, vector<1x16xf32>,
        %get3A_199 = arith.index_cast %add3A_176 : i32 to index
        %get3A_200 = arith.constant 16 : index
        %get3A_201 = tpu.vector_load %arg8[%get3A_199, %get3A_200] {strides = array<i32>} : memref<256x32xf32, #tpu.memory_space<vmem>>, vector<1x16xf32>,
        %get3A_202 = vector.shape_cast %get3A_201 : vector<1x16xf32> to vector<16xf32>
        %get3A_203 = arith.index_cast %add3A_176 : i32 to index
        %get3A_204 = arith.constant 16 : index
        %get3A_205 = tpu.vector_load %arg9[%get3A_203, %get3A_204] {strides = array<i32>} : memref<256x32xf32, #tpu.memory_space<vmem>>, vector<1x16xf32>,
        %get3A_206 = vector.shape_cast %get3A_205 : vector<1x16xf32> to vector<16xf32>
        %add3A_207 = arith.addf %get3A_202, %get3A_206 : vector<16xf32>
        %get3A_208 = arith.index_cast %add3A_176 : i32 to index
        %get3A_209 = arith.constant 16 : index
        %get3A_210 = tpu.vector_load %arg10[%get3A_208, %get3A_209] {strides = array<i32>} : memref<256x32xf32, #tpu.memory_space<vmem>>, vector<1x16xf32>,
        %get3A_211 = vector.shape_cast %get3A_210 : vector<1x16xf32> to vector<16xf32>
        %add3A_212 = arith.addf %add3A_207, %get3A_211 : vector<16xf32>
        %max3A_213 = arith.constant 0.000000e+00 : f32
        %max3A_214 = vector.broadcast %max3A_213 : f32 to vector<16xf32>
        %max3A_215 = arith.maximumf %add3A_212, %max3A_214 : vector<16xf32>
        %swap3A_216 = arith.index_cast %add3A_176 : i32 to index
        %swap3A_217 = arith.constant 16 : index
        %swap3A_218 = tpu.vector_load %arg8[%swap3A_216, %swap3A_217] {strides = array<i32>} : memref<256x32xf32, #tpu.memory_space<vmem>>, vector<1x16xf32>,
        %swap3A_219 = vector.shape_cast %swap3A_218 : vector<1x16xf32> to vector<16xf32>
        %swap3A_220 = vector.shape_cast %max3A_215 : vector<16xf32> to vector<1x16xf32>
        tpu.vector_store %arg8[%swap3A_216, %swap3A_217], %swap3A_220 {strides = array<i32>} : memref<256x32xf32, #tpu.memory_space<vmem>>, vector<1x16xf32>,
        %mul3A_221 = arith.constant 4 : i32
        %mul3A_222 = arith.muli %scan3A_127, %mul3A_221 : i32
        %add3A_223 = arith.constant 2 : i32
        %add3A_224 = arith.addi %mul3A_222, %add3A_223 : i32
        %get3A_225 = arith.index_cast %add3A_224 : i32 to index
        %get3A_226 = arith.constant 0 : index
        %get3A_227 = tpu.vector_load %arg8[%get3A_225, %get3A_226] {strides = array<i32>} : memref<256x32xf32, #tpu.memory_space<vmem>>, vector<1x16xf32>,
        %get3A_228 = vector.shape_cast %get3A_227 : vector<1x16xf32> to vector<16xf32>
        %get3A_229 = arith.index_cast %add3A_224 : i32 to index
        %get3A_230 = arith.constant 0 : index
        %get3A_231 = tpu.vector_load %arg9[%get3A_229, %get3A_230] {strides = array<i32>} : memref<256x32xf32, #tpu.memory_space<vmem>>, vector<1x16xf32>,
        %get3A_232 = vector.shape_cast %get3A_231 : vector<1x16xf32> to vector<16xf32>
        %add3A_233 = arith.addf %get3A_228, %get3A_232 : vector<16xf32>
        %get3A_234 = arith.index_cast %add3A_224 : i32 to index
        %get3A_235 = arith.constant 0 : index
        %get3A_236 = tpu.vector_load %arg10[%get3A_234, %get3A_235] {strides = array<i32>} : memref<256x32xf32, #tpu.memory_space<vmem>>, vector<1x16xf32>,
        %get3A_237 = vector.shape_cast %get3A_236 : vector<1x16xf32> to vector<16xf32>
        %add3A_238 = arith.addf %add3A_233, %get3A_237 : vector<16xf32>
        %max3A_239 = arith.constant 0.000000e+00 : f32
        %max3A_240 = vector.broadcast %max3A_239 : f32 to vector<16xf32>
        %max3A_241 = arith.maximumf %add3A_238, %max3A_240 : vector<16xf32>
        %swap3A_242 = arith.index_cast %add3A_224 : i32 to index
        %swap3A_243 = arith.constant 0 : index
        %swap3A_244 = tpu.vector_load %arg8[%swap3A_242, %swap3A_243] {strides = array<i32>} : memref<256x32xf32, #tpu.memory_space<vmem>>, vector<1x16xf32>,
        %swap3A_245 = vector.shape_cast %swap3A_244 : vector<1x16xf32> to vector<16xf32>
        %swap3A_246 = vector.shape_cast %max3A_241 : vector<16xf32> to vector<1x16xf32>
        tpu.vector_store %arg8[%swap3A_242, %swap3A_243], %swap3A_246 {strides = array<i32>} : memref<256x32xf32, #tpu.memory_space<vmem>>, vector<1x16xf32>,
        %get3A_247 = arith.index_cast %add3A_224 : i32 to index
        %get3A_248 = arith.constant 16 : index
        %get3A_249 = tpu.vector_load %arg8[%get3A_247, %get3A_248] {strides = array<i32>} : memref<256x32xf32, #tpu.memory_space<vmem>>, vector<1x16xf32>,
        %get3A_250 = vector.shape_cast %get3A_249 : vector<1x16xf32> to vector<16xf32>
        %get3A_251 = arith.index_cast %add3A_224 : i32 to index
        %get3A_252 = arith.constant 16 : index
        %get3A_253 = tpu.vector_load %arg9[%get3A_251, %get3A_252] {strides = array<i32>} : memref<256x32xf32, #tpu.memory_space<vmem>>, vector<1x16xf32>,
        %get3A_254 = vector.shape_cast %get3A_253 : vector<1x16xf32> to vector<16xf32>
        %add3A_255 = arith.addf %get3A_250, %get3A_254 : vector<16xf32>
        %get3A_256 = arith.index_cast %add3A_224 : i32 to index
        %get3A_257 = arith.constant 16 : index
        %get3A_258 = tpu.vector_load %arg10[%get3A_256, %get3A_257] {strides = array<i32>} : memref<256x32xf32, #tpu.memory_space<vmem>>, vector<1x16xf32>,
        %get3A_259 = vector.shape_cast %get3A_258 : vector<1x16xf32> to vector<16xf32>
        %add3A_260 = arith.addf %add3A_255, %get3A_259 : vector<16xf32>
        %max3A_261 = arith.constant 0.000000e+00 : f32
        %max3A_262 = vector.broadcast %max3A_261 : f32 to vector<16xf32>
        %max3A_263 = arith.maximumf %add3A_260, %max3A_262 : vector<16xf32>
        %swap3A_264 = arith.index_cast %add3A_224 : i32 to index
        %swap3A_265 = arith.constant 16 : index
        %swap3A_266 = tpu.vector_load %arg8[%swap3A_264, %swap3A_265] {strides = array<i32>} : memref<256x32xf32, #tpu.memory_space<vmem>>, vector<1x16xf32>,
        %swap3A_267 = vector.shape_cast %swap3A_266 : vector<1x16xf32> to vector<16xf32>
        %swap3A_268 = vector.shape_cast %max3A_263 : vector<16xf32> to vector<1x16xf32>
        tpu.vector_store %arg8[%swap3A_264, %swap3A_265], %swap3A_268 {strides = array<i32>} : memref<256x32xf32, #tpu.memory_space<vmem>>, vector<1x16xf32>,
        %mul3A_269 = arith.constant 4 : i32
        %mul3A_270 = arith.muli %scan3A_127, %mul3A_269 : i32
        %add3A_271 = arith.constant 3 : i32
        %add3A_272 = arith.addi %mul3A_270, %add3A_271 : i32
        %get3A_273 = arith.index_cast %add3A_272 : i32 to index
        %get3A_274 = arith.constant 0 : index
        %get3A_275 = tpu.vector_load %arg8[%get3A_273, %get3A_274] {strides = array<i32>} : memref<256x32xf32, #tpu.memory_space<vmem>>, vector<1x16xf32>,
        %get3A_276 = vector.shape_cast %get3A_275 : vector<1x16xf32> to vector<16xf32>
        %get3A_277 = arith.index_cast %add3A_272 : i32 to index
        %get3A_278 = arith.constant 0 : index
        %get3A_279 = tpu.vector_load %arg9[%get3A_277, %get3A_278] {strides = array<i32>} : memref<256x32xf32, #tpu.memory_space<vmem>>, vector<1x16xf32>,
        %get3A_280 = vector.shape_cast %get3A_279 : vector<1x16xf32> to vector<16xf32>
        %add3A_281 = arith.addf %get3A_276, %get3A_280 : vector<16xf32>
        %get3A_282 = arith.index_cast %add3A_272 : i32 to index
        %get3A_283 = arith.constant 0 : index
        %get3A_284 = tpu.vector_load %arg10[%get3A_282, %get3A_283] {strides = array<i32>} : memref<256x32xf32, #tpu.memory_space<vmem>>, vector<1x16xf32>,
        %get3A_285 = vector.shape_cast %get3A_284 : vector<1x16xf32> to vector<16xf32>
        %add3A_286 = arith.addf %add3A_281, %get3A_285 : vector<16xf32>
        %max3A_287 = arith.constant 0.000000e+00 : f32
        %max3A_288 = vector.broadcast %max3A_287 : f32 to vector<16xf32>
        %max3A_289 = arith.maximumf %add3A_286, %max3A_288 : vector<16xf32>
        %swap3A_290 = arith.index_cast %add3A_272 : i32 to index
        %swap3A_291 = arith.constant 0 : index
        %swap3A_292 = tpu.vector_load %arg8[%swap3A_290, %swap3A_291] {strides = array<i32>} : memref<256x32xf32, #tpu.memory_space<vmem>>, vector<1x16xf32>,
        %swap3A_293 = vector.shape_cast %swap3A_292 : vector<1x16xf32> to vector<16xf32>
        %swap3A_294 = vector.shape_cast %max3A_289 : vector<16xf32> to vector<1x16xf32>
        tpu.vector_store %arg8[%swap3A_290, %swap3A_291], %swap3A_294 {strides = array<i32>} : memref<256x32xf32, #tpu.memory_space<vmem>>, vector<1x16xf32>,
        %get3A_295 = arith.index_cast %add3A_272 : i32 to index
        %get3A_296 = arith.constant 16 : index
        %get3A_297 = tpu.vector_load %arg8[%get3A_295, %get3A_296] {strides = array<i32>} : memref<256x32xf32, #tpu.memory_space<vmem>>, vector<1x16xf32>,
        %get3A_298 = vector.shape_cast %get3A_297 : vector<1x16xf32> to vector<16xf32>
        %get3A_299 = arith.index_cast %add3A_272 : i32 to index
        %get3A_300 = arith.constant 16 : index
        %get3A_301 = tpu.vector_load %arg9[%get3A_299, %get3A_300] {strides = array<i32>} : memref<256x32xf32, #tpu.memory_space<vmem>>, vector<1x16xf32>,
        %get3A_302 = vector.shape_cast %get3A_301 : vector<1x16xf32> to vector<16xf32>
        %add3A_303 = arith.addf %get3A_298, %get3A_302 : vector<16xf32>
        %get3A_304 = arith.index_cast %add3A_272 : i32 to index
        %get3A_305 = arith.constant 16 : index
        %get3A_306 = tpu.vector_load %arg10[%get3A_304, %get3A_305] {strides = array<i32>} : memref<256x32xf32, #tpu.memory_space<vmem>>, vector<1x16xf32>,
        %get3A_307 = vector.shape_cast %get3A_306 : vector<1x16xf32> to vector<16xf32>
        %add3A_308 = arith.addf %add3A_303, %get3A_307 : vector<16xf32>
        %max3A_309 = arith.constant 0.000000e+00 : f32
        %max3A_310 = vector.broadcast %max3A_309 : f32 to vector<16xf32>
        %max3A_311 = arith.maximumf %add3A_308, %max3A_310 : vector<16xf32>
        %swap3A_312 = arith.index_cast %add3A_272 : i32 to index
        %swap3A_313 = arith.constant 16 : index
        %swap3A_314 = tpu.vector_load %arg8[%swap3A_312, %swap3A_313] {strides = array<i32>} : memref<256x32xf32, #tpu.memory_space<vmem>>, vector<1x16xf32>,
        %swap3A_315 = vector.shape_cast %swap3A_314 : vector<1x16xf32> to vector<16xf32>
        %swap3A_316 = vector.shape_cast %max3A_311 : vector<16xf32> to vector<1x16xf32>
        tpu.vector_store %arg8[%swap3A_312, %swap3A_313], %swap3A_316 {strides = array<i32>} : memref<256x32xf32, #tpu.memory_space<vmem>>, vector<1x16xf32>,
      }
      %scan3A_120 = arith.constant 64 : i32
      %convert_element_type3A_121 = arith.extui %le3A_16 : i1 to i32
      %cond3A_122 = arith.constant 0 : i32
      %cond3A_123 = arith.cmpi ne, %convert_element_type3A_121, %cond3A_122 : i32
      scf.if %cond3A_123 {
        "tpu.region"() ({
          %run_scoped3A = tpu.sem_alloc : memref<!tpu.dma_semaphore, #tpu.memory_space<semaphore_mem>>
          %dma_start3A_127 = arith.constant 0 : i32
          %dma_start3A_128 = tpu.memref_slice %arg7[%multiple_of3A, %dma_start3A_127] : memref<268435x32xf32, #tpu.memory_space<hbm>> -> memref<256x32xf32, #tpu.memory_space<hbm>>
          %dma_start3A_129 = arith.constant 0 : i32
          %dma_start3A_130 = tpu.memref_slice %arg7[%multiple_of3A, %dma_start3A_129] : memref<268435x32xf32, #tpu.memory_space<hbm>> -> memref<256x32xf32, #tpu.memory_space<hbm>>
          tpu.enqueue_dma source(%arg8 : memref<256x32xf32, #tpu.memory_space<vmem>>) target(%dma_start3A_130 : memref<256x32xf32, #tpu.memory_space<hbm>>) target_semaphore(%run_scoped3A : memref<!tpu.dma_semaphore, #tpu.memory_space<semaphore_mem>>)
          %dma_wait3A_131 = arith.constant 0 : i32
          %dma_wait3A_132 = tpu.memref_slice %arg7[%multiple_of3A, %dma_wait3A_131] : memref<268435x32xf32, #tpu.memory_space<hbm>> -> memref<256x32xf32, #tpu.memory_space<hbm>>
          %dma_wait3A_133 = arith.constant 0 : i32
          %dma_wait3A_134 = tpu.memref_slice %arg7[%multiple_of3A, %dma_wait3A_133] : memref<268435x32xf32, #tpu.memory_space<hbm>> -> memref<256x32xf32, #tpu.memory_space<hbm>>
          tpu.wait_dma2 semaphore(%run_scoped3A : memref<!tpu.dma_semaphore, #tpu.memory_space<semaphore_mem>>) src(%arg8 : memref<256x32xf32, #tpu.memory_space<vmem>>) dst(%dma_wait3A_134 : memref<256x32xf32, #tpu.memory_space<hbm>>)
          tpu.yield
        }) : () -> ()
      } else {
      }
      %convert_element_type3A_124 = arith.extui %and3A : i1 to i32
      %cond3A_125 = arith.constant 0 : i32
      %cond3A_126 = arith.cmpi ne, %convert_element_type3A_124, %cond3A_125 : i32
      scf.if %cond3A_126 {
        "tpu.region"() ({
          %run_scoped3A = tpu.sem_alloc : memref<!tpu.dma_semaphore, #tpu.memory_space<semaphore_mem>>
          %dma_start3A_127 = arith.constant 0 : i32
          %dma_start3A_128 = arith.constant 0 : i32
          %dma_start3A_129 = tpu.memref_slice %arg8[%dma_start3A_127, %dma_start3A_128] : memref<256x32xf32, #tpu.memory_space<vmem>> -> memref<147x32xf32, #tpu.memory_space<vmem>>
          %dma_start3A_130 = arith.constant 268288 : i32
          %dma_start3A_131 = arith.constant 0 : i32
          %dma_start3A_132 = tpu.memref_slice %arg7[%dma_start3A_130, %dma_start3A_131] : memref<268435x32xf32, #tpu.memory_space<hbm>> -> memref<147x32xf32, #tpu.memory_space<hbm>>
          %dma_start3A_133 = arith.constant 268288 : i32
          %dma_start3A_134 = arith.constant 0 : i32
          %dma_start3A_135 = tpu.memref_slice %arg7[%dma_start3A_133, %dma_start3A_134] : memref<268435x32xf32, #tpu.memory_space<hbm>> -> memref<147x32xf32, #tpu.memory_space<hbm>>
          %dma_start3A_136 = arith.constant 0 : i32
          %dma_start3A_137 = arith.constant 0 : i32
          %dma_start3A_138 = tpu.memref_slice %arg8[%dma_start3A_136, %dma_start3A_137] : memref<256x32xf32, #tpu.memory_space<vmem>> -> memref<147x32xf32, #tpu.memory_space<vmem>>
          tpu.enqueue_dma source(%dma_start3A_138 : memref<147x32xf32, #tpu.memory_space<vmem>>) target(%dma_start3A_135 : memref<147x32xf32, #tpu.memory_space<hbm>>) target_semaphore(%run_scoped3A : memref<!tpu.dma_semaphore, #tpu.memory_space<semaphore_mem>>)
          %dma_wait3A_139 = arith.constant 0 : i32
          %dma_wait3A_140 = arith.constant 0 : i32
          %dma_wait3A_141 = tpu.memref_slice %arg8[%dma_wait3A_139, %dma_wait3A_140] : memref<256x32xf32, #tpu.memory_space<vmem>> -> memref<147x32xf32, #tpu.memory_space<vmem>>
          %dma_wait3A_142 = arith.constant 268288 : i32
          %dma_wait3A_143 = arith.constant 0 : i32
          %dma_wait3A_144 = tpu.memref_slice %arg7[%dma_wait3A_142, %dma_wait3A_143] : memref<268435x32xf32, #tpu.memory_space<hbm>> -> memref<147x32xf32, #tpu.memory_space<hbm>>
          %dma_wait3A_145 = arith.constant 268288 : i32
          %dma_wait3A_146 = arith.constant 0 : i32
          %dma_wait3A_147 = tpu.memref_slice %arg7[%dma_wait3A_145, %dma_wait3A_146] : memref<268435x32xf32, #tpu.memory_space<hbm>> -> memref<147x32xf32, #tpu.memory_space<hbm>>
          %dma_wait3A_148 = arith.constant 0 : i32
          %dma_wait3A_149 = arith.constant 0 : i32
          %dma_wait3A_150 = tpu.memref_slice %arg8[%dma_wait3A_148, %dma_wait3A_149] : memref<256x32xf32, #tpu.memory_space<vmem>> -> memref<147x32xf32, #tpu.memory_space<vmem>>
          tpu.wait_dma2 semaphore(%run_scoped3A : memref<!tpu.dma_semaphore, #tpu.memory_space<semaphore_mem>>) src(%dma_wait3A_150 : memref<147x32xf32, #tpu.memory_space<vmem>>) dst(%dma_wait3A_147 : memref<147x32xf32, #tpu.memory_space<hbm>>)
          tpu.yield
        }) : () -> ()
      } else {
      }
    }
    %scan3A_9 = arith.constant 36 : i32
    return
  }
}

module attributes {stable_mosaic.version = 14 : i64} {
  func.func @body(%arg0: i32, %arg1: memref<8192x32xf32, #tpu.memory_space<vmem>>, %arg2: memref<32x32xf32, #tpu.memory_space<vmem>>, %arg3: memref<8192x32xf32, #tpu.memory_space<vmem>>) attributes {dimension_semantics = [#tpu.dimension_semantics<arbitrary>], iteration_bounds = array<i64: 33>, scalar_prefetch = 0 : i64, scratch_operands = 0 : i64, tpu.core_type = #tpu.core_type<tc>, window_params = [{transform_indices = @transform_0, window_bounds = array<i64: 8192, 32>}, {pipeline_mode = #tpu.pipeline_mode<synchronous>, transform_indices = @transform_1, window_bounds = array<i64: 32, 32>}, {transform_indices = @transform_2, window_bounds = array<i64: 8192, 32>}]} {
    %get3A = arith.constant 0 : index
    %get3A_0 = arith.constant 0 : index
    %get3A_1 = vector.load %arg1[%get3A, %get3A_0] : memref<8192x32xf32, #tpu.memory_space<vmem>>, vector<8192x32xf32>
    %get3A_2 = arith.constant 0 : index
    %get3A_3 = arith.constant 0 : index
    %get3A_4 = vector.load %arg2[%get3A_2, %get3A_3] : memref<32x32xf32, #tpu.memory_space<vmem>>, vector<32x32xf32>
    %dot_general3A = arith.constant dense<0.000000e+00> : vector<8192x32xf32>
    %dot_general3A_5 = tpu.matmul %get3A_1, %get3A_4, %dot_general3A {dimension_numbers = #tpu.dot_dimension_numbers<[1], [0], [0], [1], [0, 0, 1, 1], [], []>, transpose_lhs_hint = false} : vector<8192x32xf32>, vector<32x32xf32>, vector<8192x32xf32> -> vector<8192x32xf32>
    %swap3A = arith.constant 0 : index
    %swap3A_6 = arith.constant 0 : index
    %swap3A_7 = vector.load %arg3[%swap3A, %swap3A_6] : memref<8192x32xf32, #tpu.memory_space<vmem>>, vector<8192x32xf32>
    tpu.vector_store %arg3[%swap3A, %swap3A_6], %dot_general3A_5 {strides = array<i32>} : memref<8192x32xf32, #tpu.memory_space<vmem>>, vector<8192x32xf32>,
    return
  }
  func.func @transform_0(%arg0: i32) -> (i32, i32) {
    %c0_i32 = arith.constant 0 : i32
    %c0_i32_0 = arith.constant 0 : i32
    return %arg0, %c0_i32 : i32, i32
  }
  func.func @transform_1(%arg0: i32) -> (i32, i32) {
    %c0_i32 = arith.constant 0 : i32
    %c0_i32_0 = arith.constant 0 : i32
    %c0_i32_1 = arith.constant 0 : i32
    return %c0_i32, %c0_i32_0 : i32, i32
  }
  func.func @transform_2(%arg0: i32) -> (i32, i32) {
    %c0_i32 = arith.constant 0 : i32
    %c0_i32_0 = arith.constant 0 : i32
    return %arg0, %c0_i32 : i32, i32
  }
}

module attributes {stable_mosaic.version = 14 : i64} {
  func.func @body(%arg0: i32, %arg1: memref<1x2080x32xf32, #tpu.memory_space<vmem>>, %arg2: memref<1x32xf32, #tpu.memory_space<vmem>>) attributes {dimension_semantics = [#tpu.dimension_semantics<arbitrary>], iteration_bounds = array<i64: 8>, scalar_prefetch = 0 : i64, scratch_operands = 0 : i64, tpu.core_type = #tpu.core_type<tc>, window_params = [{transform_indices = @transform_0, window_bounds = array<i64: 1, 2080, 32>}, {pipeline_mode = #tpu.pipeline_mode<synchronous>, transform_indices = @transform_1, window_bounds = array<i64: 1, 32>}]} {
    %eq3A = arith.constant 0 : i32
    %eq3A_0 = arith.cmpi eq, %arg0, %eq3A : i32
    %convert_element_type3A = arith.extui %eq3A_0 : i1 to i32
    %cond3A = arith.constant 0 : i32
    %cond3A_1 = arith.cmpi ne, %convert_element_type3A, %cond3A : i32
    scf.if %cond3A_1 {
      %broadcast_in_dim3A_19 = arith.constant 0.000000e+00 : f32
      %broadcast_in_dim3A_20 = vector.broadcast %broadcast_in_dim3A_19 : f32 to vector<1x32xf32>
      %swap3A_21 = arith.constant 0 : index
      %swap3A_22 = arith.constant 0 : index
      %swap3A_23 = vector.load %arg2[%swap3A_21, %swap3A_22] : memref<1x32xf32, #tpu.memory_space<vmem>>, vector<1x32xf32>
      tpu.vector_store %arg2[%swap3A_21, %swap3A_22], %broadcast_in_dim3A_20 {strides = array<i32>} : memref<1x32xf32, #tpu.memory_space<vmem>>, vector<1x32xf32>,
    } else {
    }
    %iota3A = tpu.iota {dimensions = array<i32: 0>} : vector<2080x1xi32>
    %mul3A = arith.constant 2080 : i32
    %mul3A_2 = arith.muli %arg0, %mul3A : i32
    %add3A = vector.broadcast %mul3A_2 : i32 to vector<2080x1xi32>
    %add3A_3 = arith.addi %iota3A, %add3A : vector<2080x1xi32>
    %lt3A = arith.constant 16384 : i32
    %lt3A_4 = vector.broadcast %lt3A : i32 to vector<2080x1xi32>
    %lt3A_5 = arith.cmpi slt, %add3A_3, %lt3A_4 : vector<2080x1xi32>
    %get3A = arith.constant 0 : index
    %get3A_6 = arith.constant 0 : index
    %get3A_7 = arith.constant 0 : index
    %get3A_8 = vector.load %arg1[%get3A, %get3A_6, %get3A_7] : memref<1x2080x32xf32, #tpu.memory_space<vmem>>, vector<1x2080x32xf32>
    %get3A_9 = vector.shape_cast %get3A_8 : vector<1x2080x32xf32> to vector<2080x32xf32>
    %jit3A = arith.constant 0.000000e+00 : f32
    %broadcast_in_dim3A = vector.shape_cast %lt3A_5 : vector<2080x1xi1> to vector<2080x1xi1>
    %broadcast_in_dim3A_10 = vector.broadcast %broadcast_in_dim3A : vector<2080x1xi1> to vector<2080x32xi1>
    %broadcast_in_dim3A_11 = vector.broadcast %jit3A : f32 to vector<2080x32xf32>
    %select_n3A = arith.select %broadcast_in_dim3A_10, %get3A_9, %broadcast_in_dim3A_11 : vector<2080x32xi1>, vector<2080x32xf32>
    %get3A_12 = arith.constant 0 : index
    %get3A_13 = arith.constant 0 : index
    %get3A_14 = vector.load %arg2[%get3A_12, %get3A_13] : memref<1x32xf32, #tpu.memory_space<vmem>>, vector<1x32xf32>
    %reduce_sum3A = arith.constant dense<0.000000e+00> : vector<32xf32>
    %reduce_sum3A_15 = vector.multi_reduction <add>, %select_n3A, %reduce_sum3A [0] : vector<2080x32xf32> to vector<32xf32>
    %reshape3A = vector.shape_cast %reduce_sum3A_15 : vector<32xf32> to vector<1x32xf32>
    %add3A_16 = arith.addf %get3A_14, %reshape3A : vector<1x32xf32>
    %swap3A = arith.constant 0 : index
    %swap3A_17 = arith.constant 0 : index
    %swap3A_18 = vector.load %arg2[%swap3A, %swap3A_17] : memref<1x32xf32, #tpu.memory_space<vmem>>, vector<1x32xf32>
    tpu.vector_store %arg2[%swap3A, %swap3A_17], %add3A_16 {strides = array<i32>} : memref<1x32xf32, #tpu.memory_space<vmem>>, vector<1x32xf32>,
    return
  }
  func.func @transform_0(%arg0: i32) -> (i32, i32, i32) {
    %c0_i32 = arith.constant 0 : i32
    %c0_i32_0 = arith.constant 0 : i32
    %c0_i32_1 = arith.constant 0 : i32
    return %c0_i32, %arg0, %c0_i32_0 : i32, i32, i32
  }
  func.func @transform_1(%arg0: i32) -> (i32, i32) {
    %c0_i32 = arith.constant 0 : i32
    %c0_i32_0 = arith.constant 0 : i32
    %c0_i32_1 = arith.constant 0 : i32
    return %c0_i32, %c0_i32_0 : i32, i32
  }
}

module attributes {stable_mosaic.version = 14 : i64} {
  func.func @body(%arg0: i32, %arg1: memref<2x2080x32xf32, #tpu.memory_space<vmem>>, %arg2: memref<2x2080x16xf32, #tpu.memory_space<vmem>>, %arg3: memref<1x32xf32, #tpu.memory_space<vmem>>, %arg4: memref<32x32xf32, #tpu.memory_space<vmem>>, %arg5: memref<32x32xf32, #tpu.memory_space<vmem>>, %arg6: memref<32x32xf32, #tpu.memory_space<vmem>>, %arg7: memref<2080x32xf32, #tpu.memory_space<vmem>>, %arg8: memref<2080x32xf32, #tpu.memory_space<vmem>>) attributes {dimension_semantics = [#tpu.dimension_semantics<arbitrary>], iteration_bounds = array<i64: 8>, scalar_prefetch = 0 : i64, scratch_operands = 0 : i64, tpu.core_type = #tpu.core_type<tc>, window_params = [{transform_indices = @transform_0, window_bounds = array<i64: 2, 2080, 32>}, {transform_indices = @transform_1, window_bounds = array<i64: 2, 2080, 16>}, {pipeline_mode = #tpu.pipeline_mode<synchronous>, transform_indices = @transform_2, window_bounds = array<i64: 1, 32>}, {pipeline_mode = #tpu.pipeline_mode<synchronous>, transform_indices = @transform_3, window_bounds = array<i64: 32, 32>}, {pipeline_mode = #tpu.pipeline_mode<synchronous>, transform_indices = @transform_4, window_bounds = array<i64: 32, 32>}, {pipeline_mode = #tpu.pipeline_mode<synchronous>, transform_indices = @transform_5, window_bounds = array<i64: 32, 32>}, {transform_indices = @transform_6, window_bounds = array<i64: 2080, 32>}, {transform_indices = @transform_7, window_bounds = array<i64: 2080, 32>}]} {
    %get3A = arith.constant 0 : index
    %get3A_0 = arith.constant 0 : index
    %get3A_1 = arith.constant 0 : index
    %get3A_2 = vector.load %arg1[%get3A, %get3A_0, %get3A_1] : memref<2x2080x32xf32, #tpu.memory_space<vmem>>, vector<1x2080x32xf32>
    %get3A_3 = vector.shape_cast %get3A_2 : vector<1x2080x32xf32> to vector<2080x32xf32>
    %get3A_4 = arith.constant 1 : index
    %get3A_5 = arith.constant 0 : index
    %get3A_6 = arith.constant 0 : index
    %get3A_7 = vector.load %arg1[%get3A_4, %get3A_5, %get3A_6] : memref<2x2080x32xf32, #tpu.memory_space<vmem>>, vector<1x2080x32xf32>
    %get3A_8 = vector.shape_cast %get3A_7 : vector<1x2080x32xf32> to vector<2080x32xf32>
    %get3A_9 = arith.constant 0 : index
    %get3A_10 = arith.constant 0 : index
    %get3A_11 = arith.constant 0 : index
    %get3A_12 = vector.load %arg2[%get3A_9, %get3A_10, %get3A_11] : memref<2x2080x16xf32, #tpu.memory_space<vmem>>, vector<1x2080x1xf32>
    %get3A_13 = vector.shape_cast %get3A_12 : vector<1x2080x1xf32> to vector<2080x1xf32>
    %get3A_14 = arith.constant 1 : index
    %get3A_15 = arith.constant 0 : index
    %get3A_16 = arith.constant 0 : index
    %get3A_17 = vector.load %arg2[%get3A_14, %get3A_15, %get3A_16] : memref<2x2080x16xf32, #tpu.memory_space<vmem>>, vector<1x2080x1xf32>
    %get3A_18 = vector.shape_cast %get3A_17 : vector<1x2080x1xf32> to vector<2080x1xf32>
    %get3A_19 = arith.constant 0 : index
    %get3A_20 = arith.constant 0 : index
    %get3A_21 = vector.load %arg3[%get3A_19, %get3A_20] : memref<1x32xf32, #tpu.memory_space<vmem>>, vector<1x32xf32>
    %mul3A = arith.constant 3.72529666E-6 : f32
    %mul3A_22 = vector.broadcast %mul3A : f32 to vector<1x32xf32>
    %mul3A_23 = arith.mulf %get3A_21, %mul3A_22 : vector<1x32xf32>
    %get3A_24 = arith.constant 0 : index
    %get3A_25 = arith.constant 0 : index
    %get3A_26 = vector.load %arg6[%get3A_24, %get3A_25] : memref<32x32xf32, #tpu.memory_space<vmem>>, vector<32x32xf32>
    %dot_general3A = arith.constant dense<0.000000e+00> : vector<1x32xf32>
    %dot_general3A_27 = tpu.matmul %mul3A_23, %get3A_26, %dot_general3A {dimension_numbers = #tpu.dot_dimension_numbers<[1], [0], [0], [1], [0, 0, 1, 1], [], []>, transpose_lhs_hint = false} : vector<1x32xf32>, vector<32x32xf32>, vector<1x32xf32> -> vector<1x32xf32>
    %add3A = arith.constant 1.000000e-10 : f32
    %add3A_28 = vector.broadcast %add3A : f32 to vector<2080x1xf32>
    %add3A_29 = arith.addf %get3A_13, %add3A_28 : vector<2080x1xf32>
    %div3A = vector.broadcast %add3A_29 : vector<2080x1xf32> to vector<2080x32xf32>
    %div3A_30 = arith.divf %get3A_3, %div3A : vector<2080x32xf32>
    %get3A_31 = arith.constant 0 : index
    %get3A_32 = arith.constant 0 : index
    %get3A_33 = vector.load %arg4[%get3A_31, %get3A_32] : memref<32x32xf32, #tpu.memory_space<vmem>>, vector<32x32xf32>
    %dot_general3A_34 = arith.constant dense<0.000000e+00> : vector<2080x32xf32>
    %dot_general3A_35 = tpu.matmul %div3A_30, %get3A_33, %dot_general3A_34 {dimension_numbers = #tpu.dot_dimension_numbers<[1], [0], [0], [1], [0, 0, 1, 1], [], []>, transpose_lhs_hint = false} : vector<2080x32xf32>, vector<32x32xf32>, vector<2080x32xf32> -> vector<2080x32xf32>
    %swap3A = arith.constant 0 : index
    %swap3A_36 = arith.constant 0 : index
    %swap3A_37 = vector.load %arg7[%swap3A, %swap3A_36] : memref<2080x32xf32, #tpu.memory_space<vmem>>, vector<2080x32xf32>
    tpu.vector_store %arg7[%swap3A, %swap3A_36], %dot_general3A_35 {strides = array<i32>} : memref<2080x32xf32, #tpu.memory_space<vmem>>, vector<2080x32xf32>,
    %add3A_38 = arith.constant 1.000000e-10 : f32
    %add3A_39 = vector.broadcast %add3A_38 : f32 to vector<2080x1xf32>
    %add3A_40 = arith.addf %get3A_18, %add3A_39 : vector<2080x1xf32>
    %div3A_41 = vector.broadcast %add3A_40 : vector<2080x1xf32> to vector<2080x32xf32>
    %div3A_42 = arith.divf %get3A_8, %div3A_41 : vector<2080x32xf32>
    %get3A_43 = arith.constant 0 : index
    %get3A_44 = arith.constant 0 : index
    %get3A_45 = vector.load %arg5[%get3A_43, %get3A_44] : memref<32x32xf32, #tpu.memory_space<vmem>>, vector<32x32xf32>
    %dot_general3A_46 = arith.constant dense<0.000000e+00> : vector<2080x32xf32>
    %dot_general3A_47 = tpu.matmul %div3A_42, %get3A_45, %dot_general3A_46 {dimension_numbers = #tpu.dot_dimension_numbers<[1], [0], [0], [1], [0, 0, 1, 1], [], []>, transpose_lhs_hint = false} : vector<2080x32xf32>, vector<32x32xf32>, vector<2080x32xf32> -> vector<2080x32xf32>
    %add3A_48 = vector.broadcast %dot_general3A_27 : vector<1x32xf32> to vector<2080x32xf32>
    %add3A_49 = arith.addf %dot_general3A_47, %add3A_48 : vector<2080x32xf32>
    %swap3A_50 = arith.constant 0 : index
    %swap3A_51 = arith.constant 0 : index
    %swap3A_52 = vector.load %arg8[%swap3A_50, %swap3A_51] : memref<2080x32xf32, #tpu.memory_space<vmem>>, vector<2080x32xf32>
    tpu.vector_store %arg8[%swap3A_50, %swap3A_51], %add3A_49 {strides = array<i32>} : memref<2080x32xf32, #tpu.memory_space<vmem>>, vector<2080x32xf32>,
    return
  }
  func.func @transform_0(%arg0: i32) -> (i32, i32, i32) {
    %c0_i32 = arith.constant 0 : i32
    %c0_i32_0 = arith.constant 0 : i32
    %c0_i32_1 = arith.constant 0 : i32
    return %c0_i32, %arg0, %c0_i32_0 : i32, i32, i32
  }
  func.func @transform_1(%arg0: i32) -> (i32, i32, i32) {
    %c0_i32 = arith.constant 0 : i32
    %c0_i32_0 = arith.constant 0 : i32
    %c0_i32_1 = arith.constant 0 : i32
    return %c0_i32, %arg0, %c0_i32_0 : i32, i32, i32
  }
  func.func @transform_2(%arg0: i32) -> (i32, i32) {
    %c0_i32 = arith.constant 0 : i32
    %c0_i32_0 = arith.constant 0 : i32
    %c0_i32_1 = arith.constant 0 : i32
    return %c0_i32, %c0_i32_0 : i32, i32
  }
  func.func @transform_3(%arg0: i32) -> (i32, i32) {
    %c0_i32 = arith.constant 0 : i32
    %c0_i32_0 = arith.constant 0 : i32
    %c0_i32_1 = arith.constant 0 : i32
    return %c0_i32, %c0_i32_0 : i32, i32
  }
  func.func @transform_4(%arg0: i32) -> (i32, i32) {
    %c0_i32 = arith.constant 0 : i32
    %c0_i32_0 = arith.constant 0 : i32
    %c0_i32_1 = arith.constant 0 : i32
    return %c0_i32, %c0_i32_0 : i32, i32
  }
  func.func @transform_5(%arg0: i32) -> (i32, i32) {
    %c0_i32 = arith.constant 0 : i32
    %c0_i32_0 = arith.constant 0 : i32
    %c0_i32_1 = arith.constant 0 : i32
    return %c0_i32, %c0_i32_0 : i32, i32
  }
  func.func @transform_6(%arg0: i32) -> (i32, i32) {
    %c0_i32 = arith.constant 0 : i32
    %c0_i32_0 = arith.constant 0 : i32
    return %arg0, %c0_i32 : i32, i32
  }
  func.func @transform_7(%arg0: i32) -> (i32, i32) {
    %c0_i32 = arith.constant 0 : i32
    %c0_i32_0 = arith.constant 0 : i32
    return %arg0, %c0_i32 : i32, i32
  }
}

</mosaic_0001>

<sc_bundles>
// kernel: kernel.11.cloned.1.call-start
scs
__scs_entry_jumppad:
0x0: {  	(pc) =	sbr.rel $0x88, $3  }
0x1: {  	(tag) =	ssettag $0x0;
	lr =	simm.s32 $0x1  }
0x2: {  	[smem:$0x3F9B] =	sst lr;
	_ =	strace $0xD0000000  }
0x3: {  	_ = 	snop  }
0x4: {  	_ = 	snop  }
0x5: {  	_ = 	snop  }
0x6: {  	_ = 	snop  }
0x7: {  	_ = 	snop  }
__scs_overlays_trampoline_lowered:
0x8: {  	[smem:$0x3FAA] =	sst s0  }
0x9: {  	[smem:$0x3FAB] =	sst s1  }
0xa: {  	[smem:$0x3FAC] =	sst s2  }
0xb: {  	[smem:$0x3FAD] =	sst s3  }
0xc: {  	[smem:$0x3FAE] =	sst s4  }
0xd: {  	[smem:$0x3FAF] =	sst s5  }
0xe: {  	[smem:$0x3FB0] =	sst s6  }
0xf: {  	[smem:$0x3FB1] =	sst s7  }
0x10: {  	[smem:$0x3FB2] =	sst s8  }
0x11: {  	[smem:$0x3FB3] =	sst s9;
	s0 =	simm.s32 @!p0 $0x0  }
0x12: {  	s1 =	sld [smem:$0x3F99];
	s0 =	simm.s32 @p0 $0x1  }
0x13: {  	[smem:$0x3FB4] =	sst s0;
	s0 =	simm.s32 @!p1 $0x0  }
0x14: {  	s2 =	sld [smem:$0x3F98];
	s0 =	simm.s32 @p1 $0x1  }
0x15: {  	[smem:$0x3FB5] =	sst s0;
	s0 =	simm.s32 @!p2 $0x0  }
0x16: {  	s3 =	sld [smem:$0x3FDB];
	s0 =	simm.s32 @p2 $0x1  }
0x17: {  	s4 =	simm.s32 $0x1BF5;
	[smem:$0x3FB7] =	sst s0  }
0x18: {  	s0 =	sld [smem:$0x3F9A];
	_ =	swait.ge [sflag:s4], $0x0  }
0x19: {  	s7 =	sld [smem:$0x3F9B]  }
0x1a: {  	s8 =	sadd.s32 $0xFFFFE003, lr  }
0x1b: {  	s9 =	sadd.s32 $0xFFFFFEF7, lr;
	s5 =	simm.s32 $0xFFFFFFFF;
	p2 =	slt.u32 s8, $0xFFFFF086  }
0x1c: {  	p1 =	slt.u32 s9, $0xF7A;
	s5 =	simm.s32 @!p2 $0x0  }
0x1d: {  	s5 =	simm.s32 @p1 $0x1;
	p0 =	seq.s32 s7, s2  }
0x1e: {  	s7 =	smul.u32 @!p0 $0xF7A, s2;
	p2 =	seq.s32 @!p0 s5, $0x0  }
0x1f: {  	s9 =	smul.u32 $0xF7A, s1;
	s8 =	simm.s32 @!p0 $0x1BF5;
	p2 =	por !p2, p0  }
0x20: {  	[sflag:s8] =	ssyncset.s32 @!p0 $0xFFFFF086;
	s6 =	sadd.s32 @!p0 s3, s7;
	s7 =	simm.s32 @!p0 $0x108  }
0x21: {  	s3 =	sadd.s32 s3, s9;
	s6 =	sadd.s32 @!p0 $0x88, s6;
	s7 =	simm.s32 @p2 $0x1082  }
0x22: {  	[simem:s7], [sflag:s8] =	dma.local @!p0 [hbm:s6], $0xF7A  }
0x23: {  	s9 =	sor.u32 $0xD0000000, s2;
	s6 =	simm.s32 $0x108;
	_ =	swait.ge @!p0 [sflag:s8], $0x0  }
0x24: {  	s3 =	sadd.s32 $0x88, s3;
	s6 =	simm.s32 @!p1 $0x1082;
	[sflag:s4] =	ssyncset.s32 $0xFFFFF086  }
0x25: {  	[simem:s6], [sflag:s4] =	dma.local [hbm:s3], $0xF7A  }
0x26: {  	[smem:$0x3F9B] =	sst s1;
	(tag) =	ssettag s2;
	_ =	strace s9  }
0x27: {  	s1 =	sld [smem:$0x3FAB]  }
0x28: {  	s2 =	sld [smem:$0x3FAC]  }
0x29: {  	s4 =	sld [smem:$0x3FAE]  }
0x2a: {  	p0 =	seq.s32 s5, $0x0;
	s5 =	sld [smem:$0x3FAF]  }
0x2b: {  	s6 =	sld [smem:$0x3FB0]  }
0x2c: {  	s7 =	sld [smem:$0x3FB1]  }
0x2d: {  	s3 =	simm.s32 $0x108;
	s8 =	sld [smem:$0x3FB2]  }
0x2e: {  	s3 =	simm.s32 @!p0 $0x1082;
	s9 =	sld [smem:$0x3FB3]  }
0x2f: {  	lr =	sadd.s32 s0, s3;
	s0 =	sld [smem:$0x3FAA]  }
0x30: {  	s3 =	sld [smem:$0x3FAD]  }
0x31: {  	[smem:$0x3FB6] =	sst s10  }
0x32: {  	s10 =	sld [smem:$0x3FB4];
	_ =	sdelay $0x3  }
0x33: {  	p0 =	seq.s32 s10, $0x1;
	s10 =	sld [smem:$0x3FB6];
	_ =	sdelay $0x3  }
0x34: {  	[smem:$0x3FB6] =	sst s10  }
0x35: {  	s10 =	sld [smem:$0x3FB5];
	_ =	sdelay $0x3  }
0x36: {  	p1 =	seq.s32 s10, $0x1;
	s10 =	sld [smem:$0x3FB6];
	_ =	sdelay $0x3  }
0x37: {  	[smem:$0x3FB6] =	sst s10  }
0x38: {  	s10 =	sld [smem:$0x3FB7]  }
0x39: {  	_ = 	snop;
	(pc) =	sbr.ind lr, $3  }
0x3a: {  	_ = 	snop  }
0x3b: {  	_ = 	snop  }
0x3c: {  	p2 =	seq.s32 s10, $0x1;
	s10 =	sld [smem:$0x3FB6]  }
0x3d: {  	_ =	shalt  }
0x3e: {  	_ =	shalt  }
0x3f: {  	_ =	shalt  }
0x40: {  	_ =	shalt  }
0x41: {  	_ =	shalt  }
0x42: {  	_ =	shalt  }
0x43: {  	_ =	shalt  }
0x44: {  	_ =	shalt  }
0x45: {  	_ =	shalt  }
0x46: {  	_ =	shalt  }
0x47: {  	_ =	shalt  }
0x48: {  	_ =	shalt  }
0x49: {  	_ =	shalt  }
0x4a: {  	_ =	shalt  }
0x4b: {  	_ =	shalt  }
0x4c: {  	_ =	shalt  }
0x4d: {  	_ =	shalt  }
0x4e: {  	_ =	shalt  }
0x4f: {  	_ =	shalt  }
0x50: {  	_ =	shalt  }
0x51: {  	_ =	shalt  }
0x52: {  	_ =	shalt  }
0x53: {  	_ =	shalt  }
0x54: {  	_ =	shalt  }
0x55: {  	_ =	shalt  }
0x56: {  	_ =	shalt  }
0x57: {  	_ =	shalt  }
0x58: {  	_ =	shalt  }
0x59: {  	_ =	shalt  }
0x5a: {  	_ =	shalt  }
0x5b: {  	_ =	shalt  }
0x5c: {  	_ =	shalt  }
0x5d: {  	_ =	shalt  }
0x5e: {  	_ =	shalt  }
0x5f: {  	_ =	shalt  }
0x60: {  	_ =	shalt  }
0x61: {  	_ =	shalt  }
0x62: {  	_ =	shalt  }
0x63: {  	_ =	shalt  }
0x64: {  	_ =	shalt  }
0x65: {  	_ =	shalt  }
0x66: {  	_ =	shalt  }
0x67: {  	_ =	shalt  }
0x68: {  	_ =	shalt  }
0x69: {  	_ =	shalt  }
0x6a: {  	_ =	shalt  }
0x6b: {  	_ =	shalt  }
0x6c: {  	_ =	shalt  }
0x6d: {  	_ =	shalt  }
0x6e: {  	_ =	shalt  }
0x6f: {  	_ =	shalt  }
0x70: {  	_ =	shalt  }
0x71: {  	_ =	shalt  }
0x72: {  	_ =	shalt  }
0x73: {  	_ =	shalt  }
0x74: {  	_ =	shalt  }
0x75: {  	_ =	shalt  }
0x76: {  	_ =	shalt  }
0x77: {  	_ =	shalt  }
0x78: {  	_ =	shalt  }
0x79: {  	_ =	shalt  }
0x7a: {  	_ =	shalt  }
0x7b: {  	_ =	shalt  }
0x7c: {  	_ =	shalt  }
0x7d: {  	_ =	shalt  }
0x7e: {  	_ =	shalt  }
0x7f: {  	_ =	shalt  }
0x80: {  	_ =	shalt  }
0x81: {  	_ =	shalt  }
0x82: {  	_ =	shalt  }
0x83: {  	_ =	shalt  }
0x84: {  	_ =	shalt  }
0x85: {  	_ =	shalt  }
0x86: {  	_ =	shalt  }
0x87: {  	_ =	shalt  }
.Lfunc_end0:
.L_simem_size_0:
called_computation.2_lowered:
.L_overlay_start_0:
0x88: {  	s2 =	sld [smem:$0x3FD9]  }
0x89: {  	s3 =	sld [smem:$0x3FFE];
	_ =	sdelay $0x1  }
0x8a: {  	s1 =	srdreg.scid  }
0x8b: {  	s0 =	sand.u32 $0x1, s1  }
0x8c: {  	s17 =	sshll.u32 s0, $0xA;
	s2 =	sadd.s32 s3, s2  }
0x8d: {  	s2 =	sadd.s32 s2, s17  }
0x8e: {  	[smem:$0x3FC2] =	sst s2  }
0x8f: {  	_ = 	snop  }
0x90: {  	(tm) =	ssettm $0x1  }
0x91: {  	s18 =	sld [smem:$0x3FFB];
	_ =	sdelay $0x3  }
0x92: {  	_ =	strace s18  }
0x93: {  	s2 =	sld [smem:$0x3FFC];
	_ =	sdelay $0x3  }
0x94: {  	_ =	strace s2  }
0x95: {  	s2 =	sld [smem:$0x3FFD];
	_ =	sdelay $0x3  }
0x96: {  	_ =	strace s2  }
0x97: {  	_ =	strace $0x8FFFFFFF  }
0x98: {  	s19 =	sld [smem:$0x3FDB];
	_ =	sdelay $0x1  }
0x99: {  	s20 =	simm.s32 $_scs_section_size  }
0x9a: {  	s4 =	simm.s32 $_size__tile_overlayer_lowered;
	s5 =	simm.s32 $_tile_overlayer_lowered  }
0x9b: {  	s6 =	simm.s32 $0x1BFF;
	s21 =	sshll.u32 s5, $0x1;
	s3 =	sadd.s32 s20, s19  }
0x9c: {  	s22 =	simm.s32 $0x0;
	s4 =	sshll.u32 s4, $0x1;
	s5 =	sadd.s32 s21, s3  }
0x9d: {  	[timem:s22], [sflag:s6] =	dma.local [hbm:s5], s4  }
0x9e: {  	_ =	swait.ge [sflag:s6], s4  }
0x9f: {  	s4 =	ssub.s32 $0x0, s4;
	[sflag:s6] =	ssyncset.done $0x0  }
0xa0: {  	[sflag:s6] =	ssyncadd.s32 s4;
	_ =	sdelay $0x1  }
0xa1: {  	s23 =	simm.s32 $0x1B8B  }
0xa2: {  	_ =	swait.ge [sflag:s23], $0x1  }
0xa3: {  	[sflag:s23] =	ssyncset.done $0x0  }
0xa4: {  	[sflag:s23] =	ssyncadd.s32 $0xFFFFFFFF  }
0xa5: {  	s4 =	sld [smem:$0x0]  }
0xa6: {  	s5 =	sand.u32 $0xFFFFFFFE, s1  }
0xa7: {  	p0 =	sne.s32 s1, s5  }
0xa8: {  	s5 =	sshll.u32 @p0 s5, $0xE  }
0xa9: {  	s5 =	sadd.s32 @p0 $0x11B8D, s5;
	s6 =	sshll.u32 @p0 s4, $0x11  }
0xaa: {  	s5 =	sor.u32 @p0 s6, s5  }
0xab: {  	[sflag:s5] =	ssyncadd.remote.s32 @p0 $0x1;
	_ =	sdelay $0x1  }
0xac: {  	s5 =	simm.s32 @p0 $0x1B8D  }
0xad: {  	_ =	swait.eq @p0 [sflag:s5], $0x1  }
0xae: {  	[sflag:s5] =	ssyncadd.s32 @p0 $0xFFFFFFFF  }
0xaf: {  	s6 =	sshll.u32 @!p0 s1, $0xE  }
0xb0: {  	s6 =	sor.u32 @!p0 $0x4000, s6;
	s5 =	simm.s32 @!p0 $0x1B8D  }
0xb1: {  	s4 =	sshll.u32 @!p0 s4, $0x11;
	s6 =	sadd.s32 @!p0 $0x11B8D, s6;
	_ =	swait.eq @!p0 [sflag:s5], $0x1  }
0xb2: {  	s4 =	sor.u32 @!p0 s4, s6;
	[sflag:s5] =	ssyncadd.s32 @!p0 $0xFFFFFFFF  }
0xb3: {  	s25 =	simm.s32 $0x1B8E;
	s24 =	sld [smem:$0x3FFE];
	[sflag:s4] =	ssyncadd.remote.s32 @!p0 $0x1  }
0xb4: {  	s26 =	simm.s32 $execute0_lowered;
	[smem:$0x3FD2] =	sst s25  }
0xb5: {  	s5 =	sshll.u32 s26, $0x1;
	_ =	strace $0x80000049;
	[dreg:$0x1] =	wrdreg $0xFFFFFFFF  }
0xb6: {  	s28 =	simm.s32 $_size_execute0_lowered;
	s3 =	sadd.s32 s3, s5;
	[dreg:$0x0] =	wrdreg $0x0  }
0xb7: {  	s5 =	sshll.u32 s28, $0x1;
	[dreg:$0x2] =	wrdreg s3  }
0xb8: {  	[dreg:$0x3] =	wrdreg s5  }
0xb9: {  	[dreg:$0x4] =	wrdreg $0xC0  }
0xba: {  	_ =	task [dreg:s22], $0x5FFFF  }
0xbb: {  	[dreg:$0x1] =	wrdreg $0xFFFFFFFF  }
0xbc: {  	[dreg:$0x0] =	wrdreg $0x60  }
0xbd: {  	[dreg:$0x2] =	wrdreg s24  }
0xbe: {  	[dreg:$0x3] =	wrdreg $0x50000  }
0xbf: {  	[dreg:$0x4] =	wrdreg $0xA  }
0xc0: {  	_ =	task.clear_ibuf [dreg:s22], $0x5FFFF;
	_ =	strace $0x90000049  }
0xc1: {  	s29 =	simm.s32 $0xA;
	_ =	strace $0x8000004B  }
0xc2: {  	_ =	swait.ge [sflag:s29], $0x1  }
0xc3: {  	[sflag:s29] =	ssyncadd.s32 $0xFFFFFFFF  }
0xc4: {  	_ =	strace $0x9000004B  }
0xc5: {  	_ =	sfence  }
0xc6: {  	s30 =	sld [smem:$0x0];
	_ =	sdelay $0x2  }
0xc7: {  	s31 =	sshll.u32 s1, $0xD;
	s1 =	sshrl.u32 s1, $0x2  }
0xc8: {  	s4 =	sand.u32 $0x4000, s31;
	s1 =	sadd.s32 s1, s30  }
0xc9: {  	s0 =	sor.u32 s4, s0;
	s1 =	sshll.u32 s1, $0x11  }
0xca: {  	s0 =	sor.u32 s1, s0  }
0xcb: {  	s0 =	sadd.s32 $0x8F2B, s0  }
0xcc: {  	[sflag:s0] =	ssyncadd.remote.s32 $0x1  }
0xcd: {  	_ =	sfence.sel $0xFFFF  }
0xce: {  	[dreg:$0x0] =	wrdreg $0xFFFFFFFF;
	(pc) =	sbr.abs _section_cstart, $3  }
0xcf: {  	[dreg:$0x1] =	wrdreg $0xFFFFFFFF  }
0xd0: {  	_ =	task.clear_ibuf [dreg:s22], $0x2FFFF;
	_ =	strace $0x9FFFFFFF  }
0xd1: {  	(tm) =	ssettm $0x7FFFFFFF  }
tec
execute0_lowered:
.L_overlay_start_1:
0x0: {  	(tag) =	ssettag $0x1  }
0x1: {  	s9 =	rddreg [dreg:$0x0]  }
0x2: {  	s2 =	rddreg [dreg:$0x1]  }
0x3: {  	s0 =	rddreg [dreg:$0x2]  }
0x4: {  	s4 =	srdreg.scid;
	s1 =	stileid.u32  }
0x5: {  	s3 =	simm.s32 $0x0;
	s12 =	simm.s32 $0x1400;
	s14 =	simm.s32 $0x0  }
0x6: {  	s6 =	sand.u32 $0x1, s4;
	s7 =	smul.u32 $0x4100, s1;
	[smem:$0x7FF] =	sst s3  }
0x7: {  	s4 =	sadd.s32 $0x554600, s9;
	s31 =	sshll.u32 s1, $0x6;
	s13 =	smul.u32 $0x900, s1  }
0x8: {  	s5 =	smul.u32 $0x41000, s6;
	_ =	strace $0x8000004A;
	s10 =	ssub.s32 $0x2, s6  }
0x9: {  	p0 =	seq.s32 s6, $0x1;
	s6 =	sor.u32 $0x1C01, s31;
	s11 =	sshrl.u32 s10, $0x1  }
0xa: {  	s30 =	sadd.s32 s7, s2;
	s12 =	simm.s32 @!p0 $0xA400;
	s8 =	sadd.s32 s7, s5  }
0xb: {  	s5 =	sadd.s32 $0x553C00, s9;
	s10 =	ssub.s32 s10, s11;
	s8 =	sshrl.u32 s8, $0x3  }
0xc: {  	s11 =	simm.s32 $0x1;
	s8 =	sadd.s32 s8, s9;
	s9 =	sadd.s32 s12, s9  }
0xd: {  	s12 =	simm.s32 $0x4800;
	s7 =	sadd.s32 $0x554800, s8;
	s8 =	smax.u32 s10, $0x1  }
0xe: {  	s9 =	sadd.s32 s9, s13;
	s10 =	sshrl.u32 s30, $0x3;
	s13 =	simm.s32 $0x80  }
.LBB2_1:
0xf: {  	[spmem:s10], [sflag:s6] =	dma.local [hbm:s5], $0x820  }
0x10: {  	_ =	swait.ge [sflag:s11], $0x820  }
0x11: {  	[sflag:s11] =	ssyncset.done $0x0  }
0x12: {  	[sflag:s11] =	ssyncadd.s32 $0xFFFFF7E0  }
0x13: {  	[tilespmem:s12], [sflag:$0x1] =	stream.linear.gather [hbm4b:s4+s3], $0x800, $0x38;
	[tilespmem:$0x9100] =	vst v63  }
0x14: {  	_ =	swait.ge [sflag:s11], $0x800  }
0x15: {  	[sflag:s11] =	ssyncset.done $0x0  }
0x16: {  	[sflag:s11] =	ssyncadd.s32 $0xFFFFF800  }
0x17: {  	[tilespmem:s3], [sflag:$0x1] =	stream.linear.gather [hbm4b:s9+s3], $0x4800, $0x38;
	[tilespmem:$0x9100] =	vst v63  }
0x18: {  	_ =	swait.ge [sflag:s11], $0x4800  }
0x19: {  	[sflag:s11] =	ssyncset.done $0x0  }
0x1a: {  	[sflag:s11] =	ssyncadd.s32 $0xFFFFB800  }
0x1b: {  	s15 =	simm.s32 $0x0;
	[bflag:$0x0] =	sbarrier.arrive $0xFFFF  }
0x1c: {  	[spmem:s2] =	stream.indirect.scatter.add.f32 [tilespmem:s12], [sflag:$0x1], $0x10, s15, s13, $0xb8;
	[tilespmem:$0x9100] =	vst v63  }
0x1d: {  	_ =	swait.ge [sflag:s11], $0x800  }
0x1e: {  	[sflag:s11] =	ssyncset.done $0x0  }
0x1f: {  	s24 =	simm.s32 $0x80;
	[sflag:s11] =	ssyncadd.s32 $0xFFFFF800  }
0x20: {  	[spmem:s2] =	stream.indirect.scatter.add.f32 [tilespmem:s12], [sflag:$0x1], $0x10, s24, s13, $0xb8;
	[tilespmem:$0x9100] =	vst v63  }
0x21: {  	_ =	swait.ge [sflag:s11], $0x800  }
0x22: {  	[sflag:s11] =	ssyncset.done $0x0  }
0x23: {  	s25 =	simm.s32 $0x100;
	[sflag:s11] =	ssyncadd.s32 $0xFFFFF800  }
0x24: {  	[spmem:s2] =	stream.indirect.scatter.add.f32 [tilespmem:s12], [sflag:$0x1], $0x10, s25, s13, $0xb8;
	[tilespmem:$0x9100] =	vst v63  }
0x25: {  	_ =	swait.ge [sflag:s11], $0x800  }
0x26: {  	[sflag:s11] =	ssyncset.done $0x0  }
0x27: {  	s26 =	simm.s32 $0x180;
	[sflag:s11] =	ssyncadd.s32 $0xFFFFF800  }
0x28: {  	[spmem:s2] =	stream.indirect.scatter.add.f32 [tilespmem:s12], [sflag:$0x1], $0x10, s26, s13, $0xb8;
	[tilespmem:$0x9100] =	vst v63  }
0x29: {  	_ =	swait.ge [sflag:s11], $0x800  }
0x2a: {  	[sflag:s11] =	ssyncset.done $0x0  }
0x2b: {  	s28 =	simm.s32 $0x200;
	[sflag:s11] =	ssyncadd.s32 $0xFFFFF800  }
0x2c: {  	[spmem:s2] =	stream.indirect.scatter.add.f32 [tilespmem:s12], [sflag:$0x1], $0x10, s28, s13, $0xb8;
	[tilespmem:$0x9100] =	vst v63  }
0x2d: {  	_ =	swait.ge [sflag:s11], $0x800  }
0x2e: {  	[sflag:s11] =	ssyncset.done $0x0  }
0x2f: {  	s29 =	simm.s32 $0x280;
	[sflag:s11] =	ssyncadd.s32 $0xFFFFF800  }
0x30: {  	[spmem:s2] =	stream.indirect.scatter.add.f32 [tilespmem:s12], [sflag:$0x1], $0x10, s29, s13, $0xb8;
	[tilespmem:$0x9100] =	vst v63  }
0x31: {  	_ =	swait.ge [sflag:s11], $0x800  }
0x32: {  	[sflag:s11] =	ssyncset.done $0x0  }
0x33: {  	s30 =	simm.s32 $0x300;
	[sflag:s11] =	ssyncadd.s32 $0xFFFFF800  }
0x34: {  	[spmem:s2] =	stream.indirect.scatter.add.f32 [tilespmem:s12], [sflag:$0x1], $0x10, s30, s13, $0xb8;
	[tilespmem:$0x9100] =	vst v63  }
0x35: {  	_ =	swait.ge [sflag:s11], $0x800  }
0x36: {  	[sflag:s11] =	ssyncset.done $0x0  }
0x37: {  	s31 =	simm.s32 $0x380;
	[sflag:s11] =	ssyncadd.s32 $0xFFFFF800  }
0x38: {  	[spmem:s2] =	stream.indirect.scatter.add.f32 [tilespmem:s12], [sflag:$0x1], $0x10, s31, s13, $0xb8;
	[tilespmem:$0x9100] =	vst v63  }
0x39: {  	_ =	swait.ge [sflag:s11], $0x800  }
0x3a: {  	s18 =	simm.s32 $0x2000;
	s15 =	simm.s32 $0x1000;
	[sflag:s11] =	ssyncset.done $0x0  }
.LBB2_2:
0x3b: {  	s17 =	sshra.s32 s15, $0x2  }
0x3c: {  	[sflag:s11] =	ssyncadd.s32 $0xFFFFF800;
	s15 =	smov.u32 s18;
	s16 =	sadd.s32 $0x1000, s18  }
0x3d: {  	[spmem:s2] =	stream.indirect.scatter.add.f32 [tilespmem:s12], [sflag:$0x1], $0x10, s17, s13, $0xb8;
	[tilespmem:$0x9100] =	vst v63  }
0x3e: {  	p0 =	sne.s32 s18, $0x11000;
	_ =	swait.ge [sflag:s11], $0x800  }
0x3f: {  	[sflag:s11] =	ssyncset.done $0x0  }
0x40: {  	s18 =	sadd.s32 $0x80, s17;
	[sflag:s11] =	ssyncadd.s32 $0xFFFFF800  }
0x41: {  	[spmem:s2] =	stream.indirect.scatter.add.f32 [tilespmem:s12], [sflag:$0x1], $0x10, s18, s13, $0xb8;
	[tilespmem:$0x9100] =	vst v63  }
0x42: {  	_ =	swait.ge [sflag:s11], $0x800  }
0x43: {  	[sflag:s11] =	ssyncset.done $0x0  }
0x44: {  	s18 =	sadd.s32 $0x100, s17;
	[sflag:s11] =	ssyncadd.s32 $0xFFFFF800  }
0x45: {  	[spmem:s2] =	stream.indirect.scatter.add.f32 [tilespmem:s12], [sflag:$0x1], $0x10, s18, s13, $0xb8;
	[tilespmem:$0x9100] =	vst v63  }
0x46: {  	_ =	swait.ge [sflag:s11], $0x800  }
0x47: {  	[sflag:s11] =	ssyncset.done $0x0  }
0x48: {  	s18 =	sadd.s32 $0x180, s17;
	[sflag:s11] =	ssyncadd.s32 $0xFFFFF800  }
0x49: {  	[spmem:s2] =	stream.indirect.scatter.add.f32 [tilespmem:s12], [sflag:$0x1], $0x10, s18, s13, $0xb8;
	[tilespmem:$0x9100] =	vst v63  }
0x4a: {  	_ =	swait.ge [sflag:s11], $0x800  }
0x4b: {  	[sflag:s11] =	ssyncset.done $0x0  }
0x4c: {  	s18 =	sadd.s32 $0x200, s17;
	[sflag:s11] =	ssyncadd.s32 $0xFFFFF800  }
0x4d: {  	[spmem:s2] =	stream.indirect.scatter.add.f32 [tilespmem:s12], [sflag:$0x1], $0x10, s18, s13, $0xb8;
	[tilespmem:$0x9100] =	vst v63  }
0x4e: {  	_ =	swait.ge [sflag:s11], $0x800  }
0x4f: {  	[sflag:s11] =	ssyncset.done $0x0  }
0x50: {  	s18 =	sadd.s32 $0x280, s17;
	[sflag:s11] =	ssyncadd.s32 $0xFFFFF800  }
0x51: {  	[spmem:s2] =	stream.indirect.scatter.add.f32 [tilespmem:s12], [sflag:$0x1], $0x10, s18, s13, $0xb8;
	[tilespmem:$0x9100] =	vst v63  }
0x52: {  	_ =	swait.ge [sflag:s11], $0x800  }
0x53: {  	[sflag:s11] =	ssyncset.done $0x0  }
0x54: {  	s18 =	sadd.s32 $0x300, s17;
	[sflag:s11] =	ssyncadd.s32 $0xFFFFF800  }
0x55: {  	[spmem:s2] =	stream.indirect.scatter.add.f32 [tilespmem:s12], [sflag:$0x1], $0x10, s18, s13, $0xb8;
	[tilespmem:$0x9100] =	vst v63  }
0x56: {  	_ =	swait.ge [sflag:s11], $0x800  }
.Ltmp0:
0x57: {  	[sflag:s11] =	ssyncset.done $0x0;
	(pc) =	sbr.rel @p0 .LBB2_2-.Ltmp0, $4  }
0x58: {  	s17 =	sadd.s32 $0x380, s17;
	[sflag:s11] =	ssyncadd.s32 $0xFFFFF800  }
0x59: {  	[spmem:s2] =	stream.indirect.scatter.add.f32 [tilespmem:s12], [sflag:$0x1], $0x10, s17, s13, $0xb8;
	[tilespmem:$0x9100] =	vst v63  }
0x5a: {  	_ =	swait.ge [sflag:s11], $0x800  }
0x5b: {  	s18 =	smov.u32 s16;
	[sflag:s11] =	ssyncset.done $0x0  }
0x5c: {  	s15 =	sshra.s32 s15, $0x2;
	[sflag:s11] =	ssyncadd.s32 $0xFFFFF800  }
0x5d: {  	[spmem:s2] =	stream.indirect.scatter.add.f32 [tilespmem:s12], [sflag:$0x1], $0x10, s15, s13, $0xb8;
	[tilespmem:$0x9100] =	vst v63  }
0x5e: {  	_ =	swait.ge [sflag:s11], $0x800  }
0x5f: {  	[sflag:s11] =	ssyncset.done $0x0  }
0x60: {  	s16 =	sadd.s32 $0x80, s15;
	[sflag:s11] =	ssyncadd.s32 $0xFFFFF800  }
0x61: {  	[spmem:s2] =	stream.indirect.scatter.add.f32 [tilespmem:s12], [sflag:$0x1], $0x10, s16, s13, $0xb8;
	[tilespmem:$0x9100] =	vst v63  }
0x62: {  	_ =	swait.ge [sflag:s11], $0x800  }
0x63: {  	[sflag:s11] =	ssyncset.done $0x0  }
0x64: {  	s26 =	sadd.s32 $0x100, s15;
	[sflag:s11] =	ssyncadd.s32 $0xFFFFF800  }
0x65: {  	[spmem:s2] =	stream.indirect.scatter.add.f32 [tilespmem:s12], [sflag:$0x1], $0x10, s26, s13, $0xb8;
	[tilespmem:$0x9100] =	vst v63  }
0x66: {  	_ =	swait.ge [sflag:s11], $0x800  }
0x67: {  	[sflag:s11] =	ssyncset.done $0x0  }
0x68: {  	s28 =	sadd.s32 $0x180, s15;
	[sflag:s11] =	ssyncadd.s32 $0xFFFFF800  }
0x69: {  	[spmem:s2] =	stream.indirect.scatter.add.f32 [tilespmem:s12], [sflag:$0x1], $0x10, s28, s13, $0xb8;
	[tilespmem:$0x9100] =	vst v63  }
0x6a: {  	_ =	swait.ge [sflag:s11], $0x800  }
0x6b: {  	[sflag:s11] =	ssyncset.done $0x0  }
0x6c: {  	s29 =	sadd.s32 $0x200, s15;
	[sflag:s11] =	ssyncadd.s32 $0xFFFFF800  }
0x6d: {  	[spmem:s2] =	stream.indirect.scatter.add.f32 [tilespmem:s12], [sflag:$0x1], $0x10, s29, s13, $0xb8;
	[tilespmem:$0x9100] =	vst v63  }
0x6e: {  	_ =	swait.ge [sflag:s11], $0x800  }
0x6f: {  	[sflag:s11] =	ssyncset.done $0x0  }
0x70: {  	s30 =	sadd.s32 $0x280, s15;
	[sflag:s11] =	ssyncadd.s32 $0xFFFFF800  }
0x71: {  	[spmem:s2] =	stream.indirect.scatter.add.f32 [tilespmem:s12], [sflag:$0x1], $0x10, s30, s13, $0xb8;
	[tilespmem:$0x9100] =	vst v63  }
0x72: {  	_ =	swait.ge [sflag:s11], $0x800  }
0x73: {  	[sflag:s11] =	ssyncset.done $0x0  }
0x74: {  	s31 =	sadd.s32 $0x300, s15;
	[sflag:s11] =	ssyncadd.s32 $0xFFFFF800  }
0x75: {  	[spmem:s2] =	stream.indirect.scatter.add.f32 [tilespmem:s12], [sflag:$0x1], $0x10, s31, s13, $0xb8;
	[tilespmem:$0x9100] =	vst v63  }
0x76: {  	_ =	swait.ge [sflag:s11], $0x800  }
0x77: {  	[sflag:s11] =	ssyncset.done $0x0  }
0x78: {  	s15 =	sadd.s32 $0x380, s15;
	[sflag:s11] =	ssyncadd.s32 $0xFFFFF800  }
0x79: {  	[spmem:s2] =	stream.indirect.scatter.add.f32 [tilespmem:s12], [sflag:$0x1], $0x10, s15, s13, $0xb8;
	[tilespmem:$0x9100] =	vst v63  }
0x7a: {  	_ =	swait.ge [sflag:s11], $0x800  }
0x7b: {  	s14 =	sadd.s32 $0x1, s14;
	[sflag:s11] =	ssyncset.done $0x0  }
0x7c: {  	p0 =	sne.s32 s14, s8;
	[sflag:s11] =	ssyncadd.s32 $0xFFFFF800  }
.Ltmp1:
0x7d: {  	[bflag:$0x0] =	sbarrier.arrive $0xFFFF;
	(pc) =	sbr.rel @p0 .LBB2_1-.Ltmp1, $4  }
0x7e: {  	[hbm:s7], [sflag:s6] =	dma.local [spmem:s10], $0x820  }
0x7f: {  	_ =	swait.ge [sflag:s11], $0x820  }
0x80: {  	[sflag:s11] =	ssyncset.done $0x0  }
0x81: {  	[sflag:s11] =	ssyncadd.s32 $0xFFFFF7E0  }
0x82: {  	_ =	sfence.sel $0x180000  }
0x83: {  	[bflag:$0x0] =	sbarrier.arrive $0xFFFF  }
0x84: {  	p0 =	sne.s32 s1, $0x0;
	_ =	strace $0x9000004A  }
0x85: {  	s0 =	sadd.s32 @!p0 $0x100000, s0;
	[bflag:$0x2] =	sbarrier.arrive $0xFFFF  }
0x86: {  	[sflag:s0] =	ssyncadd.tile.s32 @!p0 $0x1;
	_ =	shalt  }
.Lfunc_end2:
_tile_overlayer_lowered:
.L_overlay_start_2:
0x87: {  	(tag) =	ssettag $0x2  }
0x88: {  	s0 =	rddreg [dreg:$0x0];
	s2 =	stileid.u32  }
0x89: {  	s1 =	rddreg [dreg:$0x1];
	p0 =	sne.s32 s2, $0x0  }
0x8a: {  	s3 =	rddreg [dreg:$0x2];
	[bflag:$0x3] =	sbarrier.arrive $0xFFFF;
	s2 =	simm.s32 @!p0 $0x1C01  }
0x8b: {  	[timem:s3], [sflag:s2] =	dma.local @!p0 [hbm:s0], s1  }
0x8c: {  	s0 =	simm.s32 @!p0 $0x1  }
0x8d: {  	_ =	swait.ge @!p0 [sflag:s0], s1  }
0x8e: {  	s1 =	ssub.s32 @!p0 $0x0, s1;
	[sflag:s0] =	ssyncset.done @!p0 $0x0  }
0x8f: {  	[sflag:s0] =	ssyncadd.s32 @!p0 s1  }
0x90: {  	[bflag:$0x3] =	sbarrier.arrive $0xFFFF  }
0x91: {  	_ =	shalt  }

// kernel: kernel.14.cloned.1.call-start
scs
__scs_entry_jumppad:
0x0: {  	(pc) =	sbr.rel $0x88, $3  }
0x1: {  	(tag) =	ssettag $0x0;
	lr =	simm.s32 $0x1  }
0x2: {  	[smem:$0x3F9B] =	sst lr;
	_ =	strace $0xD0000000  }
0x3: {  	_ = 	snop  }
0x4: {  	_ = 	snop  }
0x5: {  	_ = 	snop  }
0x6: {  	_ = 	snop  }
0x7: {  	_ = 	snop  }
__scs_overlays_trampoline_lowered:
0x8: {  	[smem:$0x3FAA] =	sst s0  }
0x9: {  	[smem:$0x3FAB] =	sst s1  }
0xa: {  	[smem:$0x3FAC] =	sst s2  }
0xb: {  	[smem:$0x3FAD] =	sst s3  }
0xc: {  	[smem:$0x3FAE] =	sst s4  }
0xd: {  	[smem:$0x3FAF] =	sst s5  }
0xe: {  	[smem:$0x3FB0] =	sst s6  }
0xf: {  	[smem:$0x3FB1] =	sst s7  }
0x10: {  	[smem:$0x3FB2] =	sst s8  }
0x11: {  	[smem:$0x3FB3] =	sst s9;
	s0 =	simm.s32 @!p0 $0x0  }
0x12: {  	s1 =	sld [smem:$0x3F99];
	s0 =	simm.s32 @p0 $0x1  }
0x13: {  	[smem:$0x3FB4] =	sst s0;
	s0 =	simm.s32 @!p1 $0x0  }
0x14: {  	s2 =	sld [smem:$0x3F98];
	s0 =	simm.s32 @p1 $0x1  }
0x15: {  	[smem:$0x3FB5] =	sst s0;
	s0 =	simm.s32 @!p2 $0x0  }
0x16: {  	s3 =	sld [smem:$0x3FDB];
	s0 =	simm.s32 @p2 $0x1  }
0x17: {  	s4 =	simm.s32 $0x1BF5;
	[smem:$0x3FB7] =	sst s0  }
0x18: {  	s0 =	sld [smem:$0x3F9A];
	_ =	swait.ge [sflag:s4], $0x0  }
0x19: {  	s7 =	sld [smem:$0x3F9B]  }
0x1a: {  	s8 =	sadd.s32 $0xFFFFE003, lr  }
0x1b: {  	s9 =	sadd.s32 $0xFFFFFEF7, lr;
	s5 =	simm.s32 $0xFFFFFFFF;
	p2 =	slt.u32 s8, $0xFFFFF086  }
0x1c: {  	p1 =	slt.u32 s9, $0xF7A;
	s5 =	simm.s32 @!p2 $0x0  }
0x1d: {  	s5 =	simm.s32 @p1 $0x1;
	p0 =	seq.s32 s7, s2  }
0x1e: {  	s7 =	smul.u32 @!p0 $0xF7A, s2;
	p2 =	seq.s32 @!p0 s5, $0x0  }
0x1f: {  	s9 =	smul.u32 $0xF7A, s1;
	s8 =	simm.s32 @!p0 $0x1BF5;
	p2 =	por !p2, p0  }
0x20: {  	[sflag:s8] =	ssyncset.s32 @!p0 $0xFFFFF086;
	s6 =	sadd.s32 @!p0 s3, s7;
	s7 =	simm.s32 @!p0 $0x108  }
0x21: {  	s3 =	sadd.s32 s3, s9;
	s6 =	sadd.s32 @!p0 $0x88, s6;
	s7 =	simm.s32 @p2 $0x1082  }
0x22: {  	[simem:s7], [sflag:s8] =	dma.local @!p0 [hbm:s6], $0xF7A  }
0x23: {  	s9 =	sor.u32 $0xD0000000, s2;
	s6 =	simm.s32 $0x108;
	_ =	swait.ge @!p0 [sflag:s8], $0x0  }
0x24: {  	s3 =	sadd.s32 $0x88, s3;
	s6 =	simm.s32 @!p1 $0x1082;
	[sflag:s4] =	ssyncset.s32 $0xFFFFF086  }
0x25: {  	[simem:s6], [sflag:s4] =	dma.local [hbm:s3], $0xF7A  }
0x26: {  	[smem:$0x3F9B] =	sst s1;
	(tag) =	ssettag s2;
	_ =	strace s9  }
0x27: {  	s1 =	sld [smem:$0x3FAB]  }
0x28: {  	s2 =	sld [smem:$0x3FAC]  }
0x29: {  	s4 =	sld [smem:$0x3FAE]  }
0x2a: {  	p0 =	seq.s32 s5, $0x0;
	s5 =	sld [smem:$0x3FAF]  }
0x2b: {  	s6 =	sld [smem:$0x3FB0]  }
0x2c: {  	s7 =	sld [smem:$0x3FB1]  }
0x2d: {  	s3 =	simm.s32 $0x108;
	s8 =	sld [smem:$0x3FB2]  }
0x2e: {  	s3 =	simm.s32 @!p0 $0x1082;
	s9 =	sld [smem:$0x3FB3]  }
0x2f: {  	lr =	sadd.s32 s0, s3;
	s0 =	sld [smem:$0x3FAA]  }
0x30: {  	s3 =	sld [smem:$0x3FAD]  }
0x31: {  	[smem:$0x3FB6] =	sst s10  }
0x32: {  	s10 =	sld [smem:$0x3FB4];
	_ =	sdelay $0x3  }
0x33: {  	p0 =	seq.s32 s10, $0x1;
	s10 =	sld [smem:$0x3FB6];
	_ =	sdelay $0x3  }
0x34: {  	[smem:$0x3FB6] =	sst s10  }
0x35: {  	s10 =	sld [smem:$0x3FB5];
	_ =	sdelay $0x3  }
0x36: {  	p1 =	seq.s32 s10, $0x1;
	s10 =	sld [smem:$0x3FB6];
	_ =	sdelay $0x3  }
0x37: {  	[smem:$0x3FB6] =	sst s10  }
0x38: {  	s10 =	sld [smem:$0x3FB7]  }
0x39: {  	_ = 	snop;
	(pc) =	sbr.ind lr, $3  }
0x3a: {  	_ = 	snop  }
0x3b: {  	_ = 	snop  }
0x3c: {  	p2 =	seq.s32 s10, $0x1;
	s10 =	sld [smem:$0x3FB6]  }
0x3d: {  	_ =	shalt  }
0x3e: {  	_ =	shalt  }
0x3f: {  	_ =	shalt  }
0x40: {  	_ =	shalt  }
0x41: {  	_ =	shalt  }
0x42: {  	_ =	shalt  }
0x43: {  	_ =	shalt  }
0x44: {  	_ =	shalt  }
0x45: {  	_ =	shalt  }
0x46: {  	_ =	shalt  }
0x47: {  	_ =	shalt  }
0x48: {  	_ =	shalt  }
0x49: {  	_ =	shalt  }
0x4a: {  	_ =	shalt  }
0x4b: {  	_ =	shalt  }
0x4c: {  	_ =	shalt  }
0x4d: {  	_ =	shalt  }
0x4e: {  	_ =	shalt  }
0x4f: {  	_ =	shalt  }
0x50: {  	_ =	shalt  }
0x51: {  	_ =	shalt  }
0x52: {  	_ =	shalt  }
0x53: {  	_ =	shalt  }
0x54: {  	_ =	shalt  }
0x55: {  	_ =	shalt  }
0x56: {  	_ =	shalt  }
0x57: {  	_ =	shalt  }
0x58: {  	_ =	shalt  }
0x59: {  	_ =	shalt  }
0x5a: {  	_ =	shalt  }
0x5b: {  	_ =	shalt  }
0x5c: {  	_ =	shalt  }
0x5d: {  	_ =	shalt  }
0x5e: {  	_ =	shalt  }
0x5f: {  	_ =	shalt  }
0x60: {  	_ =	shalt  }
0x61: {  	_ =	shalt  }
0x62: {  	_ =	shalt  }
0x63: {  	_ =	shalt  }
0x64: {  	_ =	shalt  }
0x65: {  	_ =	shalt  }
0x66: {  	_ =	shalt  }
0x67: {  	_ =	shalt  }
0x68: {  	_ =	shalt  }
0x69: {  	_ =	shalt  }
0x6a: {  	_ =	shalt  }
0x6b: {  	_ =	shalt  }
0x6c: {  	_ =	shalt  }
0x6d: {  	_ =	shalt  }
0x6e: {  	_ =	shalt  }
0x6f: {  	_ =	shalt  }
0x70: {  	_ =	shalt  }
0x71: {  	_ =	shalt  }
0x72: {  	_ =	shalt  }
0x73: {  	_ =	shalt  }
0x74: {  	_ =	shalt  }
0x75: {  	_ =	shalt  }
0x76: {  	_ =	shalt  }
0x77: {  	_ =	shalt  }
0x78: {  	_ =	shalt  }
0x79: {  	_ =	shalt  }
0x7a: {  	_ =	shalt  }
0x7b: {  	_ =	shalt  }
0x7c: {  	_ =	shalt  }
0x7d: {  	_ =	shalt  }
0x7e: {  	_ =	shalt  }
0x7f: {  	_ =	shalt  }
0x80: {  	_ =	shalt  }
0x81: {  	_ =	shalt  }
0x82: {  	_ =	shalt  }
0x83: {  	_ =	shalt  }
0x84: {  	_ =	shalt  }
0x85: {  	_ =	shalt  }
0x86: {  	_ =	shalt  }
0x87: {  	_ =	shalt  }
.Lfunc_end0:
.L_simem_size_0:
called_computation.3_lowered:
.L_overlay_start_0:
0x88: {  	s2 =	sld [smem:$0x3FD9]  }
0x89: {  	s3 =	sld [smem:$0x3FFE];
	_ =	sdelay $0x1  }
0x8a: {  	s1 =	srdreg.scid  }
0x8b: {  	s0 =	sand.u32 $0x1, s1  }
0x8c: {  	s17 =	sshll.u32 s0, $0xA;
	s2 =	sadd.s32 s3, s2  }
0x8d: {  	s2 =	sadd.s32 s2, s17  }
0x8e: {  	[smem:$0x3FC2] =	sst s2  }
0x8f: {  	_ = 	snop  }
0x90: {  	s2 =	sld [smem:$0x3FD0];
	(tm) =	ssettm $0x1  }
0x91: {  	s18 =	sld [smem:$0x3FFB];
	_ =	sdelay $0x3  }
0x92: {  	_ =	strace s18  }
0x93: {  	s3 =	sld [smem:$0x3FFC];
	_ =	sdelay $0x3  }
0x94: {  	_ =	strace s3  }
0x95: {  	s3 =	sld [smem:$0x3FFD];
	_ =	sdelay $0x3  }
0x96: {  	_ =	strace s3  }
0x97: {  	_ =	strace $0x8FFFFFFF  }
0x98: {  	s19 =	sld [smem:$0x3FDB];
	_ =	sdelay $0x1  }
0x99: {  	s4 =	simm.s32 $_scs_section_size  }
0x9a: {  	s5 =	simm.s32 $_size__tile_overlayer_lowered;
	s6 =	simm.s32 $_tile_overlayer_lowered  }
0x9b: {  	s22 =	simm.s32 $0x1BFF;
	s21 =	sshll.u32 s6, $0x1;
	s3 =	sadd.s32 s4, s19  }
0x9c: {  	s7 =	simm.s32 $0x0;
	s20 =	sshll.u32 s5, $0x1;
	s5 =	sadd.s32 s21, s3  }
0x9d: {  	[timem:s7], [sflag:s22] =	dma.local [hbm:s5], s20  }
0x9e: {  	_ =	swait.ge [sflag:s22], s20  }
0x9f: {  	s4 =	ssub.s32 $0x0, s20;
	[sflag:s22] =	ssyncset.done $0x0  }
0xa0: {  	[sflag:s22] =	ssyncadd.s32 s4;
	_ =	sdelay $0x1  }
0xa1: {  	s23 =	simm.s32 $0x1B8B  }
0xa2: {  	_ =	swait.ge [sflag:s23], $0x1  }
0xa3: {  	[sflag:s23] =	ssyncset.done $0x0  }
0xa4: {  	s25 =	simm.s32 $0x1B8E;
	s24 =	sld [smem:$0x3FFE];
	[sflag:s23] =	ssyncadd.s32 $0xFFFFFFFF  }
0xa5: {  	s26 =	simm.s32 $execute0_lowered;
	[smem:$0x3FD2] =	sst s25  }
0xa6: {  	s5 =	sshll.u32 s26, $0x1;
	_ =	strace $0x8000004C;
	[dreg:$0x1] =	wrdreg $0xFFFFFFFF  }
0xa7: {  	s28 =	simm.s32 $_size_execute0_lowered;
	s3 =	sadd.s32 s3, s5;
	[dreg:$0x0] =	wrdreg $0x0  }
0xa8: {  	s5 =	sshll.u32 s28, $0x1;
	[dreg:$0x2] =	wrdreg s3  }
0xa9: {  	[dreg:$0x3] =	wrdreg s5  }
0xaa: {  	[dreg:$0x4] =	wrdreg $0xC0  }
0xab: {  	_ =	task [dreg:s7], $0x5FFFF  }
0xac: {  	[dreg:$0x1] =	wrdreg $0xFFFFFFFF  }
0xad: {  	[dreg:$0x0] =	wrdreg $0x60  }
0xae: {  	[dreg:$0x2] =	wrdreg s2  }
0xaf: {  	[dreg:$0x3] =	wrdreg s24  }
0xb0: {  	[dreg:$0x4] =	wrdreg $0x9  }
0xb1: {  	_ =	task.clear_ibuf [dreg:s7], $0x5FFFF;
	_ =	strace $0x9000004C  }
0xb2: {  	s29 =	simm.s32 $0x9;
	_ =	strace $0x8000004E  }
0xb3: {  	_ =	swait.ge [sflag:s29], $0x1  }
0xb4: {  	[sflag:s29] =	ssyncadd.s32 $0xFFFFFFFF  }
0xb5: {  	_ =	strace $0x9000004E  }
0xb6: {  	_ =	sfence  }
0xb7: {  	s30 =	sld [smem:$0x0];
	_ =	sdelay $0x2  }
0xb8: {  	s31 =	sshll.u32 s1, $0xD;
	s1 =	sshrl.u32 s1, $0x2  }
0xb9: {  	s3 =	sand.u32 $0x4000, s31;
	s1 =	sadd.s32 s1, s30  }
0xba: {  	s0 =	sor.u32 s3, s0;
	s1 =	sshll.u32 s1, $0x11  }
0xbb: {  	s0 =	sor.u32 s1, s0  }
0xbc: {  	s0 =	sadd.s32 $0x8F2B, s0  }
0xbd: {  	[sflag:s0] =	ssyncadd.remote.s32 $0x1  }
0xbe: {  	_ =	sfence.sel $0xFFFF  }
0xbf: {  	[dreg:$0x0] =	wrdreg $0xFFFFFFFF;
	(pc) =	sbr.abs _section_cstart, $3  }
0xc0: {  	[dreg:$0x1] =	wrdreg $0xFFFFFFFF  }
0xc1: {  	_ =	task.clear_ibuf [dreg:s7], $0x2FFFF;
	_ =	strace $0x9FFFFFFF  }
0xc2: {  	(tm) =	ssettm $0x7FFFFFFF  }
0xc3: {  	_ =	shalt  }
tec
execute0_lowered:
.L_overlay_start_1:
0x0: {  	(tag) =	ssettag $0x1  }
0x1: {  	s2 =	rddreg [dreg:$0x0];
	s1 =	srdreg.scid  }
0x2: {  	s0 =	stileid.u32;
	s10 =	rddreg [dreg:$0x1]  }
0x3: {  	s3 =	simm.s32 $0x0;
	s12 =	simm.s32 $0x6000;
	s13 =	simm.s32 $0x2  }
0x4: {  	s14 =	simm.s32 $0x8400;
	s15 =	simm.s32 $0x80;
	s16 =	simm.s32 $0x2000  }
0x5: {  	s17 =	simm.s32 $0x4000;
	s18 =	simm.s32 $0x3000;
	s19 =	simm.s32 $0x5000  }
0x6: {  	s20 =	simm.s32 $0x1;
	s4 =	sand.u32 $0x1, s1;
	s1 =	rddreg [dreg:$0x2]  }
0x7: {  	s21 =	simm.s32 $0x0;
	s5 =	sshll.u32 s0, $0x1;
	[smem:$0x7FF] =	sst s3  }
0x8: {  	s6 =	sadd.s32 $0x33C00, s10;
	s7 =	sor.u32 s4, s5;
	s8 =	ssub.s32 $0x2, s4  }
0x9: {  	_ =	strace $0x8000004D;
	s5 =	smul.u32 $0x480, s7;
	s11 =	sshrl.u32 s8, $0x1  }
0xa: {  	s4 =	sadd.s32 $0x23800, s10;
	s7 =	smul.u32 $0x2400, s7;
	s11 =	ssub.s32 s8, s11  }
0xb: {  	s9 =	sadd.s32 s5, s10;
	s5 =	sadd.s32 $0x13400, s10;
	s10 =	sadd.s32 $0x139C00, s10  }
0xc: {  	s11 =	smax.u32 s11, $0x1;
	s8 =	sadd.s32 $0xA400, s9;
	s9 =	sadd.s32 $0x1400, s9  }
.LBB2_1:
0xd: {  	[tilespmem:s12], [sflag:$0x2] =	stream.linear.gather [hbm4b:s8+s3], $0x2400, $0x38;
	[tilespmem:$0xA800] =	vst v63  }
0xe: {  	_ =	swait.ge [sflag:s13], $0x2400  }
0xf: {  	[sflag:s13] =	ssyncset.done $0x0  }
0x10: {  	[sflag:s13] =	ssyncadd.s32 $0xFFFFDC00  }
0x11: {  	[tilespmem:s14], [sflag:$0x2] =	stream.linear.gather [hbm4b:s9+s3], $0x2400, $0x38;
	[tilespmem:$0xA800] =	vst v63  }
0x12: {  	_ =	swait.ge [sflag:s13], $0x2400  }
0x13: {  	[sflag:s13] =	ssyncset.done $0x0  }
0x14: {  	s22 =	simm.s32 $0x0;
	[sflag:s13] =	ssyncadd.s32 $0xFFFFDC00  }
.LBB2_2:
0x15: {  	s24 =	sshll.u32 s22, $0x8  }
0x16: {  	s23 =	sadd.s32 s7, s24  }
0x17: {  	p0 =	sgt.u32 s23, $0x41793;
	s25 =	sadd.s32 $0xFFFBE86C, s23  }
0x18: {  	p1 =	sgt.u32 @p0 s25, $0xFE  }
0x19: {  	p1 =	por p1, !p0  }
0x1a: {  	s25 =	sshll.u32 @!p1 s23, $0x2  }
0x1b: {  	s26 =	simm.s32 @!p1 $0x0;
	s23 =	sshll.u32 @!p0 s23, $0x2;
	s25 =	sadd.s32 @!p1 s2, s25  }
0x1c: {  	[tilespmem:s26], [sflag:$0x1] =	stream.linear.gather @!p1 [hbm4b:s25+s26], $0x1260, $0x38;
	[tilespmem:$0xA800] =	vst v63  }
0x1d: {  	s25 =	sadd.s32 @!p0 s2, s23;
	s26 =	simm.s32 @!p0 $0x0  }
0x1e: {  	[tilespmem:s26], [sflag:$0x1] =	stream.linear.gather @!p0 [hbm4b:s25+s26], $0x2000, $0x38;
	[tilespmem:$0xA800] =	vst v63  }
0x1f: {  	s29 =	sadd.s32 $0x6000, s24  }
0x20: {  	[tilespmem:s16], [sflag:$0x1] =	stream.indirect.gather [hbm4b:s4+s15], $0x20, s29, s15, $0xb8;
	[tilespmem:$0xA800] =	vst v63  }
0x21: {  	s30 =	sadd.s32 $0x8400, s24  }
0x22: {  	[tilespmem:s17], [sflag:$0x1] =	stream.indirect.gather [hbm4b:s5+s15], $0x20, s30, s15, $0xb8;
	[tilespmem:$0xA800] =	vst v63  }
0x23: {  	s31 =	sadd.s32 $0x6080, s24  }
0x24: {  	[tilespmem:s18], [sflag:$0x1] =	stream.indirect.gather [hbm4b:s4+s15], $0x20, s31, s15, $0xb8;
	[tilespmem:$0xA800] =	vst v63  }
0x25: {  	s24 =	sadd.s32 $0x8480, s24  }
0x26: {  	[tilespmem:s19], [sflag:$0x1] =	stream.indirect.gather [hbm4b:s5+s15], $0x20, s24, s15, $0xb8;
	[tilespmem:$0xA800] =	vst v63  }
0x27: {  	s24 =	simm.s32 @!p1 $0x1  }
0x28: {  	_ =	swait.ge @!p1 [sflag:s24], $0x1260  }
0x29: {  	[sflag:s24] =	ssyncset.done @!p1 $0x0  }
0x2a: {  	[sflag:s24] =	ssyncadd.s32 @!p1 $0xFFFFEDA0;
	s24 =	simm.s32 @!p0 $0x1  }
0x2b: {  	_ =	swait.ge @!p0 [sflag:s24], $0x2000  }
0x2c: {  	[sflag:s24] =	ssyncset.done @!p0 $0x0  }
0x2d: {  	[sflag:s24] =	ssyncadd.s32 @!p0 $0xFFFFE000  }
0x2e: {  	_ =	swait.ge [sflag:s20], $0x1000  }
0x2f: {  	[sflag:s20] =	ssyncset.done $0x0  }
0x30: {  	[sflag:s20] =	ssyncadd.s32 $0xFFFFF000  }
0x31: {  	_ =	swait.ge [sflag:s20], $0x1000  }
0x32: {  	[sflag:s20] =	ssyncset.done $0x0  }
0x33: {  	[sflag:s20] =	ssyncadd.s32 $0xFFFFF000  }
0x34: {  	_ =	swait.ge [sflag:s20], $0x1000  }
0x35: {  	[sflag:s20] =	ssyncset.done $0x0  }
0x36: {  	[sflag:s20] =	ssyncadd.s32 $0xFFFFF000  }
0x37: {  	_ =	swait.ge [sflag:s20], $0x1000  }
0x38: {  	[sflag:s20] =	ssyncset.done $0x0  }
0x39: {  	s24 =	simm.s32 $0x0;
	[sflag:s20] =	ssyncadd.s32 $0xFFFFF000  }
0x3a: {  	v4 =	vld [tilespmem:s24+$0x4000]  }
0x3b: {  	v5 =	vld [tilespmem:s24+$0x4010]  }
0x3c: {  	v3 =	vld [tilespmem:s24+$0x4020]  }
0x3d: {  	v2 =	vld [tilespmem:s24+$0x4030]  }
0x3e: {  	v1 =	vld [tilespmem:s24+$0x4040]  }
0x3f: {  	v0 =	vld [tilespmem:s24+$0x4050]  }
0x40: {  	v12 =	vld [tilespmem:s24+$0x2000]  }
0x41: {  	v17 =	vld [tilespmem:s24+$0x2010]  }
0x42: {  	v11 =	vld [tilespmem:s24+$0x2020]  }
0x43: {  	v10 =	vld [tilespmem:s24+$0x2030]  }
0x44: {  	v9 =	vld [tilespmem:s24+$0x2040]  }
0x45: {  	v8 =	vld [tilespmem:s24+$0x2050]  }
0x46: {  	v7 =	vld [tilespmem:s24+$0x2060]  }
0x47: {  	v6 =	vld [tilespmem:s24+$0x2070]  }
0x48: {  	v18 =	vld [tilespmem:s24+$0x0]  }
0x49: {  	v19 =	vld [tilespmem:s24+$0x10]  }
0x4a: {  	v16 =	vld [tilespmem:s24+$0x20]  }
0x4b: {  	v15 =	vld [tilespmem:s24+$0x30]  }
0x4c: {  	v14 =	vld [tilespmem:s24+$0x40]  }
0x4d: {  	v13 =	vld [tilespmem:s24+$0x50];
	v18 =	vadd.f32 v12, v18  }
0x4e: {  	s25 =	simm.s32 $0x200;
	v17 =	vadd.f32 v17, v19;
	v12 =	vld [tilespmem:s24+$0x60]  }
.LBB2_3:
0x4f: {  	p2 =	sne.s32 s25, $0x7E00;
	v4 =	vadd.f32 v4, v18;
	v11 =	vadd.f32 v11, v16;
	v16 =	vld [tilespmem:s24+$0x70]  }
0x50: {  	v5 =	vadd.f32 v5, v17;
	v10 =	vadd.f32 v10, v15;
	v15 =	vld [tilespmem:s24+$0x4060]  }
0x51: {  	s26 =	sshra.s32 s25, $0x2;
	v17 =	vmax.f32 v4, $0.0e+00;
	v3 =	vadd.f32 v3, v11;
	v9 =	vadd.f32 v9, v14;
	v11 =	vld [tilespmem:s24+$0x4070]  }
0x52: {  	v4 =	vld [tilespmem:s26+$0x4000];
	[tilespmem:s24+$0x0] =	vst v17;
	v14 =	vmax.f32 v5, $0.0e+00;
	v2 =	vadd.f32 v2, v10;
	v8 =	vadd.f32 v8, v13  }
0x53: {  	v5 =	vld [tilespmem:s26+$0x4010];
	[tilespmem:s24+$0x10] =	vst v14;
	v10 =	vmax.f32 v3, $0.0e+00;
	v1 =	vadd.f32 v1, v9;
	v7 =	vadd.f32 v7, v12  }
0x54: {  	v3 =	vld [tilespmem:s26+$0x4020];
	[tilespmem:s24+$0x20] =	vst v10;
	v9 =	vmax.f32 v2, $0.0e+00;
	v0 =	vadd.f32 v0, v8;
	v6 =	vadd.f32 v6, v16  }
0x55: {  	v2 =	vld [tilespmem:s26+$0x4030];
	[tilespmem:s24+$0x30] =	vst v9;
	v8 =	vmax.f32 v1, $0.0e+00;
	v7 =	vadd.f32 v15, v7  }
0x56: {  	v1 =	vld [tilespmem:s26+$0x4040];
	[tilespmem:s24+$0x40] =	vst v8;
	v8 =	vmax.f32 v0, $0.0e+00;
	v6 =	vadd.f32 v11, v6  }
0x57: {  	v0 =	vld [tilespmem:s26+$0x4050];
	[tilespmem:s24+$0x50] =	vst v8;
	v7 =	vmax.f32 v7, $0.0e+00  }
0x58: {  	v12 =	vld [tilespmem:s26+$0x2000];
	[tilespmem:s24+$0x60] =	vst v7;
	v6 =	vmax.f32 v6, $0.0e+00  }
0x59: {  	v17 =	vld [tilespmem:s26+$0x2010];
	[tilespmem:s24+$0x70] =	vst v6;
	s24 =	smov.u32 s26  }
0x5a: {  	v11 =	vld [tilespmem:s24+$0x2020]  }
0x5b: {  	v10 =	vld [tilespmem:s24+$0x2030]  }
0x5c: {  	v9 =	vld [tilespmem:s24+$0x2040]  }
0x5d: {  	v8 =	vld [tilespmem:s24+$0x2050]  }
0x5e: {  	v7 =	vld [tilespmem:s24+$0x2060]  }
0x5f: {  	v6 =	vld [tilespmem:s24+$0x2070]  }
0x60: {  	v13 =	vld [tilespmem:s24+$0x0]  }
0x61: {  	v19 =	vld [tilespmem:s24+$0x10]  }
.Ltmp0:
0x62: {  	v16 =	vld [tilespmem:s24+$0x20];
	(pc) =	sbr.rel @p2 .LBB2_3-.Ltmp0, $4  }
0x63: {  	v15 =	vld [tilespmem:s24+$0x30]  }
0x64: {  	v14 =	vld [tilespmem:s24+$0x40]  }
0x65: {  	v18 =	vadd.f32 v12, v13;
	v13 =	vld [tilespmem:s24+$0x50]  }
0x66: {  	s25 =	sadd.s32 $0x200, s25;
	v17 =	vadd.f32 v17, v19;
	v12 =	vld [tilespmem:s24+$0x60]  }
0x67: {  	v4 =	vadd.f32 v4, v18;
	v11 =	vadd.f32 v11, v16;
	v53 =	vld [tilespmem:s24+$0x70]  }
0x68: {  	v54 =	vld [tilespmem:s24+$0x4060];
	v5 =	vadd.f32 v5, v17;
	v10 =	vadd.f32 v10, v15  }
0x69: {  	v55 =	vld [tilespmem:s24+$0x4070];
	v4 =	vmax.f32 v4, $0.0e+00;
	v3 =	vadd.f32 v3, v11;
	v9 =	vadd.f32 v9, v14  }
0x6a: {  	[tilespmem:s24+$0x0] =	vst v4;
	v56 =	vmax.f32 v5, $0.0e+00;
	v2 =	vadd.f32 v2, v10;
	v57 =	vadd.f32 v8, v13  }
0x6b: {  	[tilespmem:s24+$0x10] =	vst v56;
	v3 =	vmax.f32 v3, $0.0e+00;
	v1 =	vadd.f32 v1, v9;
	v58 =	vadd.f32 v7, v12  }
0x6c: {  	[tilespmem:s24+$0x20] =	vst v3;
	v2 =	vmax.f32 v2, $0.0e+00;
	v0 =	vadd.f32 v0, v57;
	v59 =	vadd.f32 v6, v53  }
0x6d: {  	[tilespmem:s24+$0x30] =	vst v2;
	v1 =	vmax.f32 v1, $0.0e+00;
	v60 =	vadd.f32 v54, v58  }
0x6e: {  	[tilespmem:s24+$0x40] =	vst v1;
	v0 =	vmax.f32 v0, $0.0e+00;
	v61 =	vadd.f32 v55, v59  }
0x6f: {  	[tilespmem:s24+$0x50] =	vst v0;
	v62 =	vmax.f32 v60, $0.0e+00  }
0x70: {  	[tilespmem:s24+$0x60] =	vst v62;
	v63 =	vmax.f32 v61, $0.0e+00  }
0x71: {  	[tilespmem:s24+$0x70] =	vst v63;
	s24 =	simm.s32 @!p1 $0x0  }
0x72: {  	[hbm4b:s10+s24] =	stream.linear.scatter @!p1 [tilespmem:s24], [sflag:$0x2], $0x1260, $0x38;
	[tilespmem:$0xA800] =	vst v63  }
0x73: {  	s24 =	simm.s32 @!p1 $0x2  }
0x74: {  	_ =	swait.ge @!p1 [sflag:s24], $0x1260  }
0x75: {  	s23 =	sadd.s32 @!p0 s6, s23;
	s22 =	sadd.s32 $0x1, s22;
	[sflag:s24] =	ssyncset.done @!p1 $0x0  }
0x76: {  	[sflag:s24] =	ssyncadd.s32 @!p1 $0xFFFFEDA0;
	s24 =	simm.s32 @!p0 $0x0;
	p1 =	sne.s32 s22, $0x24  }
0x77: {  	[hbm4b:s23+s24] =	stream.linear.scatter @!p0 [tilespmem:s24], [sflag:$0x3], $0x2000, $0x38;
	[tilespmem:$0xA800] =	vst v63  }
.Ltmp1:
0x78: {  	_ = 	snop;
	(pc) =	sbr.rel @p1 .LBB2_2-.Ltmp1, $4  }
0x79: {  	s23 =	simm.s32 @!p0 $0x3  }
0x7a: {  	_ =	swait.ge @!p0 [sflag:s23], $0x2000  }
0x7b: {  	[sflag:s23] =	ssyncset.done @!p0 $0x0  }
0x7c: {  	[sflag:s23] =	ssyncadd.s32 @!p0 $0xFFFFE000  }
0x7d: {  	s21 =	sadd.s32 $0x1, s21  }
0x7e: {  	p0 =	sne.s32 s21, s11  }
.Ltmp2:
0x7f: {  	_ = 	snop;
	(pc) =	sbr.rel @p0 .LBB2_1-.Ltmp2, $1  }
0x80: {  	_ =	sdelay $0x3  }
0x81: {  	_ =	sfence.sel $0x180000  }
0x82: {  	[bflag:$0x0] =	sbarrier.arrive $0xFFFF  }
0x83: {  	p0 =	sne.s32 s0, $0x0;
	_ =	strace $0x9000004D  }
0x84: {  	s0 =	sadd.s32 @!p0 $0x100000, s1;
	[bflag:$0x2] =	sbarrier.arrive $0xFFFF  }
0x85: {  	[sflag:s0] =	ssyncadd.tile.s32 @!p0 $0x1;
	_ =	shalt  }
.Lfunc_end2:
_tile_overlayer_lowered:
.L_overlay_start_2:
0x86: {  	(tag) =	ssettag $0x2  }
0x87: {  	s0 =	rddreg [dreg:$0x0];
	s2 =	stileid.u32  }
0x88: {  	s1 =	rddreg [dreg:$0x1];
	p0 =	sne.s32 s2, $0x0  }
0x89: {  	s3 =	rddreg [dreg:$0x2];
	[bflag:$0x3] =	sbarrier.arrive $0xFFFF;
	s2 =	simm.s32 @!p0 $0x1C02  }
0x8a: {  	[timem:s3], [sflag:s2] =	dma.local @!p0 [hbm:s0], s1  }
0x8b: {  	s0 =	simm.s32 @!p0 $0x2  }
0x8c: {  	_ =	swait.ge @!p0 [sflag:s0], s1  }
0x8d: {  	s1 =	ssub.s32 @!p0 $0x0, s1;
	[sflag:s0] =	ssyncset.done @!p0 $0x0  }
0x8e: {  	[sflag:s0] =	ssyncadd.s32 @!p0 s1  }
0x8f: {  	[bflag:$0x3] =	sbarrier.arrive $0xFFFF  }
0x90: {  	_ =	shalt  }

// kernel: kernel.8.cloned.1.call-start
scs
__scs_entry_jumppad:
0x0: {  	(pc) =	sbr.rel $0x88, $3  }
0x1: {  	(tag) =	ssettag $0x0;
	lr =	simm.s32 $0x1  }
0x2: {  	[smem:$0x3F9B] =	sst lr;
	_ =	strace $0xD0000000  }
0x3: {  	_ = 	snop  }
0x4: {  	_ = 	snop  }
0x5: {  	_ = 	snop  }
0x6: {  	_ = 	snop  }
0x7: {  	_ = 	snop  }
__scs_overlays_trampoline_lowered:
0x8: {  	[smem:$0x3FAA] =	sst s0  }
0x9: {  	[smem:$0x3FAB] =	sst s1  }
0xa: {  	[smem:$0x3FAC] =	sst s2  }
0xb: {  	[smem:$0x3FAD] =	sst s3  }
0xc: {  	[smem:$0x3FAE] =	sst s4  }
0xd: {  	[smem:$0x3FAF] =	sst s5  }
0xe: {  	[smem:$0x3FB0] =	sst s6  }
0xf: {  	[smem:$0x3FB1] =	sst s7  }
0x10: {  	[smem:$0x3FB2] =	sst s8  }
0x11: {  	[smem:$0x3FB3] =	sst s9;
	s0 =	simm.s32 @!p0 $0x0  }
0x12: {  	s1 =	sld [smem:$0x3F99];
	s0 =	simm.s32 @p0 $0x1  }
0x13: {  	[smem:$0x3FB4] =	sst s0;
	s0 =	simm.s32 @!p1 $0x0  }
0x14: {  	s2 =	sld [smem:$0x3F98];
	s0 =	simm.s32 @p1 $0x1  }
0x15: {  	[smem:$0x3FB5] =	sst s0;
	s0 =	simm.s32 @!p2 $0x0  }
0x16: {  	s3 =	sld [smem:$0x3FDB];
	s0 =	simm.s32 @p2 $0x1  }
0x17: {  	s4 =	simm.s32 $0x1BF5;
	[smem:$0x3FB7] =	sst s0  }
0x18: {  	s0 =	sld [smem:$0x3F9A];
	_ =	swait.ge [sflag:s4], $0x0  }
0x19: {  	s7 =	sld [smem:$0x3F9B]  }
0x1a: {  	s8 =	sadd.s32 $0xFFFFE003, lr  }
0x1b: {  	s9 =	sadd.s32 $0xFFFFFEF7, lr;
	s5 =	simm.s32 $0xFFFFFFFF;
	p2 =	slt.u32 s8, $0xFFFFF086  }
0x1c: {  	p1 =	slt.u32 s9, $0xF7A;
	s5 =	simm.s32 @!p2 $0x0  }
0x1d: {  	s5 =	simm.s32 @p1 $0x1;
	p0 =	seq.s32 s7, s2  }
0x1e: {  	s7 =	smul.u32 @!p0 $0xF7A, s2;
	p2 =	seq.s32 @!p0 s5, $0x0  }
0x1f: {  	s9 =	smul.u32 $0xF7A, s1;
	s8 =	simm.s32 @!p0 $0x1BF5;
	p2 =	por !p2, p0  }
0x20: {  	[sflag:s8] =	ssyncset.s32 @!p0 $0xFFFFF086;
	s6 =	sadd.s32 @!p0 s3, s7;
	s7 =	simm.s32 @!p0 $0x108  }
0x21: {  	s3 =	sadd.s32 s3, s9;
	s6 =	sadd.s32 @!p0 $0x88, s6;
	s7 =	simm.s32 @p2 $0x1082  }
0x22: {  	[simem:s7], [sflag:s8] =	dma.local @!p0 [hbm:s6], $0xF7A  }
0x23: {  	s9 =	sor.u32 $0xD0000000, s2;
	s6 =	simm.s32 $0x108;
	_ =	swait.ge @!p0 [sflag:s8], $0x0  }
0x24: {  	s3 =	sadd.s32 $0x88, s3;
	s6 =	simm.s32 @!p1 $0x1082;
	[sflag:s4] =	ssyncset.s32 $0xFFFFF086  }
0x25: {  	[simem:s6], [sflag:s4] =	dma.local [hbm:s3], $0xF7A  }
0x26: {  	[smem:$0x3F9B] =	sst s1;
	(tag) =	ssettag s2;
	_ =	strace s9  }
0x27: {  	s1 =	sld [smem:$0x3FAB]  }
0x28: {  	s2 =	sld [smem:$0x3FAC]  }
0x29: {  	s4 =	sld [smem:$0x3FAE]  }
0x2a: {  	p0 =	seq.s32 s5, $0x0;
	s5 =	sld [smem:$0x3FAF]  }
0x2b: {  	s6 =	sld [smem:$0x3FB0]  }
0x2c: {  	s7 =	sld [smem:$0x3FB1]  }
0x2d: {  	s3 =	simm.s32 $0x108;
	s8 =	sld [smem:$0x3FB2]  }
0x2e: {  	s3 =	simm.s32 @!p0 $0x1082;
	s9 =	sld [smem:$0x3FB3]  }
0x2f: {  	lr =	sadd.s32 s0, s3;
	s0 =	sld [smem:$0x3FAA]  }
0x30: {  	s3 =	sld [smem:$0x3FAD]  }
0x31: {  	[smem:$0x3FB6] =	sst s10  }
0x32: {  	s10 =	sld [smem:$0x3FB4];
	_ =	sdelay $0x3  }
0x33: {  	p0 =	seq.s32 s10, $0x1;
	s10 =	sld [smem:$0x3FB6];
	_ =	sdelay $0x3  }
0x34: {  	[smem:$0x3FB6] =	sst s10  }
0x35: {  	s10 =	sld [smem:$0x3FB5];
	_ =	sdelay $0x3  }
0x36: {  	p1 =	seq.s32 s10, $0x1;
	s10 =	sld [smem:$0x3FB6];
	_ =	sdelay $0x3  }
0x37: {  	[smem:$0x3FB6] =	sst s10  }
0x38: {  	s10 =	sld [smem:$0x3FB7]  }
0x39: {  	_ = 	snop;
	(pc) =	sbr.ind lr, $3  }
0x3a: {  	_ = 	snop  }
0x3b: {  	_ = 	snop  }
0x3c: {  	p2 =	seq.s32 s10, $0x1;
	s10 =	sld [smem:$0x3FB6]  }
0x3d: {  	_ =	shalt  }
0x3e: {  	_ =	shalt  }
0x3f: {  	_ =	shalt  }
0x40: {  	_ =	shalt  }
0x41: {  	_ =	shalt  }
0x42: {  	_ =	shalt  }
0x43: {  	_ =	shalt  }
0x44: {  	_ =	shalt  }
0x45: {  	_ =	shalt  }
0x46: {  	_ =	shalt  }
0x47: {  	_ =	shalt  }
0x48: {  	_ =	shalt  }
0x49: {  	_ =	shalt  }
0x4a: {  	_ =	shalt  }
0x4b: {  	_ =	shalt  }
0x4c: {  	_ =	shalt  }
0x4d: {  	_ =	shalt  }
0x4e: {  	_ =	shalt  }
0x4f: {  	_ =	shalt  }
0x50: {  	_ =	shalt  }
0x51: {  	_ =	shalt  }
0x52: {  	_ =	shalt  }
0x53: {  	_ =	shalt  }
0x54: {  	_ =	shalt  }
0x55: {  	_ =	shalt  }
0x56: {  	_ =	shalt  }
0x57: {  	_ =	shalt  }
0x58: {  	_ =	shalt  }
0x59: {  	_ =	shalt  }
0x5a: {  	_ =	shalt  }
0x5b: {  	_ =	shalt  }
0x5c: {  	_ =	shalt  }
0x5d: {  	_ =	shalt  }
0x5e: {  	_ =	shalt  }
0x5f: {  	_ =	shalt  }
0x60: {  	_ =	shalt  }
0x61: {  	_ =	shalt  }
0x62: {  	_ =	shalt  }
0x63: {  	_ =	shalt  }
0x64: {  	_ =	shalt  }
0x65: {  	_ =	shalt  }
0x66: {  	_ =	shalt  }
0x67: {  	_ =	shalt  }
0x68: {  	_ =	shalt  }
0x69: {  	_ =	shalt  }
0x6a: {  	_ =	shalt  }
0x6b: {  	_ =	shalt  }
0x6c: {  	_ =	shalt  }
0x6d: {  	_ =	shalt  }
0x6e: {  	_ =	shalt  }
0x6f: {  	_ =	shalt  }
0x70: {  	_ =	shalt  }
0x71: {  	_ =	shalt  }
0x72: {  	_ =	shalt  }
0x73: {  	_ =	shalt  }
0x74: {  	_ =	shalt  }
0x75: {  	_ =	shalt  }
0x76: {  	_ =	shalt  }
0x77: {  	_ =	shalt  }
0x78: {  	_ =	shalt  }
0x79: {  	_ =	shalt  }
0x7a: {  	_ =	shalt  }
0x7b: {  	_ =	shalt  }
0x7c: {  	_ =	shalt  }
0x7d: {  	_ =	shalt  }
0x7e: {  	_ =	shalt  }
0x7f: {  	_ =	shalt  }
0x80: {  	_ =	shalt  }
0x81: {  	_ =	shalt  }
0x82: {  	_ =	shalt  }
0x83: {  	_ =	shalt  }
0x84: {  	_ =	shalt  }
0x85: {  	_ =	shalt  }
0x86: {  	_ =	shalt  }
0x87: {  	_ =	shalt  }
.Lfunc_end0:
.L_simem_size_0:
called_computation.1_lowered:
.L_overlay_start_0:
0x88: {  	s2 =	sld [smem:$0x3FD9]  }
0x89: {  	s3 =	sld [smem:$0x3FFE];
	_ =	sdelay $0x1  }
0x8a: {  	s1 =	srdreg.scid  }
0x8b: {  	s0 =	sand.u32 $0x1, s1  }
0x8c: {  	s16 =	sshll.u32 s0, $0xA;
	s2 =	sadd.s32 s3, s2  }
0x8d: {  	s2 =	sadd.s32 s2, s16  }
0x8e: {  	[smem:$0x3FC2] =	sst s2  }
0x8f: {  	_ = 	snop  }
0x90: {  	(tm) =	ssettm $0x1  }
0x91: {  	s17 =	sld [smem:$0x3FFB];
	_ =	sdelay $0x3  }
0x92: {  	_ =	strace s17  }
0x93: {  	s2 =	sld [smem:$0x3FFC];
	_ =	sdelay $0x3  }
0x94: {  	_ =	strace s2  }
0x95: {  	s2 =	sld [smem:$0x3FFD];
	_ =	sdelay $0x3  }
0x96: {  	_ =	strace s2  }
0x97: {  	_ =	strace $0x8FFFFFFF  }
0x98: {  	s18 =	sld [smem:$0x3FDB];
	_ =	sdelay $0x1  }
0x99: {  	s19 =	simm.s32 $_scs_section_size  }
0x9a: {  	s4 =	simm.s32 $_size__tile_overlayer_lowered;
	s5 =	simm.s32 $_tile_overlayer_lowered  }
0x9b: {  	s22 =	simm.s32 $0x1BFF;
	s21 =	sshll.u32 s5, $0x1;
	s2 =	sadd.s32 s19, s18  }
0x9c: {  	s6 =	simm.s32 $0x0;
	s20 =	sshll.u32 s4, $0x1;
	s4 =	sadd.s32 s21, s2  }
0x9d: {  	[timem:s6], [sflag:s22] =	dma.local [hbm:s4], s20  }
0x9e: {  	_ =	swait.ge [sflag:s22], s20  }
0x9f: {  	s3 =	ssub.s32 $0x0, s20;
	[sflag:s22] =	ssyncset.done $0x0  }
0xa0: {  	[sflag:s22] =	ssyncadd.s32 s3;
	_ =	sdelay $0x1  }
0xa1: {  	s23 =	simm.s32 $0x1B8B  }
0xa2: {  	_ =	swait.ge [sflag:s23], $0x1  }
0xa3: {  	[sflag:s23] =	ssyncset.done $0x0  }
0xa4: {  	s25 =	simm.s32 $0x1B8E;
	s24 =	sld [smem:$0x3FFE];
	[sflag:s23] =	ssyncadd.s32 $0xFFFFFFFF  }
0xa5: {  	s26 =	simm.s32 $execute0_lowered;
	[smem:$0x3FD2] =	sst s25  }
0xa6: {  	s4 =	sshll.u32 s26, $0x1;
	_ =	strace $0x80000046;
	[dreg:$0x1] =	wrdreg $0xFFFFFFFF  }
0xa7: {  	s28 =	simm.s32 $_size_execute0_lowered;
	s2 =	sadd.s32 s2, s4;
	[dreg:$0x0] =	wrdreg $0x0  }
0xa8: {  	s4 =	sshll.u32 s28, $0x1;
	[dreg:$0x2] =	wrdreg s2  }
0xa9: {  	[dreg:$0x3] =	wrdreg s4  }
0xaa: {  	[dreg:$0x4] =	wrdreg $0xC0  }
0xab: {  	_ =	task [dreg:s6], $0x5FFFF  }
0xac: {  	[dreg:$0x1] =	wrdreg $0xFFFFFFFF  }
0xad: {  	[dreg:$0x0] =	wrdreg $0x60  }
0xae: {  	[dreg:$0x2] =	wrdreg s24  }
0xaf: {  	[dreg:$0x3] =	wrdreg $0x42000  }
0xb0: {  	[dreg:$0x4] =	wrdreg $0x9  }
0xb1: {  	_ =	task.clear_ibuf [dreg:s6], $0x5FFFF;
	_ =	strace $0x90000046  }
0xb2: {  	s29 =	simm.s32 $0x9;
	_ =	strace $0x80000048  }
0xb3: {  	_ =	swait.ge [sflag:s29], $0x1  }
0xb4: {  	[sflag:s29] =	ssyncadd.s32 $0xFFFFFFFF  }
0xb5: {  	_ =	strace $0x90000048  }
0xb6: {  	_ =	sfence  }
0xb7: {  	s30 =	sld [smem:$0x0];
	_ =	sdelay $0x2  }
0xb8: {  	s31 =	sshll.u32 s1, $0xD;
	s1 =	sshrl.u32 s1, $0x2  }
0xb9: {  	s3 =	sand.u32 $0x4000, s31;
	s1 =	sadd.s32 s1, s30  }
0xba: {  	s0 =	sor.u32 s3, s0;
	s1 =	sshll.u32 s1, $0x11  }
0xbb: {  	s0 =	sor.u32 s1, s0  }
0xbc: {  	s0 =	sadd.s32 $0x8F2B, s0  }
0xbd: {  	[sflag:s0] =	ssyncadd.remote.s32 $0x1  }
0xbe: {  	_ =	sfence.sel $0xFFFF  }
0xbf: {  	[dreg:$0x0] =	wrdreg $0xFFFFFFFF;
	(pc) =	sbr.abs _section_cstart, $3  }
0xc0: {  	[dreg:$0x1] =	wrdreg $0xFFFFFFFF  }
0xc1: {  	_ =	task.clear_ibuf [dreg:s6], $0x2FFFF;
	_ =	strace $0x9FFFFFFF  }
0xc2: {  	(tm) =	ssettm $0x7FFFFFFF  }
0xc3: {  	_ =	shalt  }
tec
execute0_lowered:
.L_overlay_start_1:
0x0: {  	(tag) =	ssettag $0x1  }
0x1: {  	s9 =	rddreg [dreg:$0x0];
	s0 =	stileid.u32  }
0x2: {  	s1 =	srdreg.scid;
	s2 =	rddreg [dreg:$0x1];
	s3 =	simm.s32 $0x0  }
0x3: {  	s14 =	simm.s32 $0x80;
	s15 =	simm.s32 $0x4080;
	s16 =	simm.s32 $0x1000  }
0x4: {  	s17 =	simm.s32 $0x4100;
	s18 =	simm.s32 $0x2000;
	s19 =	simm.s32 $0x4180  }
0x5: {  	s20 =	simm.s32 $0x3000;
	s21 =	simm.s32 $0x0;
	s4 =	smul.u32 $0x12000, s0  }
0x6: {  	s7 =	sand.u32 $0x1, s1;
	s5 =	smul.u32 $0x8200, s0;
	s1 =	rddreg [dreg:$0x2]  }
0x7: {  	[smem:$0x7FF] =	sst s3;
	s12 =	sshll.u32 s0, $0x6;
	s31 =	smul.u32 $0x900, s0  }
0x8: {  	s6 =	smul.u32 $0x82000, s7;
	_ =	strace $0x80000047;
	s8 =	ssub.s32 $0x2, s7  }
0x9: {  	p0 =	seq.s32 s7, $0x1;
	s10 =	sadd.s32 s4, s9;
	s4 =	sadd.s32 $0x532200, s9  }
0xa: {  	s30 =	sshrl.u32 s8, $0x1;
	s13 =	sadd.s32 s5, s2;
	s6 =	sadd.s32 s5, s6  }
0xb: {  	s8 =	ssub.s32 s8, s30;
	s5 =	sor.u32 $0x1C01, s12;
	s12 =	simm.s32 $0x1400  }
0xc: {  	s6 =	sshrl.u32 s6, $0x3;
	s12 =	simm.s32 @!p0 $0xA400;
	s8 =	smax.u32 s8, $0x1  }
0xd: {  	s11 =	sadd.s32 s6, s9;
	s6 =	smul.u32 $0x4800, s0;
	s12 =	sadd.s32 s12, s9  }
0xe: {  	s9 =	sadd.s32 $0x42BE00, s10;
	s7 =	sadd.s32 $0x533400, s11;
	s10 =	sadd.s32 s31, s12  }
0xf: {  	s11 =	sshrl.u32 s13, $0x3;
	s12 =	simm.s32 $0x1;
	s13 =	simm.s32 $0x4000  }
.LBB2_1:
0x10: {  	[spmem:s11], [sflag:s5] =	dma.local [hbm:s4], $0x1040  }
0x11: {  	_ =	swait.ge [sflag:s12], $0x1040  }
0x12: {  	[sflag:s12] =	ssyncset.done $0x0  }
0x13: {  	s22 =	sadd.s32 $0x0, s6;
	[sflag:s12] =	ssyncadd.s32 $0xFFFFEFC0  }
0x14: {  	s23 =	sadd.s32 $0x100, s22;
	[bflag:$0x0] =	sbarrier.arrive $0xFFFF  }
0x15: {  	[tilespmem:s13], [sflag:$0x1] =	stream.linear.gather [hbm4b:s10+s3], $0x200, $0x38;
	[tilespmem:$0xC400] =	vst v63  }
0x16: {  	p0 =	slt.u32 s23, $0x41894;
	_ =	swait.ge [sflag:s12], $0x200  }
0x17: {  	s23 =	simm.s32 @p0 $0x0;
	s24 =	simm.s32 @p0 $0x1;
	[sflag:s12] =	ssyncset.done $0x0  }
0x18: {  	p1 =	sgt.u32 @p0 s22, $0x41693;
	s22 =	sadd.s32 @!p0 $0x0, s6;
	[sflag:s12] =	ssyncadd.s32 $0xFFFFFE00  }
0x19: {  	[tilespmem:s23], [sflag:$0x1] =	stream.linear.gather @p0 [hbm4b:s9+s23], $0x2000, $0x38;
	[tilespmem:$0xC400] =	vst v63  }
0x1a: {  	p1 =	por p1, !p0;
	s22 =	sadd.s32 @!p0 $0xFFFBE86C, s22;
	_ =	swait.ge @p0 [sflag:s24], $0x2000  }
0x1b: {  	s25 =	simm.s32 @!p1 $0x0;
	s26 =	simm.s32 @!p1 $0x1;
	[sflag:s24] =	ssyncset.done @p0 $0x0  }
0x1c: {  	s23 =	sadd.s32 @!p1 $0x400, s9;
	[sflag:s24] =	ssyncadd.s32 @p0 $0xFFFFE000;
	s24 =	simm.s32 @!p1 $0x2000  }
0x1d: {  	[tilespmem:s24], [sflag:$0x1] =	stream.linear.gather @!p1 [hbm4b:s23+s25], $0x2000, $0x38;
	[tilespmem:$0xC400] =	vst v63  }
0x1e: {  	p2 =	sgt.u32 @!p0 s22, $0xFE;
	_ =	swait.ge @!p1 [sflag:s26], $0x2000  }
0x1f: {  	p0 =	por p2, p0;
	[sflag:s26] =	ssyncset.done @!p1 $0x0  }
0x20: {  	s22 =	simm.s32 @!p0 $0x0;
	s23 =	simm.s32 @!p0 $0x1;
	[sflag:s26] =	ssyncadd.s32 @!p1 $0xFFFFE000  }
0x21: {  	[tilespmem:s22], [sflag:$0x1] =	stream.linear.gather @!p0 [hbm4b:s9+s22], $0x1260, $0x38;
	[tilespmem:$0xC400] =	vst v63  }
0x22: {  	_ =	swait.ge @!p0 [sflag:s23], $0x1260  }
0x23: {  	[sflag:s23] =	ssyncset.done @!p0 $0x0  }
0x24: {  	[sflag:s23] =	ssyncadd.s32 @!p0 $0xFFFFEDA0  }
0x25: {  	[spmem:s2] =	stream.indirect.scatter.add.f32 [tilespmem:s3], [sflag:$0x1], $0x20, s13, s14, $0xb8;
	[tilespmem:$0xC400] =	vst v63  }
0x26: {  	_ =	swait.ge [sflag:s12], $0x1000  }
0x27: {  	[sflag:s12] =	ssyncset.done $0x0  }
0x28: {  	[sflag:s12] =	ssyncadd.s32 $0xFFFFF000  }
0x29: {  	[spmem:s2] =	stream.indirect.scatter.add.f32 [tilespmem:s16], [sflag:$0x1], $0x20, s15, s14, $0xb8;
	[tilespmem:$0xC400] =	vst v63  }
0x2a: {  	_ =	swait.ge [sflag:s12], $0x1000  }
0x2b: {  	[sflag:s12] =	ssyncset.done $0x0  }
0x2c: {  	[sflag:s12] =	ssyncadd.s32 $0xFFFFF000  }
0x2d: {  	[spmem:s2] =	stream.indirect.scatter.add.f32 [tilespmem:s18], [sflag:$0x1], $0x20, s17, s14, $0xb8;
	[tilespmem:$0xC400] =	vst v63  }
0x2e: {  	_ =	swait.ge [sflag:s12], $0x1000  }
0x2f: {  	[sflag:s12] =	ssyncset.done $0x0  }
0x30: {  	s24 =	sadd.s32 $0x40, s10;
	[sflag:s12] =	ssyncadd.s32 $0xFFFFF000  }
0x31: {  	[spmem:s2] =	stream.indirect.scatter.add.f32 [tilespmem:s20], [sflag:$0x1], $0x20, s19, s14, $0xb8;
	[tilespmem:$0xC400] =	vst v63  }
0x32: {  	s22 =	simm.s32 $0x200;
	s23 =	sadd.s32 $0x800, s9;
	_ =	swait.ge [sflag:s12], $0x1000  }
.LBB2_2:
0x33: {  	s25 =	sadd.s32 s22, s6  }
0x34: {  	[sflag:s12] =	ssyncset.done $0x0;
	s26 =	smov.u32 s22;
	s22 =	sadd.s32 $0x200, s22  }
0x35: {  	s28 =	sadd.s32 $0x100, s25;
	p0 =	sne.s32 s22, $0x4800;
	[sflag:s12] =	ssyncadd.s32 $0xFFFFF000  }
0x36: {  	[tilespmem:s13], [sflag:$0x1] =	stream.linear.gather [hbm4b:s24+s3], $0x200, $0x38;
	[tilespmem:$0xC400] =	vst v63  }
0x37: {  	p1 =	slt.u32 s28, $0x41894;
	_ =	swait.ge [sflag:s12], $0x200  }
0x38: {  	s28 =	simm.s32 @p1 $0x0;
	s29 =	simm.s32 @p1 $0x1;
	[sflag:s12] =	ssyncset.done $0x0  }
0x39: {  	p2 =	sgt.u32 @p1 s25, $0x41693;
	s25 =	sadd.s32 @!p1 s26, s6;
	[sflag:s12] =	ssyncadd.s32 $0xFFFFFE00  }
0x3a: {  	[tilespmem:s28], [sflag:$0x1] =	stream.linear.gather @p1 [hbm4b:s23+s28], $0x2000, $0x38;
	[tilespmem:$0xC400] =	vst v63  }
0x3b: {  	p2 =	por p2, !p1;
	s25 =	sadd.s32 @!p1 $0xFFFBE86C, s25;
	_ =	swait.ge @p1 [sflag:s29], $0x2000  }
0x3c: {  	s26 =	sadd.s32 @!p2 $0x400, s23;
	s28 =	simm.s32 @!p2 $0x0;
	[sflag:s29] =	ssyncset.done @p1 $0x0  }
0x3d: {  	s30 =	simm.s32 @!p2 $0x1;
	[sflag:s29] =	ssyncadd.s32 @p1 $0xFFFFE000;
	s29 =	simm.s32 @!p2 $0x2000  }
0x3e: {  	[tilespmem:s29], [sflag:$0x1] =	stream.linear.gather @!p2 [hbm4b:s26+s28], $0x2000, $0x38;
	[tilespmem:$0xC400] =	vst v63  }
0x3f: {  	p3 =	sgt.u32 @!p1 s25, $0xFE;
	_ =	swait.ge @!p2 [sflag:s30], $0x2000  }
0x40: {  	p1 =	por p3, p1;
	[sflag:s30] =	ssyncset.done @!p2 $0x0  }
0x41: {  	s25 =	simm.s32 @!p1 $0x0;
	s26 =	simm.s32 @!p1 $0x1;
	[sflag:s30] =	ssyncadd.s32 @!p2 $0xFFFFE000  }
0x42: {  	[tilespmem:s25], [sflag:$0x1] =	stream.linear.gather @!p1 [hbm4b:s23+s25], $0x1260, $0x38;
	[tilespmem:$0xC400] =	vst v63  }
0x43: {  	_ =	swait.ge @!p1 [sflag:s26], $0x1260  }
0x44: {  	[sflag:s26] =	ssyncset.done @!p1 $0x0  }
0x45: {  	[sflag:s26] =	ssyncadd.s32 @!p1 $0xFFFFEDA0  }
0x46: {  	[spmem:s2] =	stream.indirect.scatter.add.f32 [tilespmem:s3], [sflag:$0x1], $0x20, s13, s14, $0xb8;
	[tilespmem:$0xC400] =	vst v63  }
0x47: {  	_ =	swait.ge [sflag:s12], $0x1000  }
0x48: {  	[sflag:s12] =	ssyncset.done $0x0  }
0x49: {  	[sflag:s12] =	ssyncadd.s32 $0xFFFFF000  }
0x4a: {  	[spmem:s2] =	stream.indirect.scatter.add.f32 [tilespmem:s16], [sflag:$0x1], $0x20, s15, s14, $0xb8;
	[tilespmem:$0xC400] =	vst v63  }
0x4b: {  	_ =	swait.ge [sflag:s12], $0x1000  }
0x4c: {  	[sflag:s12] =	ssyncset.done $0x0  }
0x4d: {  	[sflag:s12] =	ssyncadd.s32 $0xFFFFF000  }
0x4e: {  	[spmem:s2] =	stream.indirect.scatter.add.f32 [tilespmem:s18], [sflag:$0x1], $0x20, s17, s14, $0xb8;
	[tilespmem:$0xC400] =	vst v63  }
.Ltmp0:
0x4f: {  	_ =	swait.ge [sflag:s12], $0x1000;
	(pc) =	sbr.rel @p0 .LBB2_2-.Ltmp0, $4  }
0x50: {  	[sflag:s12] =	ssyncset.done $0x0  }
0x51: {  	[sflag:s12] =	ssyncadd.s32 $0xFFFFF000  }
0x52: {  	[spmem:s2] =	stream.indirect.scatter.add.f32 [tilespmem:s20], [sflag:$0x1], $0x20, s19, s14, $0xb8;
	[tilespmem:$0xC400] =	vst v63  }
0x53: {  	s24 =	sadd.s32 $0x40, s24;
	s23 =	sadd.s32 $0x800, s23;
	_ =	swait.ge [sflag:s12], $0x1000  }
0x54: {  	[sflag:s12] =	ssyncset.done $0x0;
	s21 =	sadd.s32 $0x1, s21  }
0x55: {  	[sflag:s12] =	ssyncadd.s32 $0xFFFFF000;
	p0 =	sne.s32 s21, s8  }
.Ltmp1:
0x56: {  	[bflag:$0x0] =	sbarrier.arrive $0xFFFF;
	(pc) =	sbr.rel @p0 .LBB2_1-.Ltmp1, $4  }
0x57: {  	[hbm:s7], [sflag:s5] =	dma.local [spmem:s11], $0x1040  }
0x58: {  	_ =	swait.ge [sflag:s12], $0x1040  }
0x59: {  	[sflag:s12] =	ssyncset.done $0x0  }
0x5a: {  	[sflag:s12] =	ssyncadd.s32 $0xFFFFEFC0  }
0x5b: {  	_ =	sfence.sel $0x180000  }
0x5c: {  	[bflag:$0x0] =	sbarrier.arrive $0xFFFF  }
0x5d: {  	p0 =	sne.s32 s0, $0x0;
	_ =	strace $0x90000047  }
0x5e: {  	s0 =	sadd.s32 @!p0 $0x100000, s1;
	[bflag:$0x2] =	sbarrier.arrive $0xFFFF  }
0x5f: {  	[sflag:s0] =	ssyncadd.tile.s32 @!p0 $0x1;
	_ =	shalt  }
.Lfunc_end2:
_tile_overlayer_lowered:
.L_overlay_start_2:
0x60: {  	(tag) =	ssettag $0x2  }
0x61: {  	s0 =	rddreg [dreg:$0x0];
	s2 =	stileid.u32  }
0x62: {  	s1 =	rddreg [dreg:$0x1];
	p0 =	sne.s32 s2, $0x0  }
0x63: {  	s3 =	rddreg [dreg:$0x2];
	[bflag:$0x3] =	sbarrier.arrive $0xFFFF;
	s2 =	simm.s32 @!p0 $0x1C01  }
0x64: {  	[timem:s3], [sflag:s2] =	dma.local @!p0 [hbm:s0], s1  }
0x65: {  	s0 =	simm.s32 @!p0 $0x1  }
0x66: {  	_ =	swait.ge @!p0 [sflag:s0], s1  }
0x67: {  	s1 =	ssub.s32 @!p0 $0x0, s1;
	[sflag:s0] =	ssyncset.done @!p0 $0x0  }
0x68: {  	[sflag:s0] =	ssyncadd.s32 @!p0 s1  }
0x69: {  	[bflag:$0x3] =	sbarrier.arrive $0xFFFF  }
0x6a: {  	_ =	shalt  }

// kernel: sparse-core-data-format-call.cloned.1.call-start
scs
called_computation_lowered:
.L_overlay_start_0:
0x0: {  	s2 =	sld [smem:$0x3FD9]  }
0x1: {  	s3 =	sld [smem:$0x3FFE];
	_ =	sdelay $0x1  }
0x2: {  	s1 =	srdreg.scid  }
0x3: {  	s0 =	sand.u32 $0x1, s1  }
0x4: {  	s18 =	sshll.u32 s0, $0xA;
	s2 =	sadd.s32 s3, s2  }
0x5: {  	s2 =	sadd.s32 s2, s18  }
0x6: {  	[smem:$0x3FC2] =	sst s2  }
0x7: {  	_ = 	snop  }
0x8: {  	s2 =	sld [smem:$0x3FD0];
	(tm) =	ssettm $0x1  }
0x9: {  	s19 =	sld [smem:$0x3FFB];
	_ =	sdelay $0x3  }
0xa: {  	_ =	strace s19  }
0xb: {  	s3 =	sld [smem:$0x3FFC];
	_ =	sdelay $0x3  }
0xc: {  	_ =	strace s3  }
0xd: {  	s3 =	sld [smem:$0x3FFD];
	_ =	sdelay $0x3  }
0xe: {  	_ =	strace s3  }
0xf: {  	_ =	strace $0x8FFFFFFF  }
0x10: {  	s20 =	sld [smem:$0x3FDB];
	_ =	sdelay $0x1  }
0x11: {  	s4 =	simm.s32 $_scs_section_size  }
0x12: {  	s5 =	simm.s32 $_size__tile_overlayer_lowered;
	s6 =	simm.s32 $_tile_overlayer_lowered  }
0x13: {  	s23 =	simm.s32 $0x1BFF;
	s22 =	sshll.u32 s6, $0x1;
	s3 =	sadd.s32 s4, s20  }
0x14: {  	s7 =	simm.s32 $0x0;
	s21 =	sshll.u32 s5, $0x1;
	s5 =	sadd.s32 s22, s3  }
0x15: {  	[timem:s7], [sflag:s23] =	dma.local [hbm:s5], s21  }
0x16: {  	_ =	swait.ge [sflag:s23], s21  }
0x17: {  	s4 =	ssub.s32 $0x0, s21;
	[sflag:s23] =	ssyncset.done $0x0  }
0x18: {  	[sflag:s23] =	ssyncadd.s32 s4;
	_ =	sdelay $0x1  }
0x19: {  	s24 =	simm.s32 $0x1B8B  }
0x1a: {  	_ =	swait.ge [sflag:s24], $0x1  }
0x1b: {  	[sflag:s24] =	ssyncset.done $0x0  }
0x1c: {  	s26 =	simm.s32 $0x1B8E;
	s25 =	sld [smem:$0x3FFE];
	[sflag:s24] =	ssyncadd.s32 $0xFFFFFFFF  }
0x1d: {  	s27 =	simm.s32 $execute0_lowered;
	[smem:$0x3FD2] =	sst s26  }
0x1e: {  	s5 =	sshll.u32 s27, $0x1;
	_ =	strace $0x8000004F;
	[dreg:$0x1] =	wrdreg $0xFFFFFFFF  }
0x1f: {  	s28 =	simm.s32 $_size_execute0_lowered;
	s3 =	sadd.s32 s3, s5;
	[dreg:$0x0] =	wrdreg $0x0  }
0x20: {  	s5 =	sshll.u32 s28, $0x1;
	[dreg:$0x2] =	wrdreg s3  }
0x21: {  	[dreg:$0x3] =	wrdreg s5  }
0x22: {  	[dreg:$0x4] =	wrdreg $0xC0  }
0x23: {  	_ =	task [dreg:s7], $0x5FFFF  }
0x24: {  	[dreg:$0x1] =	wrdreg $0xFFFFFFFF  }
0x25: {  	[dreg:$0x0] =	wrdreg $0x60  }
0x26: {  	[dreg:$0x2] =	wrdreg s25  }
0x27: {  	[dreg:$0x3] =	wrdreg s2  }
0x28: {  	[dreg:$0x4] =	wrdreg $0x9  }
0x29: {  	_ =	task.clear_ibuf [dreg:s7], $0x5FFFF;
	_ =	strace $0x9000004F  }
0x2a: {  	s29 =	simm.s32 $0x9;
	_ =	strace $0x80000051  }
0x2b: {  	_ =	swait.ge [sflag:s29], $0x1  }
0x2c: {  	[sflag:s29] =	ssyncadd.s32 $0xFFFFFFFF  }
0x2d: {  	_ =	strace $0x90000051  }
0x2e: {  	_ =	sfence  }
0x2f: {  	s30 =	sld [smem:$0x0];
	_ =	sdelay $0x2  }
0x30: {  	s31 =	sshll.u32 s1, $0xD;
	s1 =	sshrl.u32 s1, $0x2  }
0x31: {  	s3 =	sand.u32 $0x4000, s31;
	s1 =	sadd.s32 s1, s30  }
0x32: {  	s0 =	sor.u32 s3, s0;
	s1 =	sshll.u32 s1, $0x11  }
0x33: {  	s0 =	sor.u32 s1, s0  }
0x34: {  	s0 =	sadd.s32 $0x8F2B, s0  }
0x35: {  	[sflag:s0] =	ssyncadd.remote.s32 $0x1  }
0x36: {  	_ =	sfence.sel $0xFFFF  }
0x37: {  	[dreg:$0x0] =	wrdreg $0xFFFFFFFF;
	(pc) =	sbr.abs _section_cstart, $3  }
0x38: {  	[dreg:$0x1] =	wrdreg $0xFFFFFFFF  }
0x39: {  	_ =	task.clear_ibuf [dreg:s7], $0x2FFFF;
	_ =	strace $0x9FFFFFFF  }
0x3a: {  	(tm) =	ssettm $0x7FFFFFFF  }
0x3b: {  	_ =	shalt  }
tec
execute0_lowered:
.L_overlay_start_1:
0x0: {  	(tag) =	ssettag $0x1  }
0x1: {  	s4 =	rddreg [dreg:$0x0]  }
0x2: {  	s0 =	srdreg.scid;
	s2 =	rddreg [dreg:$0x1]  }
0x3: {  	s1 =	stileid.u32;
	s5 =	simm.s32 $0x1;
	s0 =	sshll.u32 s0, $0x4  }
0x4: {  	s7 =	simm.s32 $0x2;
	s11 =	simm.s32 $0x0;
	s3 =	sand.u32 $0x10, s0  }
.Ltmp0:
0x5: {  	p0 =	por $0x0, $0x0;
	s3 =	sor.u32 s1, s3;
	(pc) =	sbr.rel .LBB1_1-.Ltmp0, $4  }
0x6: {  	s8 =	simm.s32 $0x20C800;
	s10 =	simm.s32 $0x0;
	s3 =	sshll.u32 s3, $0x7  }
0x7: {  	s0 =	rddreg [dreg:$0x2];
	_ =	strace $0x80000050;
	s6 =	ssub.s32 $0x41880, s3  }
0x8: {  	s4 =	sadd.s32 $0x13A000, s4;
	[sflag:s5] =	ssyncpa.u1 $0x0;
	s6 =	sshrl.u32 s6, $0xC  }
0x9: {  	[sflag:s7] =	ssyncpa.u1 $0x0;
	s9 =	smov.u32 s3;
	s7 =	sor.u32 $0x2, s6  }
.LBB1_5:
0xa: {  	s13 =	sadd.s32 $0x1000, s9  }
0xb: {  	p2 =	sgt.s32 s13, $0x41892  }
0xc: {  	s13 =	smov.u32 @p2 s3;
	p2 =	sne.s32 s10, s7  }
.Ltmp1:
0xd: {  	p1 =	slt.u32 s10, $0x2;
	(pc) =	sbr.rel @!p2 .LBB1_6-.Ltmp1, $4  }
0xe: {  	s12 =	simm.s32 @!p1 $0x2  }
0xf: {  	s14 =	sadd.s32 $0x1, s10;
	_ =	swait.ge @!p1 [sflag:s12], $0x1000  }
0x10: {  	s11 =	smov.u32 s9;
	p0 =	por !p0, !p0;
	[sflag:s12] =	ssyncset.done @!p1 $0x0  }
0x11: {  	s10 =	smov.u32 s14;
	s9 =	smov.u32 s13;
	[sflag:s12] =	ssyncadd.s32 @!p1 $0xFFFFF000  }
.LBB1_1:
0x12: {  	p1 =	sgt.u32 s10, s6  }
0x13: {  	s13 =	smov.u32 s9;
	p2 =	sgt.s32 @!p1 s9, $0x41818  }
0x14: {  	s12 =	sand.u32 @!p1 $0x1FFFFFF, s9;
	s14 =	sshra.s32 @!p1 s9, $0x1F;
	p2 =	por !p2, p1  }
0x15: {  	s15 =	smulhi.u32 @!p1 $0xF9FEEB, s12;
	s14 =	sand.u32 @!p1 s14, s9;
	s13 =	simm.s32 @p2 $0x41818  }
0x16: {  	s13 =	ssub.s32 @!p1 s13, s14  }
0x17: {  	s14 =	sshrl.u32 @!p1 s15, $0xA;
	s13 =	sadd.s32 @!p1 $0xFFFBE7E8, s13  }
0x18: {  	s15 =	sxor.u32 @!p1 $0xFFFFFFFF, s10;
	s14 =	smul.u32 @!p1 $0x41898, s14;
	s16 =	sshll.u32 @!p1 s13, $0x7  }
0x19: {  	s15 =	sshll.u32 @!p1 s15, $0xC;
	p2 =	sgt.s32 @!p1 s13, $0x7F;
	s13 =	ssub.s32 @!p1 $0x4000, s16  }
0x1a: {  	s12 =	ssub.s32 @!p1 s12, s14;
	p2 =	por !p2, p1;
	s14 =	sand.u32 @!p1 $0x1000, s15  }
0x1b: {  	s15 =	simm.s32 @!p1 $0x20;
	s13 =	sshrl.u32 @!p1 s13, $0x2;
	s12 =	sshll.u32 @!p1 s12, $0x4  }
0x1c: {  	s16 =	simm.s32 @!p1 $0x80;
	s13 =	simm.s32 @!p2 $0x0;
	s12 =	sadd.s32 @!p1 s4, s12  }
0x1d: {  	[tilespmem:s14], [sflag:$0x1] =	stream.strided.gather @!p1 [hbm4b:s12+s15], s13, s16, s15, $0x38;
	[tilespmem:$0x4040] =	vst v63  }
0x1e: {  	p1 =	seq.s32 s10, $0x0  }
0x1f: {  	p2 =	sge.u32 @!p1 s10, s7  }
0x20: {  	p1 =	por p1, p2  }
.Ltmp2:
0x21: {  	_ = 	snop;
	(pc) =	sbr.rel @p1 .LBB1_5-.Ltmp2, $1  }
0x22: {  	_ =	sdelay $0x3  }
0x23: {  	p1 =	sgt.s32 s11, $0x41818;
	s12 =	smov.u32 s11;
	s13 =	sshra.s32 s11, $0x1F  }
0x24: {  	s12 =	simm.s32 @!p1 $0x41818;
	s13 =	sand.u32 s13, s11  }
0x25: {  	s12 =	ssub.s32 s12, s13  }
0x26: {  	s12 =	sadd.s32 $0xFFFBE7E8, s12  }
0x27: {  	s28 =	sshll.u32 s12, $0x7  }
0x28: {  	s13 =	ssub.s32 $0x4000, s28  }
0x29: {  	p1 =	sgt.s32 s12, $0x7F;
	s12 =	sshrl.u32 s13, $0x2  }
0x2a: {  	s13 =	simm.s32 $0x1;
	s12 =	simm.s32 @p1 $0x0  }
0x2b: {  	s13 =	simm.s32 @!p0 $0x0;
	_ =	swait.ge [sflag:s5], s12  }
0x2c: {  	s14 =	sshll.u32 s13, $0xC;
	s12 =	ssub.s32 $0x0, s12;
	[sflag:s5] =	ssyncset.done $0x0  }
0x2d: {  	s16 =	sor.u32 $0x10, s14;
	[sflag:s5] =	ssyncadd.s32 s12  }
0x2e: {  	s29 =	smul.u32 $0x4080, s13;
	v1 =	vld [tilespmem:s16+$0x0]  }
0x2f: {  	s30 =	sand.u32 $0x1, s10;
	v0 =	vld [tilespmem:s16+$0xFFFFFFF0]  }
0x30: {  	s13 =	smul.u32 $0x4080, s30;
	s12 =	sshrl.u32 s29, $0x2  }
0x31: {  	s14 =	sor.u32 $0x2000, s12  }
0x32: {  	s31 =	sshrl.u32 s13, $0x2;
	s13 =	sadd.s32 $0x0, s14  }
0x33: {  	s15 =	simm.s32 $0x4;
	s12 =	sor.u32 $0x2000, s31;
	s16 =	sadd.s32 $0x20, s16;
	[tilespmem:s13+$0x810 ss:$0x81] =	vst.msk $0xffff, v1  }
.LBB1_3:
0x34: {  	v1 =	vld [tilespmem:s16+$0x0];
	p1 =	sne.s32 s15, $0x1FC;
	[tilespmem:s13+$0x0 ss:$0x81] =	vst.msk $0xffff, v0;
	s13 =	smov.u32 s15;
	s15 =	sadd.s32 $0x4, s15  }
.Ltmp3:
0x35: {  	v0 =	vld [tilespmem:s16+$0xFFFFFFF0];
	(pc) =	sbr.rel @p1 .LBB1_3-.Ltmp3, $4  }
0x36: {  	_ = 	snop  }
0x37: {  	s13 =	sshra.s32 s13, $0x2  }
0x38: {  	s13 =	sadd.s32 s13, s14  }
0x39: {  	s16 =	sadd.s32 $0x20, s16;
	[tilespmem:s13+$0x810 ss:$0x81] =	vst.msk $0xffff, v1  }
0x3a: {  	s14 =	sshll.u32 s11, $0x3  }
0x3b: {  	s30 =	sand.u32 $0x7F, s11;
	s14 =	sand.u32 $0xFFFFFC00, s14  }
0x3c: {  	s11 =	sor.u32 s30, s14  }
0x3d: {  	s15 =	smulhi.u32 $0x7CF310D7, s11;
	_ =	sdelay $0x1  }
0x3e: {  	s14 =	smulhi.u32 $0x7CF310D7, s14;
	s15 =	sshrl.u32 s15, $0x11  }
0x3f: {  	s15 =	smul.u32 $0x41900, s15  }
0x40: {  	s14 =	sshrl.u32 s14, $0x11  }
.Ltmp4:
0x41: {  	s14 =	sand.u32 $0x1F, s14;
	s11 =	ssub.s32 s11, s15;
	(pc) =	sbr.rel .LBB1_5-.Ltmp4, $4  }
0x42: {  	s14 =	smul.u32 $0x8320, s14;
	s15 =	sshrl.u32 s11, $0x3;
	s11 =	sand.u32 $0x7, s11  }
0x43: {  	s15 =	sadd.s32 s2, s15;
	s11 =	sshll.u32 s11, $0x12  }
0x44: {  	[tilespmem:s13+$0x0 ss:$0x81] =	vst.msk $0xffff, v0;
	s31 =	sadd.s32 s14, s15;
	s11 =	sor.u32 $0x400, s11  }
0x45: {  	[hbm4b:s31+s11] =	stream.strided.scatter [tilespmem:s12], [sflag:$0x2], $0x1000, s8, s11, $0x20;
	[tilespmem:$0x4040] =	vst v63  }
.LBB1_6:
0x46: {  	_ =	sfence.sel $0x180000  }
0x47: {  	s2 =	simm.s32 $0x1;
	[bflag:$0x0] =	sbarrier.arrive $0xFFFF  }
0x48: {  	s31 =	simm.s32 $0x2;
	[sflag:s2] =	ssyncpa.u1 $0x1  }
0x49: {  	[sflag:s31] =	ssyncpa.u1 $0x1  }
0x4a: {  	p0 =	sne.s32 s1, $0x0;
	_ =	strace $0x90000050  }
0x4b: {  	s0 =	sadd.s32 @!p0 $0x100000, s0;
	[bflag:$0x2] =	sbarrier.arrive $0xFFFF  }
0x4c: {  	[sflag:s0] =	ssyncadd.tile.s32 @!p0 $0x1;
	_ =	shalt  }
.Lfunc_end1:
_tile_overlayer_lowered:
.L_overlay_start_2:
0x4d: {  	(tag) =	ssettag $0x2  }
0x4e: {  	s0 =	rddreg [dreg:$0x0];
	s2 =	stileid.u32  }
0x4f: {  	s1 =	rddreg [dreg:$0x1];
	p0 =	sne.s32 s2, $0x0  }
0x50: {  	s3 =	rddreg [dreg:$0x2];
	[bflag:$0x3] =	sbarrier.arrive $0xFFFF;
	s2 =	simm.s32 @!p0 $0x1C01  }
0x51: {  	[timem:s3], [sflag:s2] =	dma.local @!p0 [hbm:s0], s1  }
0x52: {  	s0 =	simm.s32 @!p0 $0x1  }
0x53: {  	_ =	swait.ge @!p0 [sflag:s0], s1  }
0x54: {  	s1 =	ssub.s32 @!p0 $0x0, s1;
	[sflag:s0] =	ssyncset.done @!p0 $0x0  }
0x55: {  	[sflag:s0] =	ssyncadd.s32 @!p0 s1  }
0x56: {  	[bflag:$0x3] =	sbarrier.arrive $0xFFFF  }
0x57: {  	_ =	shalt  }

</sc_bundles>
